<compile_context>
chip_gen: v7x
topology: tpu7x:2x2x1
jax: 0.10.2.dev20260603
libtpu: 0.0.44.dev20260713+nightly
codegen_flags: <defaults>
</compile_context>

<pallas_src>
import functools

import jax
import jax.numpy as jnp
from jax import lax
from jax.experimental import pallas as pl
from jax.experimental.pallas import tpu as pltpu
from jax.experimental.pallas import tpu_sc as plsc

B = 16384
NC = 2
NS = 16
NW = NC * NS
CHUNK = B // NW
NJ = CHUNK // 128
L = 16

_mesh = plsc.VectorSubcoreMesh(core_axis_name="c", subcore_axis_name="s")


@functools.partial(
    pl.kernel,
    mesh=_mesh,
    out_type=jax.ShapeDtypeStruct((NW, NJ, 128), jnp.float32),
    scratch_types=[
        pltpu.VMEM((NJ, 128), jnp.int32),
        pltpu.VMEM((NJ, 128), jnp.int32),
        pltpu.VMEM((NJ, 128), jnp.int32),
        pltpu.VMEM((NJ, 128), jnp.float32),
        pltpu.VMEM((NJ, 128), jnp.float32),
        pltpu.VMEM((NJ, 128), jnp.float32),
        pltpu.VMEM((NJ, 128), jnp.float32),
        pltpu.VMEM((NJ, 128), jnp.float32),
        pltpu.VMEM((NJ, 128), jnp.float32),
        pltpu.VMEM((L,), jnp.float32),
        pltpu.SemaphoreType.DMA,
        pltpu.SemaphoreType.DMA,
        pltpu.SemaphoreType.DMA,
        pltpu.SemaphoreType.DMA,
    ],
)
def _fol_sc(uid_hbm, iid_hbm, cid_hbm, ut_hbm, it_hbm, gt_hbm, tt_hbm,
            ct_hbm, b_hbm, out_hbm,
            uidx, iidx, cidx, ubuf, ibuf, gbuf, tbuf, cbuf, obuf,
            bias_v, sem, sem_u, sem_i, sem_c):
    wid = lax.axis_index("s") * NC + lax.axis_index("c")

    hu = pltpu.async_copy(uid_hbm.at[wid], uidx, sem_u)
    hi = pltpu.async_copy(iid_hbm.at[wid], iidx, sem_i)
    hc = pltpu.async_copy(cid_hbm.at[wid], cidx, sem_c)
    hb = pltpu.async_copy(b_hbm, bias_v.at[pl.ds(0, 1)], sem)

    handles = [hb]
    hu.wait()
    for j in range(NJ):
        handles.append(pltpu.async_copy(ut_hbm.at[0].at[uidx.at[j]], ubuf.at[j], sem))
    hi.wait()
    for j in range(NJ):
        handles.append(pltpu.async_copy(it_hbm.at[0].at[iidx.at[j]], ibuf.at[j], sem))
        handles.append(pltpu.async_copy(gt_hbm.at[0].at[iidx.at[j]], gbuf.at[j], sem))
        handles.append(pltpu.async_copy(tt_hbm.at[0].at[iidx.at[j]], tbuf.at[j], sem))
    hc.wait()
    for j in range(NJ):
        handles.append(pltpu.async_copy(ct_hbm.at[0].at[cidx.at[j]], cbuf.at[j], sem))
    for h in handles:
        h.wait()

    bias = bias_v[...][0]
    for j in range(NJ):
        for v in range(0, 128, L):
            s = pl.ds(v, L)
            obuf[j, s] = (ubuf[j, s] + ibuf[j, s] + gbuf[j, s]
                          + tbuf[j, s] + cbuf[j, s] + bias)

    pltpu.sync_copy(obuf, out_hbm.at[wid])


def kernel(user_ids, item_ids, class_ids, user_table, item_table,
           image_table, text_table, class_table, bias):
    uid = user_ids.astype(jnp.int32).reshape(NW, NJ, 128)
    iid = item_ids.astype(jnp.int32).reshape(NW, NJ, 128)
    cid = class_ids.astype(jnp.int32).reshape(NW, NJ, 128)
    out = _fol_sc(uid, iid, cid,
                  user_table.reshape(1, -1), item_table.reshape(1, -1),
                  image_table.reshape(1, -1), text_table.reshape(1, -1),
                  class_table.reshape(1, -1), bias)
    return out.reshape(B, 1)

# --- scband reference (transcript-rebuilt; emitter-appended) ---
"""Pipeline reference for scband-first-order-linear-34093450396283 (READ-ONLY COPY).

The authoritative reference and input builder live on the scoring server;
editing this copy changes nothing except your own understanding.
"""

import jax, jax.numpy as jnp
import numpy as np

B = 16384
NUM_USERS = 1000000
MAX_ITEM = 1000000
CLASS_NUM = 1000

def _xavier_normal(key, shape):
    fan_in, fan_out = shape[0], shape[1]
    std = float(np.sqrt(2.0 / (fan_in + fan_out)))
    return jax.random.normal(key, shape, dtype=jnp.float32) * std

def setup_inputs(seed: int = 0) -> dict:
    key = jax.random.key(seed)
    ks = jax.random.split(key, 8)
    user_ids = jax.random.randint(ks[0], (B,), 0, NUM_USERS)
    item_ids = jax.random.randint(ks[1], (B,), 0, MAX_ITEM)
    class_ids = jax.random.randint(ks[2], (B,), 0, CLASS_NUM)
    user_table = _xavier_normal(ks[3], (NUM_USERS, 1))
    item_table = _xavier_normal(ks[4], (MAX_ITEM, 1))
    image_table = _xavier_normal(ks[5], (MAX_ITEM, 1))
    text_table = _xavier_normal(ks[6], (MAX_ITEM, 1))
    class_table = _xavier_normal(ks[7], (CLASS_NUM, 1))
    bias = jnp.zeros((1,), dtype=jnp.float32)
    return {
        "user_ids": user_ids,
        "item_ids": item_ids,
        "class_ids": class_ids,
        "user_table": user_table,
        "item_table": item_table,
        "image_table": image_table,
        "text_table": text_table,
        "class_table": class_table,
        "bias": bias,
    }

def reference(user_ids, item_ids, class_ids, user_table, item_table, image_table, text_table, class_table, bias):
    # pretraining == 'True' path
    uer_emb_fm = jnp.take(user_table, user_ids, axis=0)          # [B, 1]
    id_emb_fm = jnp.take(item_table, item_ids, axis=0)           # [B, 1]
    image_emb_fm = jnp.take(image_table, item_ids, axis=0)       # [B, 1]
    text_emb_fm = jnp.take(text_table, item_ids, axis=0)         # [B, 1]
    id_emb_fm = image_emb_fm + id_emb_fm + text_emb_fm
    class_emb_fm = jnp.take(class_table, class_ids, axis=0)      # [B, 1]
    token_embedding = jnp.concatenate((uer_emb_fm, id_emb_fm, class_emb_fm), axis=1)  # [B, 3]
    token_embedding = jnp.sum(token_embedding, axis=1, keepdims=True)                 # [B, 1]
    return token_embedding + bias

if __name__ == "__main__":
    import jax
    _d = setup_inputs()
    print(jax.jit(kernel)(*tuple(_d.values())))

</pallas_src>

<mosaic_0001>
#map = affine_map<(d0, d1) -> (0, 0, 0)>
#map1 = affine_map<(d0, d1) -> (0, 0)>
#map2 = affine_map<(d0, d1) -> (0)>
module attributes {stable_mosaic.version = 14 : i64} {
  func.func @_fol_sc(%arg0: i32, %arg1: i32, %arg2: memref<32x4x128xi32, #tpu.memory_space<hbm>>, %arg3: memref<32x4x128xi32, #tpu.memory_space<hbm>>, %arg4: memref<32x4x128xi32, #tpu.memory_space<hbm>>, %arg5: memref<1x1000000xf32, #tpu.memory_space<hbm>>, %arg6: memref<1x1000000xf32, #tpu.memory_space<hbm>>, %arg7: memref<1x1000000xf32, #tpu.memory_space<hbm>>, %arg8: memref<1x1000000xf32, #tpu.memory_space<hbm>>, %arg9: memref<1x1000xf32, #tpu.memory_space<hbm>>, %arg10: memref<1xf32, #tpu.memory_space<hbm>>, %arg11: memref<32x4x128xf32, #tpu.memory_space<hbm>>, %arg12: memref<4x128xi32, #tpu.memory_space<vmem>>, %arg13: memref<4x128xi32, #tpu.memory_space<vmem>>, %arg14: memref<4x128xi32, #tpu.memory_space<vmem>>, %arg15: memref<4x128xf32, #tpu.memory_space<vmem>>, %arg16: memref<4x128xf32, #tpu.memory_space<vmem>>, %arg17: memref<4x128xf32, #tpu.memory_space<vmem>>, %arg18: memref<4x128xf32, #tpu.memory_space<vmem>>, %arg19: memref<4x128xf32, #tpu.memory_space<vmem>>, %arg20: memref<4x128xf32, #tpu.memory_space<vmem>>, %arg21: memref<16xf32, #tpu.memory_space<vmem>>, %arg22: memref<!tpu.dma_semaphore, #tpu.memory_space<semaphore_mem>>, %arg23: memref<!tpu.dma_semaphore, #tpu.memory_space<semaphore_mem>>, %arg24: memref<!tpu.dma_semaphore, #tpu.memory_space<semaphore_mem>>, %arg25: memref<!tpu.dma_semaphore, #tpu.memory_space<semaphore_mem>>) attributes {dimension_semantics = [#tpu.dimension_semantics<core_parallel>, #tpu.dimension_semantics<subcore_parallel>], iteration_bounds = array<i64: 2, 16>, scalar_prefetch = 0 : i64, scratch_operands = 14 : i64, tpu.core_type = #tpu.core_type<sc_vector_subcore>, window_params = [{transform_indices = #map}, {transform_indices = #map}, {transform_indices = #map}, {transform_indices = #map1}, {transform_indices = #map1}, {transform_indices = #map1}, {transform_indices = #map1}, {transform_indices = #map1}, {transform_indices = #map2}, {transform_indices = #map}]} {
    %mul3A = arith.constant 2 : i32
    %mul3A_0 = arith.muli %arg1, %mul3A : i32
    %add3A = arith.addi %mul3A_0, %arg0 : i32
    %dma_start3A = arith.constant 0 : i32
    %dma_start3A_1 = arith.constant 0 : i32
    %dma_start3A_2 = tpu.memref_slice %arg2[%add3A, %dma_start3A, %dma_start3A_1] : memref<32x4x128xi32, #tpu.memory_space<hbm>> -> memref<1x4x128xi32, #tpu.memory_space<hbm>>
    %dma_start3A_3 = tpu.memref_squeeze %dma_start3A_2 : memref<1x4x128xi32, #tpu.memory_space<hbm>> -> memref<4x128xi32, #tpu.memory_space<hbm>>
    %dma_start3A_4 = arith.constant 0 : i32
    %dma_start3A_5 = arith.constant 0 : i32
    %dma_start3A_6 = tpu.memref_slice %arg2[%add3A, %dma_start3A_4, %dma_start3A_5] : memref<32x4x128xi32, #tpu.memory_space<hbm>> -> memref<1x4x128xi32, #tpu.memory_space<hbm>>
    %dma_start3A_7 = tpu.memref_squeeze %dma_start3A_6 : memref<1x4x128xi32, #tpu.memory_space<hbm>> -> memref<4x128xi32, #tpu.memory_space<hbm>>
    tpu.enqueue_dma source(%dma_start3A_7 : memref<4x128xi32, #tpu.memory_space<hbm>>) target(%arg12 : memref<4x128xi32, #tpu.memory_space<vmem>>) target_semaphore(%arg23 : memref<!tpu.dma_semaphore, #tpu.memory_space<semaphore_mem>>)
    %dma_start3A_8 = arith.constant 0 : i32
    %dma_start3A_9 = arith.constant 0 : i32
    %dma_start3A_10 = tpu.memref_slice %arg3[%add3A, %dma_start3A_8, %dma_start3A_9] : memref<32x4x128xi32, #tpu.memory_space<hbm>> -> memref<1x4x128xi32, #tpu.memory_space<hbm>>
    %dma_start3A_11 = tpu.memref_squeeze %dma_start3A_10 : memref<1x4x128xi32, #tpu.memory_space<hbm>> -> memref<4x128xi32, #tpu.memory_space<hbm>>
    %dma_start3A_12 = arith.constant 0 : i32
    %dma_start3A_13 = arith.constant 0 : i32
    %dma_start3A_14 = tpu.memref_slice %arg3[%add3A, %dma_start3A_12, %dma_start3A_13] : memref<32x4x128xi32, #tpu.memory_space<hbm>> -> memref<1x4x128xi32, #tpu.memory_space<hbm>>
    %dma_start3A_15 = tpu.memref_squeeze %dma_start3A_14 : memref<1x4x128xi32, #tpu.memory_space<hbm>> -> memref<4x128xi32, #tpu.memory_space<hbm>>
    tpu.enqueue_dma source(%dma_start3A_15 : memref<4x128xi32, #tpu.memory_space<hbm>>) target(%arg13 : memref<4x128xi32, #tpu.memory_space<vmem>>) target_semaphore(%arg24 : memref<!tpu.dma_semaphore, #tpu.memory_space<semaphore_mem>>)
    %dma_start3A_16 = arith.constant 0 : i32
    %dma_start3A_17 = arith.constant 0 : i32
    %dma_start3A_18 = tpu.memref_slice %arg4[%add3A, %dma_start3A_16, %dma_start3A_17] : memref<32x4x128xi32, #tpu.memory_space<hbm>> -> memref<1x4x128xi32, #tpu.memory_space<hbm>>
    %dma_start3A_19 = tpu.memref_squeeze %dma_start3A_18 : memref<1x4x128xi32, #tpu.memory_space<hbm>> -> memref<4x128xi32, #tpu.memory_space<hbm>>
    %dma_start3A_20 = arith.constant 0 : i32
    %dma_start3A_21 = arith.constant 0 : i32
    %dma_start3A_22 = tpu.memref_slice %arg4[%add3A, %dma_start3A_20, %dma_start3A_21] : memref<32x4x128xi32, #tpu.memory_space<hbm>> -> memref<1x4x128xi32, #tpu.memory_space<hbm>>
    %dma_start3A_23 = tpu.memref_squeeze %dma_start3A_22 : memref<1x4x128xi32, #tpu.memory_space<hbm>> -> memref<4x128xi32, #tpu.memory_space<hbm>>
    tpu.enqueue_dma source(%dma_start3A_23 : memref<4x128xi32, #tpu.memory_space<hbm>>) target(%arg14 : memref<4x128xi32, #tpu.memory_space<vmem>>) target_semaphore(%arg25 : memref<!tpu.dma_semaphore, #tpu.memory_space<semaphore_mem>>)
    %dma_start3A_24 = arith.constant 0 : i32
    %dma_start3A_25 = tpu.memref_slice %arg21[%dma_start3A_24] : memref<16xf32, #tpu.memory_space<vmem>> -> memref<1xf32, #tpu.memory_space<vmem>>
    %dma_start3A_26 = arith.constant 0 : i32
    %dma_start3A_27 = tpu.memref_slice %arg21[%dma_start3A_26] : memref<16xf32, #tpu.memory_space<vmem>> -> memref<1xf32, #tpu.memory_space<vmem>>
    tpu.enqueue_dma source(%arg10 : memref<1xf32, #tpu.memory_space<hbm>>) target(%dma_start3A_27 : memref<1xf32, #tpu.memory_space<vmem>>) target_semaphore(%arg22 : memref<!tpu.dma_semaphore, #tpu.memory_space<semaphore_mem>>)
    %dma_wait3A = arith.constant 0 : i32
    %dma_wait3A_28 = arith.constant 0 : i32
    %dma_wait3A_29 = tpu.memref_slice %arg2[%add3A, %dma_wait3A, %dma_wait3A_28] : memref<32x4x128xi32, #tpu.memory_space<hbm>> -> memref<1x4x128xi32, #tpu.memory_space<hbm>>
    %dma_wait3A_30 = tpu.memref_squeeze %dma_wait3A_29 : memref<1x4x128xi32, #tpu.memory_space<hbm>> -> memref<4x128xi32, #tpu.memory_space<hbm>>
    %dma_wait3A_31 = arith.constant 0 : i32
    %dma_wait3A_32 = arith.constant 0 : i32
    %dma_wait3A_33 = tpu.memref_slice %arg2[%add3A, %dma_wait3A_31, %dma_wait3A_32] : memref<32x4x128xi32, #tpu.memory_space<hbm>> -> memref<1x4x128xi32, #tpu.memory_space<hbm>>
    %dma_wait3A_34 = tpu.memref_squeeze %dma_wait3A_33 : memref<1x4x128xi32, #tpu.memory_space<hbm>> -> memref<4x128xi32, #tpu.memory_space<hbm>>
    tpu.wait_dma2 semaphore(%arg23 : memref<!tpu.dma_semaphore, #tpu.memory_space<semaphore_mem>>) src(%dma_wait3A_34 : memref<4x128xi32, #tpu.memory_space<hbm>>) dst(%arg12 : memref<4x128xi32, #tpu.memory_space<vmem>>)
    %dma_start3A_35 = arith.constant 0 : i32
    %dma_start3A_36 = arith.constant 0 : i32
    %dma_start3A_37 = arith.constant 0 : i32
    %dma_start3A_38 = arith.constant 0 : i32
    %dma_start3A_39 = tpu.memref_slice %arg15[%dma_start3A_37, %dma_start3A_38] : memref<4x128xf32, #tpu.memory_space<vmem>> -> memref<1x128xf32, #tpu.memory_space<vmem>>
    %dma_start3A_40 = tpu.memref_squeeze %dma_start3A_39 : memref<1x128xf32, #tpu.memory_space<vmem>> -> memref<128xf32, #tpu.memory_space<vmem>>
    %dma_start3A_41 = arith.constant 0 : i32
    %dma_start3A_42 = tpu.memref_slice %arg12[%dma_start3A_36, %dma_start3A_41] : memref<4x128xi32, #tpu.memory_space<vmem>> -> memref<1x128xi32, #tpu.memory_space<vmem>>
    %dma_start3A_43 = tpu.memref_squeeze %dma_start3A_42 : memref<1x128xi32, #tpu.memory_space<vmem>> -> memref<128xi32, #tpu.memory_space<vmem>>
    %dma_start3A_44 = arith.constant 0 : i32
    %dma_start3A_45 = tpu.memref_slice %arg5[%dma_start3A_35, %dma_start3A_44] : memref<1x1000000xf32, #tpu.memory_space<hbm>> -> memref<1x1000000xf32, #tpu.memory_space<hbm>>
    %dma_start3A_46 = tpu.memref_squeeze %dma_start3A_45 : memref<1x1000000xf32, #tpu.memory_space<hbm>> -> memref<1000000xf32, #tpu.memory_space<hbm>>
    %dma_start3A_47 = arith.constant 0 : i32
    %dma_start3A_48 = tpu.memref_slice %dma_start3A_46[%dma_start3A_47] : memref<1000000xf32, #tpu.memory_space<hbm>> -> memref<1000000xf32, #tpu.memory_space<hbm>>
    tpu.enqueue_indirect_dma source(%dma_start3A_48 : memref<1000000xf32, #tpu.memory_space<hbm>>) target(%dma_start3A_40 : memref<128xf32, #tpu.memory_space<vmem>>) offsets(%dma_start3A_43 : memref<128xi32, #tpu.memory_space<vmem>>) semaphore(%arg22 : memref<!tpu.dma_semaphore, #tpu.memory_space<semaphore_mem>>)
    %dma_start3A_49 = arith.constant 0 : i32
    %dma_start3A_50 = arith.constant 1 : i32
    %dma_start3A_51 = arith.constant 1 : i32
    %dma_start3A_52 = arith.constant 0 : i32
    %dma_start3A_53 = tpu.memref_slice %arg15[%dma_start3A_51, %dma_start3A_52] : memref<4x128xf32, #tpu.memory_space<vmem>> -> memref<1x128xf32, #tpu.memory_space<vmem>>
    %dma_start3A_54 = tpu.memref_squeeze %dma_start3A_53 : memref<1x128xf32, #tpu.memory_space<vmem>> -> memref<128xf32, #tpu.memory_space<vmem>>
    %dma_start3A_55 = arith.constant 0 : i32
    %dma_start3A_56 = tpu.memref_slice %arg12[%dma_start3A_50, %dma_start3A_55] : memref<4x128xi32, #tpu.memory_space<vmem>> -> memref<1x128xi32, #tpu.memory_space<vmem>>
    %dma_start3A_57 = tpu.memref_squeeze %dma_start3A_56 : memref<1x128xi32, #tpu.memory_space<vmem>> -> memref<128xi32, #tpu.memory_space<vmem>>
    %dma_start3A_58 = arith.constant 0 : i32
    %dma_start3A_59 = tpu.memref_slice %arg5[%dma_start3A_49, %dma_start3A_58] : memref<1x1000000xf32, #tpu.memory_space<hbm>> -> memref<1x1000000xf32, #tpu.memory_space<hbm>>
    %dma_start3A_60 = tpu.memref_squeeze %dma_start3A_59 : memref<1x1000000xf32, #tpu.memory_space<hbm>> -> memref<1000000xf32, #tpu.memory_space<hbm>>
    %dma_start3A_61 = arith.constant 0 : i32
    %dma_start3A_62 = tpu.memref_slice %dma_start3A_60[%dma_start3A_61] : memref<1000000xf32, #tpu.memory_space<hbm>> -> memref<1000000xf32, #tpu.memory_space<hbm>>
    tpu.enqueue_indirect_dma source(%dma_start3A_62 : memref<1000000xf32, #tpu.memory_space<hbm>>) target(%dma_start3A_54 : memref<128xf32, #tpu.memory_space<vmem>>) offsets(%dma_start3A_57 : memref<128xi32, #tpu.memory_space<vmem>>) semaphore(%arg22 : memref<!tpu.dma_semaphore, #tpu.memory_space<semaphore_mem>>)
    %dma_start3A_63 = arith.constant 0 : i32
    %dma_start3A_64 = arith.constant 2 : i32
    %dma_start3A_65 = arith.constant 2 : i32
    %dma_start3A_66 = arith.constant 0 : i32
    %dma_start3A_67 = tpu.memref_slice %arg15[%dma_start3A_65, %dma_start3A_66] : memref<4x128xf32, #tpu.memory_space<vmem>> -> memref<1x128xf32, #tpu.memory_space<vmem>>
    %dma_start3A_68 = tpu.memref_squeeze %dma_start3A_67 : memref<1x128xf32, #tpu.memory_space<vmem>> -> memref<128xf32, #tpu.memory_space<vmem>>
    %dma_start3A_69 = arith.constant 0 : i32
    %dma_start3A_70 = tpu.memref_slice %arg12[%dma_start3A_64, %dma_start3A_69] : memref<4x128xi32, #tpu.memory_space<vmem>> -> memref<1x128xi32, #tpu.memory_space<vmem>>
    %dma_start3A_71 = tpu.memref_squeeze %dma_start3A_70 : memref<1x128xi32, #tpu.memory_space<vmem>> -> memref<128xi32, #tpu.memory_space<vmem>>
    %dma_start3A_72 = arith.constant 0 : i32
    %dma_start3A_73 = tpu.memref_slice %arg5[%dma_start3A_63, %dma_start3A_72] : memref<1x1000000xf32, #tpu.memory_space<hbm>> -> memref<1x1000000xf32, #tpu.memory_space<hbm>>
    %dma_start3A_74 = tpu.memref_squeeze %dma_start3A_73 : memref<1x1000000xf32, #tpu.memory_space<hbm>> -> memref<1000000xf32, #tpu.memory_space<hbm>>
    %dma_start3A_75 = arith.constant 0 : i32
    %dma_start3A_76 = tpu.memref_slice %dma_start3A_74[%dma_start3A_75] : memref<1000000xf32, #tpu.memory_space<hbm>> -> memref<1000000xf32, #tpu.memory_space<hbm>>
    tpu.enqueue_indirect_dma source(%dma_start3A_76 : memref<1000000xf32, #tpu.memory_space<hbm>>) target(%dma_start3A_68 : memref<128xf32, #tpu.memory_space<vmem>>) offsets(%dma_start3A_71 : memref<128xi32, #tpu.memory_space<vmem>>) semaphore(%arg22 : memref<!tpu.dma_semaphore, #tpu.memory_space<semaphore_mem>>)
    %dma_start3A_77 = arith.constant 0 : i32
    %dma_start3A_78 = arith.constant 3 : i32
    %dma_start3A_79 = arith.constant 3 : i32
    %dma_start3A_80 = arith.constant 0 : i32
    %dma_start3A_81 = tpu.memref_slice %arg15[%dma_start3A_79, %dma_start3A_80] : memref<4x128xf32, #tpu.memory_space<vmem>> -> memref<1x128xf32, #tpu.memory_space<vmem>>
    %dma_start3A_82 = tpu.memref_squeeze %dma_start3A_81 : memref<1x128xf32, #tpu.memory_space<vmem>> -> memref<128xf32, #tpu.memory_space<vmem>>
    %dma_start3A_83 = arith.constant 0 : i32
    %dma_start3A_84 = tpu.memref_slice %arg12[%dma_start3A_78, %dma_start3A_83] : memref<4x128xi32, #tpu.memory_space<vmem>> -> memref<1x128xi32, #tpu.memory_space<vmem>>
    %dma_start3A_85 = tpu.memref_squeeze %dma_start3A_84 : memref<1x128xi32, #tpu.memory_space<vmem>> -> memref<128xi32, #tpu.memory_space<vmem>>
    %dma_start3A_86 = arith.constant 0 : i32
    %dma_start3A_87 = tpu.memref_slice %arg5[%dma_start3A_77, %dma_start3A_86] : memref<1x1000000xf32, #tpu.memory_space<hbm>> -> memref<1x1000000xf32, #tpu.memory_space<hbm>>
    %dma_start3A_88 = tpu.memref_squeeze %dma_start3A_87 : memref<1x1000000xf32, #tpu.memory_space<hbm>> -> memref<1000000xf32, #tpu.memory_space<hbm>>
    %dma_start3A_89 = arith.constant 0 : i32
    %dma_start3A_90 = tpu.memref_slice %dma_start3A_88[%dma_start3A_89] : memref<1000000xf32, #tpu.memory_space<hbm>> -> memref<1000000xf32, #tpu.memory_space<hbm>>
    tpu.enqueue_indirect_dma source(%dma_start3A_90 : memref<1000000xf32, #tpu.memory_space<hbm>>) target(%dma_start3A_82 : memref<128xf32, #tpu.memory_space<vmem>>) offsets(%dma_start3A_85 : memref<128xi32, #tpu.memory_space<vmem>>) semaphore(%arg22 : memref<!tpu.dma_semaphore, #tpu.memory_space<semaphore_mem>>)
    %dma_wait3A_91 = arith.constant 0 : i32
    %dma_wait3A_92 = arith.constant 0 : i32
    %dma_wait3A_93 = tpu.memref_slice %arg3[%add3A, %dma_wait3A_91, %dma_wait3A_92] : memref<32x4x128xi32, #tpu.memory_space<hbm>> -> memref<1x4x128xi32, #tpu.memory_space<hbm>>
    %dma_wait3A_94 = tpu.memref_squeeze %dma_wait3A_93 : memref<1x4x128xi32, #tpu.memory_space<hbm>> -> memref<4x128xi32, #tpu.memory_space<hbm>>
    %dma_wait3A_95 = arith.constant 0 : i32
    %dma_wait3A_96 = arith.constant 0 : i32
    %dma_wait3A_97 = tpu.memref_slice %arg3[%add3A, %dma_wait3A_95, %dma_wait3A_96] : memref<32x4x128xi32, #tpu.memory_space<hbm>> -> memref<1x4x128xi32, #tpu.memory_space<hbm>>
    %dma_wait3A_98 = tpu.memref_squeeze %dma_wait3A_97 : memref<1x4x128xi32, #tpu.memory_space<hbm>> -> memref<4x128xi32, #tpu.memory_space<hbm>>
    tpu.wait_dma2 semaphore(%arg24 : memref<!tpu.dma_semaphore, #tpu.memory_space<semaphore_mem>>) src(%dma_wait3A_98 : memref<4x128xi32, #tpu.memory_space<hbm>>) dst(%arg13 : memref<4x128xi32, #tpu.memory_space<vmem>>)
    %dma_start3A_99 = arith.constant 0 : i32
    %dma_start3A_100 = arith.constant 0 : i32
    %dma_start3A_101 = arith.constant 0 : i32
    %dma_start3A_102 = arith.constant 0 : i32
    %dma_start3A_103 = tpu.memref_slice %arg16[%dma_start3A_101, %dma_start3A_102] : memref<4x128xf32, #tpu.memory_space<vmem>> -> memref<1x128xf32, #tpu.memory_space<vmem>>
    %dma_start3A_104 = tpu.memref_squeeze %dma_start3A_103 : memref<1x128xf32, #tpu.memory_space<vmem>> -> memref<128xf32, #tpu.memory_space<vmem>>
    %dma_start3A_105 = arith.constant 0 : i32
    %dma_start3A_106 = tpu.memref_slice %arg13[%dma_start3A_100, %dma_start3A_105] : memref<4x128xi32, #tpu.memory_space<vmem>> -> memref<1x128xi32, #tpu.memory_space<vmem>>
    %dma_start3A_107 = tpu.memref_squeeze %dma_start3A_106 : memref<1x128xi32, #tpu.memory_space<vmem>> -> memref<128xi32, #tpu.memory_space<vmem>>
    %dma_start3A_108 = arith.constant 0 : i32
    %dma_start3A_109 = tpu.memref_slice %arg6[%dma_start3A_99, %dma_start3A_108] : memref<1x1000000xf32, #tpu.memory_space<hbm>> -> memref<1x1000000xf32, #tpu.memory_space<hbm>>
    %dma_start3A_110 = tpu.memref_squeeze %dma_start3A_109 : memref<1x1000000xf32, #tpu.memory_space<hbm>> -> memref<1000000xf32, #tpu.memory_space<hbm>>
    %dma_start3A_111 = arith.constant 0 : i32
    %dma_start3A_112 = tpu.memref_slice %dma_start3A_110[%dma_start3A_111] : memref<1000000xf32, #tpu.memory_space<hbm>> -> memref<1000000xf32, #tpu.memory_space<hbm>>
    tpu.enqueue_indirect_dma source(%dma_start3A_112 : memref<1000000xf32, #tpu.memory_space<hbm>>) target(%dma_start3A_104 : memref<128xf32, #tpu.memory_space<vmem>>) offsets(%dma_start3A_107 : memref<128xi32, #tpu.memory_space<vmem>>) semaphore(%arg22 : memref<!tpu.dma_semaphore, #tpu.memory_space<semaphore_mem>>)
    %dma_start3A_113 = arith.constant 0 : i32
    %dma_start3A_114 = arith.constant 0 : i32
    %dma_start3A_115 = arith.constant 0 : i32
    %dma_start3A_116 = arith.constant 0 : i32
    %dma_start3A_117 = tpu.memref_slice %arg17[%dma_start3A_115, %dma_start3A_116] : memref<4x128xf32, #tpu.memory_space<vmem>> -> memref<1x128xf32, #tpu.memory_space<vmem>>
    %dma_start3A_118 = tpu.memref_squeeze %dma_start3A_117 : memref<1x128xf32, #tpu.memory_space<vmem>> -> memref<128xf32, #tpu.memory_space<vmem>>
    %dma_start3A_119 = arith.constant 0 : i32
    %dma_start3A_120 = tpu.memref_slice %arg13[%dma_start3A_114, %dma_start3A_119] : memref<4x128xi32, #tpu.memory_space<vmem>> -> memref<1x128xi32, #tpu.memory_space<vmem>>
    %dma_start3A_121 = tpu.memref_squeeze %dma_start3A_120 : memref<1x128xi32, #tpu.memory_space<vmem>> -> memref<128xi32, #tpu.memory_space<vmem>>
    %dma_start3A_122 = arith.constant 0 : i32
    %dma_start3A_123 = tpu.memref_slice %arg7[%dma_start3A_113, %dma_start3A_122] : memref<1x1000000xf32, #tpu.memory_space<hbm>> -> memref<1x1000000xf32, #tpu.memory_space<hbm>>
    %dma_start3A_124 = tpu.memref_squeeze %dma_start3A_123 : memref<1x1000000xf32, #tpu.memory_space<hbm>> -> memref<1000000xf32, #tpu.memory_space<hbm>>
    %dma_start3A_125 = arith.constant 0 : i32
    %dma_start3A_126 = tpu.memref_slice %dma_start3A_124[%dma_start3A_125] : memref<1000000xf32, #tpu.memory_space<hbm>> -> memref<1000000xf32, #tpu.memory_space<hbm>>
    tpu.enqueue_indirect_dma source(%dma_start3A_126 : memref<1000000xf32, #tpu.memory_space<hbm>>) target(%dma_start3A_118 : memref<128xf32, #tpu.memory_space<vmem>>) offsets(%dma_start3A_121 : memref<128xi32, #tpu.memory_space<vmem>>) semaphore(%arg22 : memref<!tpu.dma_semaphore, #tpu.memory_space<semaphore_mem>>)
    %dma_start3A_127 = arith.constant 0 : i32
    %dma_start3A_128 = arith.constant 0 : i32
    %dma_start3A_129 = arith.constant 0 : i32
    %dma_start3A_130 = arith.constant 0 : i32
    %dma_start3A_131 = tpu.memref_slice %arg18[%dma_start3A_129, %dma_start3A_130] : memref<4x128xf32, #tpu.memory_space<vmem>> -> memref<1x128xf32, #tpu.memory_space<vmem>>
    %dma_start3A_132 = tpu.memref_squeeze %dma_start3A_131 : memref<1x128xf32, #tpu.memory_space<vmem>> -> memref<128xf32, #tpu.memory_space<vmem>>
    %dma_start3A_133 = arith.constant 0 : i32
    %dma_start3A_134 = tpu.memref_slice %arg13[%dma_start3A_128, %dma_start3A_133] : memref<4x128xi32, #tpu.memory_space<vmem>> -> memref<1x128xi32, #tpu.memory_space<vmem>>
    %dma_start3A_135 = tpu.memref_squeeze %dma_start3A_134 : memref<1x128xi32, #tpu.memory_space<vmem>> -> memref<128xi32, #tpu.memory_space<vmem>>
    %dma_start3A_136 = arith.constant 0 : i32
    %dma_start3A_137 = tpu.memref_slice %arg8[%dma_start3A_127, %dma_start3A_136] : memref<1x1000000xf32, #tpu.memory_space<hbm>> -> memref<1x1000000xf32, #tpu.memory_space<hbm>>
    %dma_start3A_138 = tpu.memref_squeeze %dma_start3A_137 : memref<1x1000000xf32, #tpu.memory_space<hbm>> -> memref<1000000xf32, #tpu.memory_space<hbm>>
    %dma_start3A_139 = arith.constant 0 : i32
    %dma_start3A_140 = tpu.memref_slice %dma_start3A_138[%dma_start3A_139] : memref<1000000xf32, #tpu.memory_space<hbm>> -> memref<1000000xf32, #tpu.memory_space<hbm>>
    tpu.enqueue_indirect_dma source(%dma_start3A_140 : memref<1000000xf32, #tpu.memory_space<hbm>>) target(%dma_start3A_132 : memref<128xf32, #tpu.memory_space<vmem>>) offsets(%dma_start3A_135 : memref<128xi32, #tpu.memory_space<vmem>>) semaphore(%arg22 : memref<!tpu.dma_semaphore, #tpu.memory_space<semaphore_mem>>)
    %dma_start3A_141 = arith.constant 0 : i32
    %dma_start3A_142 = arith.constant 1 : i32
    %dma_start3A_143 = arith.constant 1 : i32
    %dma_start3A_144 = arith.constant 0 : i32
    %dma_start3A_145 = tpu.memref_slice %arg16[%dma_start3A_143, %dma_start3A_144] : memref<4x128xf32, #tpu.memory_space<vmem>> -> memref<1x128xf32, #tpu.memory_space<vmem>>
    %dma_start3A_146 = tpu.memref_squeeze %dma_start3A_145 : memref<1x128xf32, #tpu.memory_space<vmem>> -> memref<128xf32, #tpu.memory_space<vmem>>
    %dma_start3A_147 = arith.constant 0 : i32
    %dma_start3A_148 = tpu.memref_slice %arg13[%dma_start3A_142, %dma_start3A_147] : memref<4x128xi32, #tpu.memory_space<vmem>> -> memref<1x128xi32, #tpu.memory_space<vmem>>
    %dma_start3A_149 = tpu.memref_squeeze %dma_start3A_148 : memref<1x128xi32, #tpu.memory_space<vmem>> -> memref<128xi32, #tpu.memory_space<vmem>>
    %dma_start3A_150 = arith.constant 0 : i32
    %dma_start3A_151 = tpu.memref_slice %arg6[%dma_start3A_141, %dma_start3A_150] : memref<1x1000000xf32, #tpu.memory_space<hbm>> -> memref<1x1000000xf32, #tpu.memory_space<hbm>>
    %dma_start3A_152 = tpu.memref_squeeze %dma_start3A_151 : memref<1x1000000xf32, #tpu.memory_space<hbm>> -> memref<1000000xf32, #tpu.memory_space<hbm>>
    %dma_start3A_153 = arith.constant 0 : i32
    %dma_start3A_154 = tpu.memref_slice %dma_start3A_152[%dma_start3A_153] : memref<1000000xf32, #tpu.memory_space<hbm>> -> memref<1000000xf32, #tpu.memory_space<hbm>>
    tpu.enqueue_indirect_dma source(%dma_start3A_154 : memref<1000000xf32, #tpu.memory_space<hbm>>) target(%dma_start3A_146 : memref<128xf32, #tpu.memory_space<vmem>>) offsets(%dma_start3A_149 : memref<128xi32, #tpu.memory_space<vmem>>) semaphore(%arg22 : memref<!tpu.dma_semaphore, #tpu.memory_space<semaphore_mem>>)
    %dma_start3A_155 = arith.constant 0 : i32
    %dma_start3A_156 = arith.constant 1 : i32
    %dma_start3A_157 = arith.constant 1 : i32
    %dma_start3A_158 = arith.constant 0 : i32
    %dma_start3A_159 = tpu.memref_slice %arg17[%dma_start3A_157, %dma_start3A_158] : memref<4x128xf32, #tpu.memory_space<vmem>> -> memref<1x128xf32, #tpu.memory_space<vmem>>
    %dma_start3A_160 = tpu.memref_squeeze %dma_start3A_159 : memref<1x128xf32, #tpu.memory_space<vmem>> -> memref<128xf32, #tpu.memory_space<vmem>>
    %dma_start3A_161 = arith.constant 0 : i32
    %dma_start3A_162 = tpu.memref_slice %arg13[%dma_start3A_156, %dma_start3A_161] : memref<4x128xi32, #tpu.memory_space<vmem>> -> memref<1x128xi32, #tpu.memory_space<vmem>>
    %dma_start3A_163 = tpu.memref_squeeze %dma_start3A_162 : memref<1x128xi32, #tpu.memory_space<vmem>> -> memref<128xi32, #tpu.memory_space<vmem>>
    %dma_start3A_164 = arith.constant 0 : i32
    %dma_start3A_165 = tpu.memref_slice %arg7[%dma_start3A_155, %dma_start3A_164] : memref<1x1000000xf32, #tpu.memory_space<hbm>> -> memref<1x1000000xf32, #tpu.memory_space<hbm>>
    %dma_start3A_166 = tpu.memref_squeeze %dma_start3A_165 : memref<1x1000000xf32, #tpu.memory_space<hbm>> -> memref<1000000xf32, #tpu.memory_space<hbm>>
    %dma_start3A_167 = arith.constant 0 : i32
    %dma_start3A_168 = tpu.memref_slice %dma_start3A_166[%dma_start3A_167] : memref<1000000xf32, #tpu.memory_space<hbm>> -> memref<1000000xf32, #tpu.memory_space<hbm>>
    tpu.enqueue_indirect_dma source(%dma_start3A_168 : memref<1000000xf32, #tpu.memory_space<hbm>>) target(%dma_start3A_160 : memref<128xf32, #tpu.memory_space<vmem>>) offsets(%dma_start3A_163 : memref<128xi32, #tpu.memory_space<vmem>>) semaphore(%arg22 : memref<!tpu.dma_semaphore, #tpu.memory_space<semaphore_mem>>)
    %dma_start3A_169 = arith.constant 0 : i32
    %dma_start3A_170 = arith.constant 1 : i32
    %dma_start3A_171 = arith.constant 1 : i32
    %dma_start3A_172 = arith.constant 0 : i32
    %dma_start3A_173 = tpu.memref_slice %arg18[%dma_start3A_171, %dma_start3A_172] : memref<4x128xf32, #tpu.memory_space<vmem>> -> memref<1x128xf32, #tpu.memory_space<vmem>>
    %dma_start3A_174 = tpu.memref_squeeze %dma_start3A_173 : memref<1x128xf32, #tpu.memory_space<vmem>> -> memref<128xf32, #tpu.memory_space<vmem>>
    %dma_start3A_175 = arith.constant 0 : i32
    %dma_start3A_176 = tpu.memref_slice %arg13[%dma_start3A_170, %dma_start3A_175] : memref<4x128xi32, #tpu.memory_space<vmem>> -> memref<1x128xi32, #tpu.memory_space<vmem>>
    %dma_start3A_177 = tpu.memref_squeeze %dma_start3A_176 : memref<1x128xi32, #tpu.memory_space<vmem>> -> memref<128xi32, #tpu.memory_space<vmem>>
    %dma_start3A_178 = arith.constant 0 : i32
    %dma_start3A_179 = tpu.memref_slice %arg8[%dma_start3A_169, %dma_start3A_178] : memref<1x1000000xf32, #tpu.memory_space<hbm>> -> memref<1x1000000xf32, #tpu.memory_space<hbm>>
    %dma_start3A_180 = tpu.memref_squeeze %dma_start3A_179 : memref<1x1000000xf32, #tpu.memory_space<hbm>> -> memref<1000000xf32, #tpu.memory_space<hbm>>
    %dma_start3A_181 = arith.constant 0 : i32
    %dma_start3A_182 = tpu.memref_slice %dma_start3A_180[%dma_start3A_181] : memref<1000000xf32, #tpu.memory_space<hbm>> -> memref<1000000xf32, #tpu.memory_space<hbm>>
    tpu.enqueue_indirect_dma source(%dma_start3A_182 : memref<1000000xf32, #tpu.memory_space<hbm>>) target(%dma_start3A_174 : memref<128xf32, #tpu.memory_space<vmem>>) offsets(%dma_start3A_177 : memref<128xi32, #tpu.memory_space<vmem>>) semaphore(%arg22 : memref<!tpu.dma_semaphore, #tpu.memory_space<semaphore_mem>>)
    %dma_start3A_183 = arith.constant 0 : i32
    %dma_start3A_184 = arith.constant 2 : i32
    %dma_start3A_185 = arith.constant 2 : i32
    %dma_start3A_186 = arith.constant 0 : i32
    %dma_start3A_187 = tpu.memref_slice %arg16[%dma_start3A_185, %dma_start3A_186] : memref<4x128xf32, #tpu.memory_space<vmem>> -> memref<1x128xf32, #tpu.memory_space<vmem>>
    %dma_start3A_188 = tpu.memref_squeeze %dma_start3A_187 : memref<1x128xf32, #tpu.memory_space<vmem>> -> memref<128xf32, #tpu.memory_space<vmem>>
    %dma_start3A_189 = arith.constant 0 : i32
    %dma_start3A_190 = tpu.memref_slice %arg13[%dma_start3A_184, %dma_start3A_189] : memref<4x128xi32, #tpu.memory_space<vmem>> -> memref<1x128xi32, #tpu.memory_space<vmem>>
    %dma_start3A_191 = tpu.memref_squeeze %dma_start3A_190 : memref<1x128xi32, #tpu.memory_space<vmem>> -> memref<128xi32, #tpu.memory_space<vmem>>
    %dma_start3A_192 = arith.constant 0 : i32
    %dma_start3A_193 = tpu.memref_slice %arg6[%dma_start3A_183, %dma_start3A_192] : memref<1x1000000xf32, #tpu.memory_space<hbm>> -> memref<1x1000000xf32, #tpu.memory_space<hbm>>
    %dma_start3A_194 = tpu.memref_squeeze %dma_start3A_193 : memref<1x1000000xf32, #tpu.memory_space<hbm>> -> memref<1000000xf32, #tpu.memory_space<hbm>>
    %dma_start3A_195 = arith.constant 0 : i32
    %dma_start3A_196 = tpu.memref_slice %dma_start3A_194[%dma_start3A_195] : memref<1000000xf32, #tpu.memory_space<hbm>> -> memref<1000000xf32, #tpu.memory_space<hbm>>
    tpu.enqueue_indirect_dma source(%dma_start3A_196 : memref<1000000xf32, #tpu.memory_space<hbm>>) target(%dma_start3A_188 : memref<128xf32, #tpu.memory_space<vmem>>) offsets(%dma_start3A_191 : memref<128xi32, #tpu.memory_space<vmem>>) semaphore(%arg22 : memref<!tpu.dma_semaphore, #tpu.memory_space<semaphore_mem>>)
    %dma_start3A_197 = arith.constant 0 : i32
    %dma_start3A_198 = arith.constant 2 : i32
    %dma_start3A_199 = arith.constant 2 : i32
    %dma_start3A_200 = arith.constant 0 : i32
    %dma_start3A_201 = tpu.memref_slice %arg17[%dma_start3A_199, %dma_start3A_200] : memref<4x128xf32, #tpu.memory_space<vmem>> -> memref<1x128xf32, #tpu.memory_space<vmem>>
    %dma_start3A_202 = tpu.memref_squeeze %dma_start3A_201 : memref<1x128xf32, #tpu.memory_space<vmem>> -> memref<128xf32, #tpu.memory_space<vmem>>
    %dma_start3A_203 = arith.constant 0 : i32
    %dma_start3A_204 = tpu.memref_slice %arg13[%dma_start3A_198, %dma_start3A_203] : memref<4x128xi32, #tpu.memory_space<vmem>> -> memref<1x128xi32, #tpu.memory_space<vmem>>
    %dma_start3A_205 = tpu.memref_squeeze %dma_start3A_204 : memref<1x128xi32, #tpu.memory_space<vmem>> -> memref<128xi32, #tpu.memory_space<vmem>>
    %dma_start3A_206 = arith.constant 0 : i32
    %dma_start3A_207 = tpu.memref_slice %arg7[%dma_start3A_197, %dma_start3A_206] : memref<1x1000000xf32, #tpu.memory_space<hbm>> -> memref<1x1000000xf32, #tpu.memory_space<hbm>>
    %dma_start3A_208 = tpu.memref_squeeze %dma_start3A_207 : memref<1x1000000xf32, #tpu.memory_space<hbm>> -> memref<1000000xf32, #tpu.memory_space<hbm>>
    %dma_start3A_209 = arith.constant 0 : i32
    %dma_start3A_210 = tpu.memref_slice %dma_start3A_208[%dma_start3A_209] : memref<1000000xf32, #tpu.memory_space<hbm>> -> memref<1000000xf32, #tpu.memory_space<hbm>>
    tpu.enqueue_indirect_dma source(%dma_start3A_210 : memref<1000000xf32, #tpu.memory_space<hbm>>) target(%dma_start3A_202 : memref<128xf32, #tpu.memory_space<vmem>>) offsets(%dma_start3A_205 : memref<128xi32, #tpu.memory_space<vmem>>) semaphore(%arg22 : memref<!tpu.dma_semaphore, #tpu.memory_space<semaphore_mem>>)
    %dma_start3A_211 = arith.constant 0 : i32
    %dma_start3A_212 = arith.constant 2 : i32
    %dma_start3A_213 = arith.constant 2 : i32
    %dma_start3A_214 = arith.constant 0 : i32
    %dma_start3A_215 = tpu.memref_slice %arg18[%dma_start3A_213, %dma_start3A_214] : memref<4x128xf32, #tpu.memory_space<vmem>> -> memref<1x128xf32, #tpu.memory_space<vmem>>
    %dma_start3A_216 = tpu.memref_squeeze %dma_start3A_215 : memref<1x128xf32, #tpu.memory_space<vmem>> -> memref<128xf32, #tpu.memory_space<vmem>>
    %dma_start3A_217 = arith.constant 0 : i32
    %dma_start3A_218 = tpu.memref_slice %arg13[%dma_start3A_212, %dma_start3A_217] : memref<4x128xi32, #tpu.memory_space<vmem>> -> memref<1x128xi32, #tpu.memory_space<vmem>>
    %dma_start3A_219 = tpu.memref_squeeze %dma_start3A_218 : memref<1x128xi32, #tpu.memory_space<vmem>> -> memref<128xi32, #tpu.memory_space<vmem>>
    %dma_start3A_220 = arith.constant 0 : i32
    %dma_start3A_221 = tpu.memref_slice %arg8[%dma_start3A_211, %dma_start3A_220] : memref<1x1000000xf32, #tpu.memory_space<hbm>> -> memref<1x1000000xf32, #tpu.memory_space<hbm>>
    %dma_start3A_222 = tpu.memref_squeeze %dma_start3A_221 : memref<1x1000000xf32, #tpu.memory_space<hbm>> -> memref<1000000xf32, #tpu.memory_space<hbm>>
    %dma_start3A_223 = arith.constant 0 : i32
    %dma_start3A_224 = tpu.memref_slice %dma_start3A_222[%dma_start3A_223] : memref<1000000xf32, #tpu.memory_space<hbm>> -> memref<1000000xf32, #tpu.memory_space<hbm>>
    tpu.enqueue_indirect_dma source(%dma_start3A_224 : memref<1000000xf32, #tpu.memory_space<hbm>>) target(%dma_start3A_216 : memref<128xf32, #tpu.memory_space<vmem>>) offsets(%dma_start3A_219 : memref<128xi32, #tpu.memory_space<vmem>>) semaphore(%arg22 : memref<!tpu.dma_semaphore, #tpu.memory_space<semaphore_mem>>)
    %dma_start3A_225 = arith.constant 0 : i32
    %dma_start3A_226 = arith.constant 3 : i32
    %dma_start3A_227 = arith.constant 3 : i32
    %dma_start3A_228 = arith.constant 0 : i32
    %dma_start3A_229 = tpu.memref_slice %arg16[%dma_start3A_227, %dma_start3A_228] : memref<4x128xf32, #tpu.memory_space<vmem>> -> memref<1x128xf32, #tpu.memory_space<vmem>>
    %dma_start3A_230 = tpu.memref_squeeze %dma_start3A_229 : memref<1x128xf32, #tpu.memory_space<vmem>> -> memref<128xf32, #tpu.memory_space<vmem>>
    %dma_start3A_231 = arith.constant 0 : i32
    %dma_start3A_232 = tpu.memref_slice %arg13[%dma_start3A_226, %dma_start3A_231] : memref<4x128xi32, #tpu.memory_space<vmem>> -> memref<1x128xi32, #tpu.memory_space<vmem>>
    %dma_start3A_233 = tpu.memref_squeeze %dma_start3A_232 : memref<1x128xi32, #tpu.memory_space<vmem>> -> memref<128xi32, #tpu.memory_space<vmem>>
    %dma_start3A_234 = arith.constant 0 : i32
    %dma_start3A_235 = tpu.memref_slice %arg6[%dma_start3A_225, %dma_start3A_234] : memref<1x1000000xf32, #tpu.memory_space<hbm>> -> memref<1x1000000xf32, #tpu.memory_space<hbm>>
    %dma_start3A_236 = tpu.memref_squeeze %dma_start3A_235 : memref<1x1000000xf32, #tpu.memory_space<hbm>> -> memref<1000000xf32, #tpu.memory_space<hbm>>
    %dma_start3A_237 = arith.constant 0 : i32
    %dma_start3A_238 = tpu.memref_slice %dma_start3A_236[%dma_start3A_237] : memref<1000000xf32, #tpu.memory_space<hbm>> -> memref<1000000xf32, #tpu.memory_space<hbm>>
    tpu.enqueue_indirect_dma source(%dma_start3A_238 : memref<1000000xf32, #tpu.memory_space<hbm>>) target(%dma_start3A_230 : memref<128xf32, #tpu.memory_space<vmem>>) offsets(%dma_start3A_233 : memref<128xi32, #tpu.memory_space<vmem>>) semaphore(%arg22 : memref<!tpu.dma_semaphore, #tpu.memory_space<semaphore_mem>>)
    %dma_start3A_239 = arith.constant 0 : i32
    %dma_start3A_240 = arith.constant 3 : i32
    %dma_start3A_241 = arith.constant 3 : i32
    %dma_start3A_242 = arith.constant 0 : i32
    %dma_start3A_243 = tpu.memref_slice %arg17[%dma_start3A_241, %dma_start3A_242] : memref<4x128xf32, #tpu.memory_space<vmem>> -> memref<1x128xf32, #tpu.memory_space<vmem>>
    %dma_start3A_244 = tpu.memref_squeeze %dma_start3A_243 : memref<1x128xf32, #tpu.memory_space<vmem>> -> memref<128xf32, #tpu.memory_space<vmem>>
    %dma_start3A_245 = arith.constant 0 : i32
    %dma_start3A_246 = tpu.memref_slice %arg13[%dma_start3A_240, %dma_start3A_245] : memref<4x128xi32, #tpu.memory_space<vmem>> -> memref<1x128xi32, #tpu.memory_space<vmem>>
    %dma_start3A_247 = tpu.memref_squeeze %dma_start3A_246 : memref<1x128xi32, #tpu.memory_space<vmem>> -> memref<128xi32, #tpu.memory_space<vmem>>
    %dma_start3A_248 = arith.constant 0 : i32
    %dma_start3A_249 = tpu.memref_slice %arg7[%dma_start3A_239, %dma_start3A_248] : memref<1x1000000xf32, #tpu.memory_space<hbm>> -> memref<1x1000000xf32, #tpu.memory_space<hbm>>
    %dma_start3A_250 = tpu.memref_squeeze %dma_start3A_249 : memref<1x1000000xf32, #tpu.memory_space<hbm>> -> memref<1000000xf32, #tpu.memory_space<hbm>>
    %dma_start3A_251 = arith.constant 0 : i32
    %dma_start3A_252 = tpu.memref_slice %dma_start3A_250[%dma_start3A_251] : memref<1000000xf32, #tpu.memory_space<hbm>> -> memref<1000000xf32, #tpu.memory_space<hbm>>
    tpu.enqueue_indirect_dma source(%dma_start3A_252 : memref<1000000xf32, #tpu.memory_space<hbm>>) target(%dma_start3A_244 : memref<128xf32, #tpu.memory_space<vmem>>) offsets(%dma_start3A_247 : memref<128xi32, #tpu.memory_space<vmem>>) semaphore(%arg22 : memref<!tpu.dma_semaphore, #tpu.memory_space<semaphore_mem>>)
    %dma_start3A_253 = arith.constant 0 : i32
    %dma_start3A_254 = arith.constant 3 : i32
    %dma_start3A_255 = arith.constant 3 : i32
    %dma_start3A_256 = arith.constant 0 : i32
    %dma_start3A_257 = tpu.memref_slice %arg18[%dma_start3A_255, %dma_start3A_256] : memref<4x128xf32, #tpu.memory_space<vmem>> -> memref<1x128xf32, #tpu.memory_space<vmem>>
    %dma_start3A_258 = tpu.memref_squeeze %dma_start3A_257 : memref<1x128xf32, #tpu.memory_space<vmem>> -> memref<128xf32, #tpu.memory_space<vmem>>
    %dma_start3A_259 = arith.constant 0 : i32
    %dma_start3A_260 = tpu.memref_slice %arg13[%dma_start3A_254, %dma_start3A_259] : memref<4x128xi32, #tpu.memory_space<vmem>> -> memref<1x128xi32, #tpu.memory_space<vmem>>
    %dma_start3A_261 = tpu.memref_squeeze %dma_start3A_260 : memref<1x128xi32, #tpu.memory_space<vmem>> -> memref<128xi32, #tpu.memory_space<vmem>>
    %dma_start3A_262 = arith.constant 0 : i32
    %dma_start3A_263 = tpu.memref_slice %arg8[%dma_start3A_253, %dma_start3A_262] : memref<1x1000000xf32, #tpu.memory_space<hbm>> -> memref<1x1000000xf32, #tpu.memory_space<hbm>>
    %dma_start3A_264 = tpu.memref_squeeze %dma_start3A_263 : memref<1x1000000xf32, #tpu.memory_space<hbm>> -> memref<1000000xf32, #tpu.memory_space<hbm>>
    %dma_start3A_265 = arith.constant 0 : i32
    %dma_start3A_266 = tpu.memref_slice %dma_start3A_264[%dma_start3A_265] : memref<1000000xf32, #tpu.memory_space<hbm>> -> memref<1000000xf32, #tpu.memory_space<hbm>>
    tpu.enqueue_indirect_dma source(%dma_start3A_266 : memref<1000000xf32, #tpu.memory_space<hbm>>) target(%dma_start3A_258 : memref<128xf32, #tpu.memory_space<vmem>>) offsets(%dma_start3A_261 : memref<128xi32, #tpu.memory_space<vmem>>) semaphore(%arg22 : memref<!tpu.dma_semaphore, #tpu.memory_space<semaphore_mem>>)
    %dma_wait3A_267 = arith.constant 0 : i32
    %dma_wait3A_268 = arith.constant 0 : i32
    %dma_wait3A_269 = tpu.memref_slice %arg4[%add3A, %dma_wait3A_267, %dma_wait3A_268] : memref<32x4x128xi32, #tpu.memory_space<hbm>> -> memref<1x4x128xi32, #tpu.memory_space<hbm>>
    %dma_wait3A_270 = tpu.memref_squeeze %dma_wait3A_269 : memref<1x4x128xi32, #tpu.memory_space<hbm>> -> memref<4x128xi32, #tpu.memory_space<hbm>>
    %dma_wait3A_271 = arith.constant 0 : i32
    %dma_wait3A_272 = arith.constant 0 : i32
    %dma_wait3A_273 = tpu.memref_slice %arg4[%add3A, %dma_wait3A_271, %dma_wait3A_272] : memref<32x4x128xi32, #tpu.memory_space<hbm>> -> memref<1x4x128xi32, #tpu.memory_space<hbm>>
    %dma_wait3A_274 = tpu.memref_squeeze %dma_wait3A_273 : memref<1x4x128xi32, #tpu.memory_space<hbm>> -> memref<4x128xi32, #tpu.memory_space<hbm>>
    tpu.wait_dma2 semaphore(%arg25 : memref<!tpu.dma_semaphore, #tpu.memory_space<semaphore_mem>>) src(%dma_wait3A_274 : memref<4x128xi32, #tpu.memory_space<hbm>>) dst(%arg14 : memref<4x128xi32, #tpu.memory_space<vmem>>)
    %dma_start3A_275 = arith.constant 0 : i32
    %dma_start3A_276 = arith.constant 0 : i32
    %dma_start3A_277 = arith.constant 0 : i32
    %dma_start3A_278 = arith.constant 0 : i32
    %dma_start3A_279 = tpu.memref_slice %arg19[%dma_start3A_277, %dma_start3A_278] : memref<4x128xf32, #tpu.memory_space<vmem>> -> memref<1x128xf32, #tpu.memory_space<vmem>>
    %dma_start3A_280 = tpu.memref_squeeze %dma_start3A_279 : memref<1x128xf32, #tpu.memory_space<vmem>> -> memref<128xf32, #tpu.memory_space<vmem>>
    %dma_start3A_281 = arith.constant 0 : i32
    %dma_start3A_282 = tpu.memref_slice %arg14[%dma_start3A_276, %dma_start3A_281] : memref<4x128xi32, #tpu.memory_space<vmem>> -> memref<1x128xi32, #tpu.memory_space<vmem>>
    %dma_start3A_283 = tpu.memref_squeeze %dma_start3A_282 : memref<1x128xi32, #tpu.memory_space<vmem>> -> memref<128xi32, #tpu.memory_space<vmem>>
    %dma_start3A_284 = arith.constant 0 : i32
    %dma_start3A_285 = tpu.memref_slice %arg9[%dma_start3A_275, %dma_start3A_284] : memref<1x1000xf32, #tpu.memory_space<hbm>> -> memref<1x1000xf32, #tpu.memory_space<hbm>>
    %dma_start3A_286 = tpu.memref_squeeze %dma_start3A_285 : memref<1x1000xf32, #tpu.memory_space<hbm>> -> memref<1000xf32, #tpu.memory_space<hbm>>
    %dma_start3A_287 = arith.constant 0 : i32
    %dma_start3A_288 = tpu.memref_slice %dma_start3A_286[%dma_start3A_287] : memref<1000xf32, #tpu.memory_space<hbm>> -> memref<1000xf32, #tpu.memory_space<hbm>>
    tpu.enqueue_indirect_dma source(%dma_start3A_288 : memref<1000xf32, #tpu.memory_space<hbm>>) target(%dma_start3A_280 : memref<128xf32, #tpu.memory_space<vmem>>) offsets(%dma_start3A_283 : memref<128xi32, #tpu.memory_space<vmem>>) semaphore(%arg22 : memref<!tpu.dma_semaphore, #tpu.memory_space<semaphore_mem>>)
    %dma_start3A_289 = arith.constant 0 : i32
    %dma_start3A_290 = arith.constant 1 : i32
    %dma_start3A_291 = arith.constant 1 : i32
    %dma_start3A_292 = arith.constant 0 : i32
    %dma_start3A_293 = tpu.memref_slice %arg19[%dma_start3A_291, %dma_start3A_292] : memref<4x128xf32, #tpu.memory_space<vmem>> -> memref<1x128xf32, #tpu.memory_space<vmem>>
    %dma_start3A_294 = tpu.memref_squeeze %dma_start3A_293 : memref<1x128xf32, #tpu.memory_space<vmem>> -> memref<128xf32, #tpu.memory_space<vmem>>
    %dma_start3A_295 = arith.constant 0 : i32
    %dma_start3A_296 = tpu.memref_slice %arg14[%dma_start3A_290, %dma_start3A_295] : memref<4x128xi32, #tpu.memory_space<vmem>> -> memref<1x128xi32, #tpu.memory_space<vmem>>
    %dma_start3A_297 = tpu.memref_squeeze %dma_start3A_296 : memref<1x128xi32, #tpu.memory_space<vmem>> -> memref<128xi32, #tpu.memory_space<vmem>>
    %dma_start3A_298 = arith.constant 0 : i32
    %dma_start3A_299 = tpu.memref_slice %arg9[%dma_start3A_289, %dma_start3A_298] : memref<1x1000xf32, #tpu.memory_space<hbm>> -> memref<1x1000xf32, #tpu.memory_space<hbm>>
    %dma_start3A_300 = tpu.memref_squeeze %dma_start3A_299 : memref<1x1000xf32, #tpu.memory_space<hbm>> -> memref<1000xf32, #tpu.memory_space<hbm>>
    %dma_start3A_301 = arith.constant 0 : i32
    %dma_start3A_302 = tpu.memref_slice %dma_start3A_300[%dma_start3A_301] : memref<1000xf32, #tpu.memory_space<hbm>> -> memref<1000xf32, #tpu.memory_space<hbm>>
    tpu.enqueue_indirect_dma source(%dma_start3A_302 : memref<1000xf32, #tpu.memory_space<hbm>>) target(%dma_start3A_294 : memref<128xf32, #tpu.memory_space<vmem>>) offsets(%dma_start3A_297 : memref<128xi32, #tpu.memory_space<vmem>>) semaphore(%arg22 : memref<!tpu.dma_semaphore, #tpu.memory_space<semaphore_mem>>)
    %dma_start3A_303 = arith.constant 0 : i32
    %dma_start3A_304 = arith.constant 2 : i32
    %dma_start3A_305 = arith.constant 2 : i32
    %dma_start3A_306 = arith.constant 0 : i32
    %dma_start3A_307 = tpu.memref_slice %arg19[%dma_start3A_305, %dma_start3A_306] : memref<4x128xf32, #tpu.memory_space<vmem>> -> memref<1x128xf32, #tpu.memory_space<vmem>>
    %dma_start3A_308 = tpu.memref_squeeze %dma_start3A_307 : memref<1x128xf32, #tpu.memory_space<vmem>> -> memref<128xf32, #tpu.memory_space<vmem>>
    %dma_start3A_309 = arith.constant 0 : i32
    %dma_start3A_310 = tpu.memref_slice %arg14[%dma_start3A_304, %dma_start3A_309] : memref<4x128xi32, #tpu.memory_space<vmem>> -> memref<1x128xi32, #tpu.memory_space<vmem>>
    %dma_start3A_311 = tpu.memref_squeeze %dma_start3A_310 : memref<1x128xi32, #tpu.memory_space<vmem>> -> memref<128xi32, #tpu.memory_space<vmem>>
    %dma_start3A_312 = arith.constant 0 : i32
    %dma_start3A_313 = tpu.memref_slice %arg9[%dma_start3A_303, %dma_start3A_312] : memref<1x1000xf32, #tpu.memory_space<hbm>> -> memref<1x1000xf32, #tpu.memory_space<hbm>>
    %dma_start3A_314 = tpu.memref_squeeze %dma_start3A_313 : memref<1x1000xf32, #tpu.memory_space<hbm>> -> memref<1000xf32, #tpu.memory_space<hbm>>
    %dma_start3A_315 = arith.constant 0 : i32
    %dma_start3A_316 = tpu.memref_slice %dma_start3A_314[%dma_start3A_315] : memref<1000xf32, #tpu.memory_space<hbm>> -> memref<1000xf32, #tpu.memory_space<hbm>>
    tpu.enqueue_indirect_dma source(%dma_start3A_316 : memref<1000xf32, #tpu.memory_space<hbm>>) target(%dma_start3A_308 : memref<128xf32, #tpu.memory_space<vmem>>) offsets(%dma_start3A_311 : memref<128xi32, #tpu.memory_space<vmem>>) semaphore(%arg22 : memref<!tpu.dma_semaphore, #tpu.memory_space<semaphore_mem>>)
    %dma_start3A_317 = arith.constant 0 : i32
    %dma_start3A_318 = arith.constant 3 : i32
    %dma_start3A_319 = arith.constant 3 : i32
    %dma_start3A_320 = arith.constant 0 : i32
    %dma_start3A_321 = tpu.memref_slice %arg19[%dma_start3A_319, %dma_start3A_320] : memref<4x128xf32, #tpu.memory_space<vmem>> -> memref<1x128xf32, #tpu.memory_space<vmem>>
    %dma_start3A_322 = tpu.memref_squeeze %dma_start3A_321 : memref<1x128xf32, #tpu.memory_space<vmem>> -> memref<128xf32, #tpu.memory_space<vmem>>
    %dma_start3A_323 = arith.constant 0 : i32
    %dma_start3A_324 = tpu.memref_slice %arg14[%dma_start3A_318, %dma_start3A_323] : memref<4x128xi32, #tpu.memory_space<vmem>> -> memref<1x128xi32, #tpu.memory_space<vmem>>
    %dma_start3A_325 = tpu.memref_squeeze %dma_start3A_324 : memref<1x128xi32, #tpu.memory_space<vmem>> -> memref<128xi32, #tpu.memory_space<vmem>>
    %dma_start3A_326 = arith.constant 0 : i32
    %dma_start3A_327 = tpu.memref_slice %arg9[%dma_start3A_317, %dma_start3A_326] : memref<1x1000xf32, #tpu.memory_space<hbm>> -> memref<1x1000xf32, #tpu.memory_space<hbm>>
    %dma_start3A_328 = tpu.memref_squeeze %dma_start3A_327 : memref<1x1000xf32, #tpu.memory_space<hbm>> -> memref<1000xf32, #tpu.memory_space<hbm>>
    %dma_start3A_329 = arith.constant 0 : i32
    %dma_start3A_330 = tpu.memref_slice %dma_start3A_328[%dma_start3A_329] : memref<1000xf32, #tpu.memory_space<hbm>> -> memref<1000xf32, #tpu.memory_space<hbm>>
    tpu.enqueue_indirect_dma source(%dma_start3A_330 : memref<1000xf32, #tpu.memory_space<hbm>>) target(%dma_start3A_322 : memref<128xf32, #tpu.memory_space<vmem>>) offsets(%dma_start3A_325 : memref<128xi32, #tpu.memory_space<vmem>>) semaphore(%arg22 : memref<!tpu.dma_semaphore, #tpu.memory_space<semaphore_mem>>)
    %dma_wait3A_331 = arith.constant 0 : i32
    %dma_wait3A_332 = tpu.memref_slice %arg21[%dma_wait3A_331] : memref<16xf32, #tpu.memory_space<vmem>> -> memref<1xf32, #tpu.memory_space<vmem>>
    %dma_wait3A_333 = arith.constant 0 : i32
    %dma_wait3A_334 = tpu.memref_slice %arg21[%dma_wait3A_333] : memref<16xf32, #tpu.memory_space<vmem>> -> memref<1xf32, #tpu.memory_space<vmem>>
    tpu.wait_dma2 semaphore(%arg22 : memref<!tpu.dma_semaphore, #tpu.memory_space<semaphore_mem>>) src(%arg10 : memref<1xf32, #tpu.memory_space<hbm>>) dst(%dma_wait3A_334 : memref<1xf32, #tpu.memory_space<vmem>>)
    %dma_wait3A_335 = arith.constant 0 : i32
    %dma_wait3A_336 = arith.constant 0 : i32
    %dma_wait3A_337 = arith.constant 0 : i32
    %dma_wait3A_338 = arith.constant 0 : i32
    %dma_wait3A_339 = tpu.memref_slice %arg15[%dma_wait3A_337, %dma_wait3A_338] : memref<4x128xf32, #tpu.memory_space<vmem>> -> memref<1x128xf32, #tpu.memory_space<vmem>>
    %dma_wait3A_340 = tpu.memref_squeeze %dma_wait3A_339 : memref<1x128xf32, #tpu.memory_space<vmem>> -> memref<128xf32, #tpu.memory_space<vmem>>
    %dma_wait3A_341 = arith.constant 0 : i32
    %dma_wait3A_342 = tpu.memref_slice %arg12[%dma_wait3A_336, %dma_wait3A_341] : memref<4x128xi32, #tpu.memory_space<vmem>> -> memref<1x128xi32, #tpu.memory_space<vmem>>
    %dma_wait3A_343 = tpu.memref_squeeze %dma_wait3A_342 : memref<1x128xi32, #tpu.memory_space<vmem>> -> memref<128xi32, #tpu.memory_space<vmem>>
    %dma_wait3A_344 = arith.constant 0 : i32
    %dma_wait3A_345 = tpu.memref_slice %arg5[%dma_wait3A_335, %dma_wait3A_344] : memref<1x1000000xf32, #tpu.memory_space<hbm>> -> memref<1x1000000xf32, #tpu.memory_space<hbm>>
    %dma_wait3A_346 = tpu.memref_squeeze %dma_wait3A_345 : memref<1x1000000xf32, #tpu.memory_space<hbm>> -> memref<1000000xf32, #tpu.memory_space<hbm>>
    %dma_wait3A_347 = arith.constant 0 : i32
    %dma_wait3A_348 = tpu.memref_slice %dma_wait3A_346[%dma_wait3A_347] : memref<1000000xf32, #tpu.memory_space<hbm>> -> memref<1000000xf32, #tpu.memory_space<hbm>>
    tpu.wait_indirect_dma semaphore(%arg22 : memref<!tpu.dma_semaphore, #tpu.memory_space<semaphore_mem>>) src(%dma_wait3A_348 : memref<1000000xf32, #tpu.memory_space<hbm>>) dst(%dma_wait3A_340 : memref<128xf32, #tpu.memory_space<vmem>>)
    %dma_wait3A_349 = arith.constant 0 : i32
    %dma_wait3A_350 = arith.constant 1 : i32
    %dma_wait3A_351 = arith.constant 1 : i32
    %dma_wait3A_352 = arith.constant 0 : i32
    %dma_wait3A_353 = tpu.memref_slice %arg15[%dma_wait3A_351, %dma_wait3A_352] : memref<4x128xf32, #tpu.memory_space<vmem>> -> memref<1x128xf32, #tpu.memory_space<vmem>>
    %dma_wait3A_354 = tpu.memref_squeeze %dma_wait3A_353 : memref<1x128xf32, #tpu.memory_space<vmem>> -> memref<128xf32, #tpu.memory_space<vmem>>
    %dma_wait3A_355 = arith.constant 0 : i32
    %dma_wait3A_356 = tpu.memref_slice %arg12[%dma_wait3A_350, %dma_wait3A_355] : memref<4x128xi32, #tpu.memory_space<vmem>> -> memref<1x128xi32, #tpu.memory_space<vmem>>
    %dma_wait3A_357 = tpu.memref_squeeze %dma_wait3A_356 : memref<1x128xi32, #tpu.memory_space<vmem>> -> memref<128xi32, #tpu.memory_space<vmem>>
    %dma_wait3A_358 = arith.constant 0 : i32
    %dma_wait3A_359 = tpu.memref_slice %arg5[%dma_wait3A_349, %dma_wait3A_358] : memref<1x1000000xf32, #tpu.memory_space<hbm>> -> memref<1x1000000xf32, #tpu.memory_space<hbm>>
    %dma_wait3A_360 = tpu.memref_squeeze %dma_wait3A_359 : memref<1x1000000xf32, #tpu.memory_space<hbm>> -> memref<1000000xf32, #tpu.memory_space<hbm>>
    %dma_wait3A_361 = arith.constant 0 : i32
    %dma_wait3A_362 = tpu.memref_slice %dma_wait3A_360[%dma_wait3A_361] : memref<1000000xf32, #tpu.memory_space<hbm>> -> memref<1000000xf32, #tpu.memory_space<hbm>>
    tpu.wait_indirect_dma semaphore(%arg22 : memref<!tpu.dma_semaphore, #tpu.memory_space<semaphore_mem>>) src(%dma_wait3A_362 : memref<1000000xf32, #tpu.memory_space<hbm>>) dst(%dma_wait3A_354 : memref<128xf32, #tpu.memory_space<vmem>>)
    %dma_wait3A_363 = arith.constant 0 : i32
    %dma_wait3A_364 = arith.constant 2 : i32
    %dma_wait3A_365 = arith.constant 2 : i32
    %dma_wait3A_366 = arith.constant 0 : i32
    %dma_wait3A_367 = tpu.memref_slice %arg15[%dma_wait3A_365, %dma_wait3A_366] : memref<4x128xf32, #tpu.memory_space<vmem>> -> memref<1x128xf32, #tpu.memory_space<vmem>>
    %dma_wait3A_368 = tpu.memref_squeeze %dma_wait3A_367 : memref<1x128xf32, #tpu.memory_space<vmem>> -> memref<128xf32, #tpu.memory_space<vmem>>
    %dma_wait3A_369 = arith.constant 0 : i32
    %dma_wait3A_370 = tpu.memref_slice %arg12[%dma_wait3A_364, %dma_wait3A_369] : memref<4x128xi32, #tpu.memory_space<vmem>> -> memref<1x128xi32, #tpu.memory_space<vmem>>
    %dma_wait3A_371 = tpu.memref_squeeze %dma_wait3A_370 : memref<1x128xi32, #tpu.memory_space<vmem>> -> memref<128xi32, #tpu.memory_space<vmem>>
    %dma_wait3A_372 = arith.constant 0 : i32
    %dma_wait3A_373 = tpu.memref_slice %arg5[%dma_wait3A_363, %dma_wait3A_372] : memref<1x1000000xf32, #tpu.memory_space<hbm>> -> memref<1x1000000xf32, #tpu.memory_space<hbm>>
    %dma_wait3A_374 = tpu.memref_squeeze %dma_wait3A_373 : memref<1x1000000xf32, #tpu.memory_space<hbm>> -> memref<1000000xf32, #tpu.memory_space<hbm>>
    %dma_wait3A_375 = arith.constant 0 : i32
    %dma_wait3A_376 = tpu.memref_slice %dma_wait3A_374[%dma_wait3A_375] : memref<1000000xf32, #tpu.memory_space<hbm>> -> memref<1000000xf32, #tpu.memory_space<hbm>>
    tpu.wait_indirect_dma semaphore(%arg22 : memref<!tpu.dma_semaphore, #tpu.memory_space<semaphore_mem>>) src(%dma_wait3A_376 : memref<1000000xf32, #tpu.memory_space<hbm>>) dst(%dma_wait3A_368 : memref<128xf32, #tpu.memory_space<vmem>>)
    %dma_wait3A_377 = arith.constant 0 : i32
    %dma_wait3A_378 = arith.constant 3 : i32
    %dma_wait3A_379 = arith.constant 3 : i32
    %dma_wait3A_380 = arith.constant 0 : i32
    %dma_wait3A_381 = tpu.memref_slice %arg15[%dma_wait3A_379, %dma_wait3A_380] : memref<4x128xf32, #tpu.memory_space<vmem>> -> memref<1x128xf32, #tpu.memory_space<vmem>>
    %dma_wait3A_382 = tpu.memref_squeeze %dma_wait3A_381 : memref<1x128xf32, #tpu.memory_space<vmem>> -> memref<128xf32, #tpu.memory_space<vmem>>
    %dma_wait3A_383 = arith.constant 0 : i32
    %dma_wait3A_384 = tpu.memref_slice %arg12[%dma_wait3A_378, %dma_wait3A_383] : memref<4x128xi32, #tpu.memory_space<vmem>> -> memref<1x128xi32, #tpu.memory_space<vmem>>
    %dma_wait3A_385 = tpu.memref_squeeze %dma_wait3A_384 : memref<1x128xi32, #tpu.memory_space<vmem>> -> memref<128xi32, #tpu.memory_space<vmem>>
    %dma_wait3A_386 = arith.constant 0 : i32
    %dma_wait3A_387 = tpu.memref_slice %arg5[%dma_wait3A_377, %dma_wait3A_386] : memref<1x1000000xf32, #tpu.memory_space<hbm>> -> memref<1x1000000xf32, #tpu.memory_space<hbm>>
    %dma_wait3A_388 = tpu.memref_squeeze %dma_wait3A_387 : memref<1x1000000xf32, #tpu.memory_space<hbm>> -> memref<1000000xf32, #tpu.memory_space<hbm>>
    %dma_wait3A_389 = arith.constant 0 : i32
    %dma_wait3A_390 = tpu.memref_slice %dma_wait3A_388[%dma_wait3A_389] : memref<1000000xf32, #tpu.memory_space<hbm>> -> memref<1000000xf32, #tpu.memory_space<hbm>>
    tpu.wait_indirect_dma semaphore(%arg22 : memref<!tpu.dma_semaphore, #tpu.memory_space<semaphore_mem>>) src(%dma_wait3A_390 : memref<1000000xf32, #tpu.memory_space<hbm>>) dst(%dma_wait3A_382 : memref<128xf32, #tpu.memory_space<vmem>>)
    %dma_wait3A_391 = arith.constant 0 : i32
    %dma_wait3A_392 = arith.constant 0 : i32
    %dma_wait3A_393 = arith.constant 0 : i32
    %dma_wait3A_394 = arith.constant 0 : i32
    %dma_wait3A_395 = tpu.memref_slice %arg16[%dma_wait3A_393, %dma_wait3A_394] : memref<4x128xf32, #tpu.memory_space<vmem>> -> memref<1x128xf32, #tpu.memory_space<vmem>>
    %dma_wait3A_396 = tpu.memref_squeeze %dma_wait3A_395 : memref<1x128xf32, #tpu.memory_space<vmem>> -> memref<128xf32, #tpu.memory_space<vmem>>
    %dma_wait3A_397 = arith.constant 0 : i32
    %dma_wait3A_398 = tpu.memref_slice %arg13[%dma_wait3A_392, %dma_wait3A_397] : memref<4x128xi32, #tpu.memory_space<vmem>> -> memref<1x128xi32, #tpu.memory_space<vmem>>
    %dma_wait3A_399 = tpu.memref_squeeze %dma_wait3A_398 : memref<1x128xi32, #tpu.memory_space<vmem>> -> memref<128xi32, #tpu.memory_space<vmem>>
    %dma_wait3A_400 = arith.constant 0 : i32
    %dma_wait3A_401 = tpu.memref_slice %arg6[%dma_wait3A_391, %dma_wait3A_400] : memref<1x1000000xf32, #tpu.memory_space<hbm>> -> memref<1x1000000xf32, #tpu.memory_space<hbm>>
    %dma_wait3A_402 = tpu.memref_squeeze %dma_wait3A_401 : memref<1x1000000xf32, #tpu.memory_space<hbm>> -> memref<1000000xf32, #tpu.memory_space<hbm>>
    %dma_wait3A_403 = arith.constant 0 : i32
    %dma_wait3A_404 = tpu.memref_slice %dma_wait3A_402[%dma_wait3A_403] : memref<1000000xf32, #tpu.memory_space<hbm>> -> memref<1000000xf32, #tpu.memory_space<hbm>>
    tpu.wait_indirect_dma semaphore(%arg22 : memref<!tpu.dma_semaphore, #tpu.memory_space<semaphore_mem>>) src(%dma_wait3A_404 : memref<1000000xf32, #tpu.memory_space<hbm>>) dst(%dma_wait3A_396 : memref<128xf32, #tpu.memory_space<vmem>>)
    %dma_wait3A_405 = arith.constant 0 : i32
    %dma_wait3A_406 = arith.constant 0 : i32
    %dma_wait3A_407 = arith.constant 0 : i32
    %dma_wait3A_408 = arith.constant 0 : i32
    %dma_wait3A_409 = tpu.memref_slice %arg17[%dma_wait3A_407, %dma_wait3A_408] : memref<4x128xf32, #tpu.memory_space<vmem>> -> memref<1x128xf32, #tpu.memory_space<vmem>>
    %dma_wait3A_410 = tpu.memref_squeeze %dma_wait3A_409 : memref<1x128xf32, #tpu.memory_space<vmem>> -> memref<128xf32, #tpu.memory_space<vmem>>
    %dma_wait3A_411 = arith.constant 0 : i32
    %dma_wait3A_412 = tpu.memref_slice %arg13[%dma_wait3A_406, %dma_wait3A_411] : memref<4x128xi32, #tpu.memory_space<vmem>> -> memref<1x128xi32, #tpu.memory_space<vmem>>
    %dma_wait3A_413 = tpu.memref_squeeze %dma_wait3A_412 : memref<1x128xi32, #tpu.memory_space<vmem>> -> memref<128xi32, #tpu.memory_space<vmem>>
    %dma_wait3A_414 = arith.constant 0 : i32
    %dma_wait3A_415 = tpu.memref_slice %arg7[%dma_wait3A_405, %dma_wait3A_414] : memref<1x1000000xf32, #tpu.memory_space<hbm>> -> memref<1x1000000xf32, #tpu.memory_space<hbm>>
    %dma_wait3A_416 = tpu.memref_squeeze %dma_wait3A_415 : memref<1x1000000xf32, #tpu.memory_space<hbm>> -> memref<1000000xf32, #tpu.memory_space<hbm>>
    %dma_wait3A_417 = arith.constant 0 : i32
    %dma_wait3A_418 = tpu.memref_slice %dma_wait3A_416[%dma_wait3A_417] : memref<1000000xf32, #tpu.memory_space<hbm>> -> memref<1000000xf32, #tpu.memory_space<hbm>>
    tpu.wait_indirect_dma semaphore(%arg22 : memref<!tpu.dma_semaphore, #tpu.memory_space<semaphore_mem>>) src(%dma_wait3A_418 : memref<1000000xf32, #tpu.memory_space<hbm>>) dst(%dma_wait3A_410 : memref<128xf32, #tpu.memory_space<vmem>>)
    %dma_wait3A_419 = arith.constant 0 : i32
    %dma_wait3A_420 = arith.constant 0 : i32
    %dma_wait3A_421 = arith.constant 0 : i32
    %dma_wait3A_422 = arith.constant 0 : i32
    %dma_wait3A_423 = tpu.memref_slice %arg18[%dma_wait3A_421, %dma_wait3A_422] : memref<4x128xf32, #tpu.memory_space<vmem>> -> memref<1x128xf32, #tpu.memory_space<vmem>>
    %dma_wait3A_424 = tpu.memref_squeeze %dma_wait3A_423 : memref<1x128xf32, #tpu.memory_space<vmem>> -> memref<128xf32, #tpu.memory_space<vmem>>
    %dma_wait3A_425 = arith.constant 0 : i32
    %dma_wait3A_426 = tpu.memref_slice %arg13[%dma_wait3A_420, %dma_wait3A_425] : memref<4x128xi32, #tpu.memory_space<vmem>> -> memref<1x128xi32, #tpu.memory_space<vmem>>
    %dma_wait3A_427 = tpu.memref_squeeze %dma_wait3A_426 : memref<1x128xi32, #tpu.memory_space<vmem>> -> memref<128xi32, #tpu.memory_space<vmem>>
    %dma_wait3A_428 = arith.constant 0 : i32
    %dma_wait3A_429 = tpu.memref_slice %arg8[%dma_wait3A_419, %dma_wait3A_428] : memref<1x1000000xf32, #tpu.memory_space<hbm>> -> memref<1x1000000xf32, #tpu.memory_space<hbm>>
    %dma_wait3A_430 = tpu.memref_squeeze %dma_wait3A_429 : memref<1x1000000xf32, #tpu.memory_space<hbm>> -> memref<1000000xf32, #tpu.memory_space<hbm>>
    %dma_wait3A_431 = arith.constant 0 : i32
    %dma_wait3A_432 = tpu.memref_slice %dma_wait3A_430[%dma_wait3A_431] : memref<1000000xf32, #tpu.memory_space<hbm>> -> memref<1000000xf32, #tpu.memory_space<hbm>>
    tpu.wait_indirect_dma semaphore(%arg22 : memref<!tpu.dma_semaphore, #tpu.memory_space<semaphore_mem>>) src(%dma_wait3A_432 : memref<1000000xf32, #tpu.memory_space<hbm>>) dst(%dma_wait3A_424 : memref<128xf32, #tpu.memory_space<vmem>>)
    %dma_wait3A_433 = arith.constant 0 : i32
    %dma_wait3A_434 = arith.constant 1 : i32
    %dma_wait3A_435 = arith.constant 1 : i32
    %dma_wait3A_436 = arith.constant 0 : i32
    %dma_wait3A_437 = tpu.memref_slice %arg16[%dma_wait3A_435, %dma_wait3A_436] : memref<4x128xf32, #tpu.memory_space<vmem>> -> memref<1x128xf32, #tpu.memory_space<vmem>>
    %dma_wait3A_438 = tpu.memref_squeeze %dma_wait3A_437 : memref<1x128xf32, #tpu.memory_space<vmem>> -> memref<128xf32, #tpu.memory_space<vmem>>
    %dma_wait3A_439 = arith.constant 0 : i32
    %dma_wait3A_440 = tpu.memref_slice %arg13[%dma_wait3A_434, %dma_wait3A_439] : memref<4x128xi32, #tpu.memory_space<vmem>> -> memref<1x128xi32, #tpu.memory_space<vmem>>
    %dma_wait3A_441 = tpu.memref_squeeze %dma_wait3A_440 : memref<1x128xi32, #tpu.memory_space<vmem>> -> memref<128xi32, #tpu.memory_space<vmem>>
    %dma_wait3A_442 = arith.constant 0 : i32
    %dma_wait3A_443 = tpu.memref_slice %arg6[%dma_wait3A_433, %dma_wait3A_442] : memref<1x1000000xf32, #tpu.memory_space<hbm>> -> memref<1x1000000xf32, #tpu.memory_space<hbm>>
    %dma_wait3A_444 = tpu.memref_squeeze %dma_wait3A_443 : memref<1x1000000xf32, #tpu.memory_space<hbm>> -> memref<1000000xf32, #tpu.memory_space<hbm>>
    %dma_wait3A_445 = arith.constant 0 : i32
    %dma_wait3A_446 = tpu.memref_slice %dma_wait3A_444[%dma_wait3A_445] : memref<1000000xf32, #tpu.memory_space<hbm>> -> memref<1000000xf32, #tpu.memory_space<hbm>>
    tpu.wait_indirect_dma semaphore(%arg22 : memref<!tpu.dma_semaphore, #tpu.memory_space<semaphore_mem>>) src(%dma_wait3A_446 : memref<1000000xf32, #tpu.memory_space<hbm>>) dst(%dma_wait3A_438 : memref<128xf32, #tpu.memory_space<vmem>>)
    %dma_wait3A_447 = arith.constant 0 : i32
    %dma_wait3A_448 = arith.constant 1 : i32
    %dma_wait3A_449 = arith.constant 1 : i32
    %dma_wait3A_450 = arith.constant 0 : i32
    %dma_wait3A_451 = tpu.memref_slice %arg17[%dma_wait3A_449, %dma_wait3A_450] : memref<4x128xf32, #tpu.memory_space<vmem>> -> memref<1x128xf32, #tpu.memory_space<vmem>>
    %dma_wait3A_452 = tpu.memref_squeeze %dma_wait3A_451 : memref<1x128xf32, #tpu.memory_space<vmem>> -> memref<128xf32, #tpu.memory_space<vmem>>
    %dma_wait3A_453 = arith.constant 0 : i32
    %dma_wait3A_454 = tpu.memref_slice %arg13[%dma_wait3A_448, %dma_wait3A_453] : memref<4x128xi32, #tpu.memory_space<vmem>> -> memref<1x128xi32, #tpu.memory_space<vmem>>
    %dma_wait3A_455 = tpu.memref_squeeze %dma_wait3A_454 : memref<1x128xi32, #tpu.memory_space<vmem>> -> memref<128xi32, #tpu.memory_space<vmem>>
    %dma_wait3A_456 = arith.constant 0 : i32
    %dma_wait3A_457 = tpu.memref_slice %arg7[%dma_wait3A_447, %dma_wait3A_456] : memref<1x1000000xf32, #tpu.memory_space<hbm>> -> memref<1x1000000xf32, #tpu.memory_space<hbm>>
    %dma_wait3A_458 = tpu.memref_squeeze %dma_wait3A_457 : memref<1x1000000xf32, #tpu.memory_space<hbm>> -> memref<1000000xf32, #tpu.memory_space<hbm>>
    %dma_wait3A_459 = arith.constant 0 : i32
    %dma_wait3A_460 = tpu.memref_slice %dma_wait3A_458[%dma_wait3A_459] : memref<1000000xf32, #tpu.memory_space<hbm>> -> memref<1000000xf32, #tpu.memory_space<hbm>>
    tpu.wait_indirect_dma semaphore(%arg22 : memref<!tpu.dma_semaphore, #tpu.memory_space<semaphore_mem>>) src(%dma_wait3A_460 : memref<1000000xf32, #tpu.memory_space<hbm>>) dst(%dma_wait3A_452 : memref<128xf32, #tpu.memory_space<vmem>>)
    %dma_wait3A_461 = arith.constant 0 : i32
    %dma_wait3A_462 = arith.constant 1 : i32
    %dma_wait3A_463 = arith.constant 1 : i32
    %dma_wait3A_464 = arith.constant 0 : i32
    %dma_wait3A_465 = tpu.memref_slice %arg18[%dma_wait3A_463, %dma_wait3A_464] : memref<4x128xf32, #tpu.memory_space<vmem>> -> memref<1x128xf32, #tpu.memory_space<vmem>>
    %dma_wait3A_466 = tpu.memref_squeeze %dma_wait3A_465 : memref<1x128xf32, #tpu.memory_space<vmem>> -> memref<128xf32, #tpu.memory_space<vmem>>
    %dma_wait3A_467 = arith.constant 0 : i32
    %dma_wait3A_468 = tpu.memref_slice %arg13[%dma_wait3A_462, %dma_wait3A_467] : memref<4x128xi32, #tpu.memory_space<vmem>> -> memref<1x128xi32, #tpu.memory_space<vmem>>
    %dma_wait3A_469 = tpu.memref_squeeze %dma_wait3A_468 : memref<1x128xi32, #tpu.memory_space<vmem>> -> memref<128xi32, #tpu.memory_space<vmem>>
    %dma_wait3A_470 = arith.constant 0 : i32
    %dma_wait3A_471 = tpu.memref_slice %arg8[%dma_wait3A_461, %dma_wait3A_470] : memref<1x1000000xf32, #tpu.memory_space<hbm>> -> memref<1x1000000xf32, #tpu.memory_space<hbm>>
    %dma_wait3A_472 = tpu.memref_squeeze %dma_wait3A_471 : memref<1x1000000xf32, #tpu.memory_space<hbm>> -> memref<1000000xf32, #tpu.memory_space<hbm>>
    %dma_wait3A_473 = arith.constant 0 : i32
    %dma_wait3A_474 = tpu.memref_slice %dma_wait3A_472[%dma_wait3A_473] : memref<1000000xf32, #tpu.memory_space<hbm>> -> memref<1000000xf32, #tpu.memory_space<hbm>>
    tpu.wait_indirect_dma semaphore(%arg22 : memref<!tpu.dma_semaphore, #tpu.memory_space<semaphore_mem>>) src(%dma_wait3A_474 : memref<1000000xf32, #tpu.memory_space<hbm>>) dst(%dma_wait3A_466 : memref<128xf32, #tpu.memory_space<vmem>>)
    %dma_wait3A_475 = arith.constant 0 : i32
    %dma_wait3A_476 = arith.constant 2 : i32
    %dma_wait3A_477 = arith.constant 2 : i32
    %dma_wait3A_478 = arith.constant 0 : i32
    %dma_wait3A_479 = tpu.memref_slice %arg16[%dma_wait3A_477, %dma_wait3A_478] : memref<4x128xf32, #tpu.memory_space<vmem>> -> memref<1x128xf32, #tpu.memory_space<vmem>>
    %dma_wait3A_480 = tpu.memref_squeeze %dma_wait3A_479 : memref<1x128xf32, #tpu.memory_space<vmem>> -> memref<128xf32, #tpu.memory_space<vmem>>
    %dma_wait3A_481 = arith.constant 0 : i32
    %dma_wait3A_482 = tpu.memref_slice %arg13[%dma_wait3A_476, %dma_wait3A_481] : memref<4x128xi32, #tpu.memory_space<vmem>> -> memref<1x128xi32, #tpu.memory_space<vmem>>
    %dma_wait3A_483 = tpu.memref_squeeze %dma_wait3A_482 : memref<1x128xi32, #tpu.memory_space<vmem>> -> memref<128xi32, #tpu.memory_space<vmem>>
    %dma_wait3A_484 = arith.constant 0 : i32
    %dma_wait3A_485 = tpu.memref_slice %arg6[%dma_wait3A_475, %dma_wait3A_484] : memref<1x1000000xf32, #tpu.memory_space<hbm>> -> memref<1x1000000xf32, #tpu.memory_space<hbm>>
    %dma_wait3A_486 = tpu.memref_squeeze %dma_wait3A_485 : memref<1x1000000xf32, #tpu.memory_space<hbm>> -> memref<1000000xf32, #tpu.memory_space<hbm>>
    %dma_wait3A_487 = arith.constant 0 : i32
    %dma_wait3A_488 = tpu.memref_slice %dma_wait3A_486[%dma_wait3A_487] : memref<1000000xf32, #tpu.memory_space<hbm>> -> memref<1000000xf32, #tpu.memory_space<hbm>>
    tpu.wait_indirect_dma semaphore(%arg22 : memref<!tpu.dma_semaphore, #tpu.memory_space<semaphore_mem>>) src(%dma_wait3A_488 : memref<1000000xf32, #tpu.memory_space<hbm>>) dst(%dma_wait3A_480 : memref<128xf32, #tpu.memory_space<vmem>>)
    %dma_wait3A_489 = arith.constant 0 : i32
    %dma_wait3A_490 = arith.constant 2 : i32
    %dma_wait3A_491 = arith.constant 2 : i32
    %dma_wait3A_492 = arith.constant 0 : i32
    %dma_wait3A_493 = tpu.memref_slice %arg17[%dma_wait3A_491, %dma_wait3A_492] : memref<4x128xf32, #tpu.memory_space<vmem>> -> memref<1x128xf32, #tpu.memory_space<vmem>>
    %dma_wait3A_494 = tpu.memref_squeeze %dma_wait3A_493 : memref<1x128xf32, #tpu.memory_space<vmem>> -> memref<128xf32, #tpu.memory_space<vmem>>
    %dma_wait3A_495 = arith.constant 0 : i32
    %dma_wait3A_496 = tpu.memref_slice %arg13[%dma_wait3A_490, %dma_wait3A_495] : memref<4x128xi32, #tpu.memory_space<vmem>> -> memref<1x128xi32, #tpu.memory_space<vmem>>
    %dma_wait3A_497 = tpu.memref_squeeze %dma_wait3A_496 : memref<1x128xi32, #tpu.memory_space<vmem>> -> memref<128xi32, #tpu.memory_space<vmem>>
    %dma_wait3A_498 = arith.constant 0 : i32
    %dma_wait3A_499 = tpu.memref_slice %arg7[%dma_wait3A_489, %dma_wait3A_498] : memref<1x1000000xf32, #tpu.memory_space<hbm>> -> memref<1x1000000xf32, #tpu.memory_space<hbm>>
    %dma_wait3A_500 = tpu.memref_squeeze %dma_wait3A_499 : memref<1x1000000xf32, #tpu.memory_space<hbm>> -> memref<1000000xf32, #tpu.memory_space<hbm>>
    %dma_wait3A_501 = arith.constant 0 : i32
    %dma_wait3A_502 = tpu.memref_slice %dma_wait3A_500[%dma_wait3A_501] : memref<1000000xf32, #tpu.memory_space<hbm>> -> memref<1000000xf32, #tpu.memory_space<hbm>>
    tpu.wait_indirect_dma semaphore(%arg22 : memref<!tpu.dma_semaphore, #tpu.memory_space<semaphore_mem>>) src(%dma_wait3A_502 : memref<1000000xf32, #tpu.memory_space<hbm>>) dst(%dma_wait3A_494 : memref<128xf32, #tpu.memory_space<vmem>>)
    %dma_wait3A_503 = arith.constant 0 : i32
    %dma_wait3A_504 = arith.constant 2 : i32
    %dma_wait3A_505 = arith.constant 2 : i32
    %dma_wait3A_506 = arith.constant 0 : i32
    %dma_wait3A_507 = tpu.memref_slice %arg18[%dma_wait3A_505, %dma_wait3A_506] : memref<4x128xf32, #tpu.memory_space<vmem>> -> memref<1x128xf32, #tpu.memory_space<vmem>>
    %dma_wait3A_508 = tpu.memref_squeeze %dma_wait3A_507 : memref<1x128xf32, #tpu.memory_space<vmem>> -> memref<128xf32, #tpu.memory_space<vmem>>
    %dma_wait3A_509 = arith.constant 0 : i32
    %dma_wait3A_510 = tpu.memref_slice %arg13[%dma_wait3A_504, %dma_wait3A_509] : memref<4x128xi32, #tpu.memory_space<vmem>> -> memref<1x128xi32, #tpu.memory_space<vmem>>
    %dma_wait3A_511 = tpu.memref_squeeze %dma_wait3A_510 : memref<1x128xi32, #tpu.memory_space<vmem>> -> memref<128xi32, #tpu.memory_space<vmem>>
    %dma_wait3A_512 = arith.constant 0 : i32
    %dma_wait3A_513 = tpu.memref_slice %arg8[%dma_wait3A_503, %dma_wait3A_512] : memref<1x1000000xf32, #tpu.memory_space<hbm>> -> memref<1x1000000xf32, #tpu.memory_space<hbm>>
    %dma_wait3A_514 = tpu.memref_squeeze %dma_wait3A_513 : memref<1x1000000xf32, #tpu.memory_space<hbm>> -> memref<1000000xf32, #tpu.memory_space<hbm>>
    %dma_wait3A_515 = arith.constant 0 : i32
    %dma_wait3A_516 = tpu.memref_slice %dma_wait3A_514[%dma_wait3A_515] : memref<1000000xf32, #tpu.memory_space<hbm>> -> memref<1000000xf32, #tpu.memory_space<hbm>>
    tpu.wait_indirect_dma semaphore(%arg22 : memref<!tpu.dma_semaphore, #tpu.memory_space<semaphore_mem>>) src(%dma_wait3A_516 : memref<1000000xf32, #tpu.memory_space<hbm>>) dst(%dma_wait3A_508 : memref<128xf32, #tpu.memory_space<vmem>>)
    %dma_wait3A_517 = arith.constant 0 : i32
    %dma_wait3A_518 = arith.constant 3 : i32
    %dma_wait3A_519 = arith.constant 3 : i32
    %dma_wait3A_520 = arith.constant 0 : i32
    %dma_wait3A_521 = tpu.memref_slice %arg16[%dma_wait3A_519, %dma_wait3A_520] : memref<4x128xf32, #tpu.memory_space<vmem>> -> memref<1x128xf32, #tpu.memory_space<vmem>>
    %dma_wait3A_522 = tpu.memref_squeeze %dma_wait3A_521 : memref<1x128xf32, #tpu.memory_space<vmem>> -> memref<128xf32, #tpu.memory_space<vmem>>
    %dma_wait3A_523 = arith.constant 0 : i32
    %dma_wait3A_524 = tpu.memref_slice %arg13[%dma_wait3A_518, %dma_wait3A_523] : memref<4x128xi32, #tpu.memory_space<vmem>> -> memref<1x128xi32, #tpu.memory_space<vmem>>
    %dma_wait3A_525 = tpu.memref_squeeze %dma_wait3A_524 : memref<1x128xi32, #tpu.memory_space<vmem>> -> memref<128xi32, #tpu.memory_space<vmem>>
    %dma_wait3A_526 = arith.constant 0 : i32
    %dma_wait3A_527 = tpu.memref_slice %arg6[%dma_wait3A_517, %dma_wait3A_526] : memref<1x1000000xf32, #tpu.memory_space<hbm>> -> memref<1x1000000xf32, #tpu.memory_space<hbm>>
    %dma_wait3A_528 = tpu.memref_squeeze %dma_wait3A_527 : memref<1x1000000xf32, #tpu.memory_space<hbm>> -> memref<1000000xf32, #tpu.memory_space<hbm>>
    %dma_wait3A_529 = arith.constant 0 : i32
    %dma_wait3A_530 = tpu.memref_slice %dma_wait3A_528[%dma_wait3A_529] : memref<1000000xf32, #tpu.memory_space<hbm>> -> memref<1000000xf32, #tpu.memory_space<hbm>>
    tpu.wait_indirect_dma semaphore(%arg22 : memref<!tpu.dma_semaphore, #tpu.memory_space<semaphore_mem>>) src(%dma_wait3A_530 : memref<1000000xf32, #tpu.memory_space<hbm>>) dst(%dma_wait3A_522 : memref<128xf32, #tpu.memory_space<vmem>>)
    %dma_wait3A_531 = arith.constant 0 : i32
    %dma_wait3A_532 = arith.constant 3 : i32
    %dma_wait3A_533 = arith.constant 3 : i32
    %dma_wait3A_534 = arith.constant 0 : i32
    %dma_wait3A_535 = tpu.memref_slice %arg17[%dma_wait3A_533, %dma_wait3A_534] : memref<4x128xf32, #tpu.memory_space<vmem>> -> memref<1x128xf32, #tpu.memory_space<vmem>>
    %dma_wait3A_536 = tpu.memref_squeeze %dma_wait3A_535 : memref<1x128xf32, #tpu.memory_space<vmem>> -> memref<128xf32, #tpu.memory_space<vmem>>
    %dma_wait3A_537 = arith.constant 0 : i32
    %dma_wait3A_538 = tpu.memref_slice %arg13[%dma_wait3A_532, %dma_wait3A_537] : memref<4x128xi32, #tpu.memory_space<vmem>> -> memref<1x128xi32, #tpu.memory_space<vmem>>
    %dma_wait3A_539 = tpu.memref_squeeze %dma_wait3A_538 : memref<1x128xi32, #tpu.memory_space<vmem>> -> memref<128xi32, #tpu.memory_space<vmem>>
    %dma_wait3A_540 = arith.constant 0 : i32
    %dma_wait3A_541 = tpu.memref_slice %arg7[%dma_wait3A_531, %dma_wait3A_540] : memref<1x1000000xf32, #tpu.memory_space<hbm>> -> memref<1x1000000xf32, #tpu.memory_space<hbm>>
    %dma_wait3A_542 = tpu.memref_squeeze %dma_wait3A_541 : memref<1x1000000xf32, #tpu.memory_space<hbm>> -> memref<1000000xf32, #tpu.memory_space<hbm>>
    %dma_wait3A_543 = arith.constant 0 : i32
    %dma_wait3A_544 = tpu.memref_slice %dma_wait3A_542[%dma_wait3A_543] : memref<1000000xf32, #tpu.memory_space<hbm>> -> memref<1000000xf32, #tpu.memory_space<hbm>>
    tpu.wait_indirect_dma semaphore(%arg22 : memref<!tpu.dma_semaphore, #tpu.memory_space<semaphore_mem>>) src(%dma_wait3A_544 : memref<1000000xf32, #tpu.memory_space<hbm>>) dst(%dma_wait3A_536 : memref<128xf32, #tpu.memory_space<vmem>>)
    %dma_wait3A_545 = arith.constant 0 : i32
    %dma_wait3A_546 = arith.constant 3 : i32
    %dma_wait3A_547 = arith.constant 3 : i32
    %dma_wait3A_548 = arith.constant 0 : i32
    %dma_wait3A_549 = tpu.memref_slice %arg18[%dma_wait3A_547, %dma_wait3A_548] : memref<4x128xf32, #tpu.memory_space<vmem>> -> memref<1x128xf32, #tpu.memory_space<vmem>>
    %dma_wait3A_550 = tpu.memref_squeeze %dma_wait3A_549 : memref<1x128xf32, #tpu.memory_space<vmem>> -> memref<128xf32, #tpu.memory_space<vmem>>
    %dma_wait3A_551 = arith.constant 0 : i32
    %dma_wait3A_552 = tpu.memref_slice %arg13[%dma_wait3A_546, %dma_wait3A_551] : memref<4x128xi32, #tpu.memory_space<vmem>> -> memref<1x128xi32, #tpu.memory_space<vmem>>
    %dma_wait3A_553 = tpu.memref_squeeze %dma_wait3A_552 : memref<1x128xi32, #tpu.memory_space<vmem>> -> memref<128xi32, #tpu.memory_space<vmem>>
    %dma_wait3A_554 = arith.constant 0 : i32
    %dma_wait3A_555 = tpu.memref_slice %arg8[%dma_wait3A_545, %dma_wait3A_554] : memref<1x1000000xf32, #tpu.memory_space<hbm>> -> memref<1x1000000xf32, #tpu.memory_space<hbm>>
    %dma_wait3A_556 = tpu.memref_squeeze %dma_wait3A_555 : memref<1x1000000xf32, #tpu.memory_space<hbm>> -> memref<1000000xf32, #tpu.memory_space<hbm>>
    %dma_wait3A_557 = arith.constant 0 : i32
    %dma_wait3A_558 = tpu.memref_slice %dma_wait3A_556[%dma_wait3A_557] : memref<1000000xf32, #tpu.memory_space<hbm>> -> memref<1000000xf32, #tpu.memory_space<hbm>>
    tpu.wait_indirect_dma semaphore(%arg22 : memref<!tpu.dma_semaphore, #tpu.memory_space<semaphore_mem>>) src(%dma_wait3A_558 : memref<1000000xf32, #tpu.memory_space<hbm>>) dst(%dma_wait3A_550 : memref<128xf32, #tpu.memory_space<vmem>>)
    %dma_wait3A_559 = arith.constant 0 : i32
    %dma_wait3A_560 = arith.constant 0 : i32
    %dma_wait3A_561 = arith.constant 0 : i32
    %dma_wait3A_562 = arith.constant 0 : i32
    %dma_wait3A_563 = tpu.memref_slice %arg19[%dma_wait3A_561, %dma_wait3A_562] : memref<4x128xf32, #tpu.memory_space<vmem>> -> memref<1x128xf32, #tpu.memory_space<vmem>>
    %dma_wait3A_564 = tpu.memref_squeeze %dma_wait3A_563 : memref<1x128xf32, #tpu.memory_space<vmem>> -> memref<128xf32, #tpu.memory_space<vmem>>
    %dma_wait3A_565 = arith.constant 0 : i32
    %dma_wait3A_566 = tpu.memref_slice %arg14[%dma_wait3A_560, %dma_wait3A_565] : memref<4x128xi32, #tpu.memory_space<vmem>> -> memref<1x128xi32, #tpu.memory_space<vmem>>
    %dma_wait3A_567 = tpu.memref_squeeze %dma_wait3A_566 : memref<1x128xi32, #tpu.memory_space<vmem>> -> memref<128xi32, #tpu.memory_space<vmem>>
    %dma_wait3A_568 = arith.constant 0 : i32
    %dma_wait3A_569 = tpu.memref_slice %arg9[%dma_wait3A_559, %dma_wait3A_568] : memref<1x1000xf32, #tpu.memory_space<hbm>> -> memref<1x1000xf32, #tpu.memory_space<hbm>>
    %dma_wait3A_570 = tpu.memref_squeeze %dma_wait3A_569 : memref<1x1000xf32, #tpu.memory_space<hbm>> -> memref<1000xf32, #tpu.memory_space<hbm>>
    %dma_wait3A_571 = arith.constant 0 : i32
    %dma_wait3A_572 = tpu.memref_slice %dma_wait3A_570[%dma_wait3A_571] : memref<1000xf32, #tpu.memory_space<hbm>> -> memref<1000xf32, #tpu.memory_space<hbm>>
    tpu.wait_indirect_dma semaphore(%arg22 : memref<!tpu.dma_semaphore, #tpu.memory_space<semaphore_mem>>) src(%dma_wait3A_572 : memref<1000xf32, #tpu.memory_space<hbm>>) dst(%dma_wait3A_564 : memref<128xf32, #tpu.memory_space<vmem>>)
    %dma_wait3A_573 = arith.constant 0 : i32
    %dma_wait3A_574 = arith.constant 1 : i32
    %dma_wait3A_575 = arith.constant 1 : i32
    %dma_wait3A_576 = arith.constant 0 : i32
    %dma_wait3A_577 = tpu.memref_slice %arg19[%dma_wait3A_575, %dma_wait3A_576] : memref<4x128xf32, #tpu.memory_space<vmem>> -> memref<1x128xf32, #tpu.memory_space<vmem>>
    %dma_wait3A_578 = tpu.memref_squeeze %dma_wait3A_577 : memref<1x128xf32, #tpu.memory_space<vmem>> -> memref<128xf32, #tpu.memory_space<vmem>>
    %dma_wait3A_579 = arith.constant 0 : i32
    %dma_wait3A_580 = tpu.memref_slice %arg14[%dma_wait3A_574, %dma_wait3A_579] : memref<4x128xi32, #tpu.memory_space<vmem>> -> memref<1x128xi32, #tpu.memory_space<vmem>>
    %dma_wait3A_581 = tpu.memref_squeeze %dma_wait3A_580 : memref<1x128xi32, #tpu.memory_space<vmem>> -> memref<128xi32, #tpu.memory_space<vmem>>
    %dma_wait3A_582 = arith.constant 0 : i32
    %dma_wait3A_583 = tpu.memref_slice %arg9[%dma_wait3A_573, %dma_wait3A_582] : memref<1x1000xf32, #tpu.memory_space<hbm>> -> memref<1x1000xf32, #tpu.memory_space<hbm>>
    %dma_wait3A_584 = tpu.memref_squeeze %dma_wait3A_583 : memref<1x1000xf32, #tpu.memory_space<hbm>> -> memref<1000xf32, #tpu.memory_space<hbm>>
    %dma_wait3A_585 = arith.constant 0 : i32
    %dma_wait3A_586 = tpu.memref_slice %dma_wait3A_584[%dma_wait3A_585] : memref<1000xf32, #tpu.memory_space<hbm>> -> memref<1000xf32, #tpu.memory_space<hbm>>
    tpu.wait_indirect_dma semaphore(%arg22 : memref<!tpu.dma_semaphore, #tpu.memory_space<semaphore_mem>>) src(%dma_wait3A_586 : memref<1000xf32, #tpu.memory_space<hbm>>) dst(%dma_wait3A_578 : memref<128xf32, #tpu.memory_space<vmem>>)
    %dma_wait3A_587 = arith.constant 0 : i32
    %dma_wait3A_588 = arith.constant 2 : i32
    %dma_wait3A_589 = arith.constant 2 : i32
    %dma_wait3A_590 = arith.constant 0 : i32
    %dma_wait3A_591 = tpu.memref_slice %arg19[%dma_wait3A_589, %dma_wait3A_590] : memref<4x128xf32, #tpu.memory_space<vmem>> -> memref<1x128xf32, #tpu.memory_space<vmem>>
    %dma_wait3A_592 = tpu.memref_squeeze %dma_wait3A_591 : memref<1x128xf32, #tpu.memory_space<vmem>> -> memref<128xf32, #tpu.memory_space<vmem>>
    %dma_wait3A_593 = arith.constant 0 : i32
    %dma_wait3A_594 = tpu.memref_slice %arg14[%dma_wait3A_588, %dma_wait3A_593] : memref<4x128xi32, #tpu.memory_space<vmem>> -> memref<1x128xi32, #tpu.memory_space<vmem>>
    %dma_wait3A_595 = tpu.memref_squeeze %dma_wait3A_594 : memref<1x128xi32, #tpu.memory_space<vmem>> -> memref<128xi32, #tpu.memory_space<vmem>>
    %dma_wait3A_596 = arith.constant 0 : i32
    %dma_wait3A_597 = tpu.memref_slice %arg9[%dma_wait3A_587, %dma_wait3A_596] : memref<1x1000xf32, #tpu.memory_space<hbm>> -> memref<1x1000xf32, #tpu.memory_space<hbm>>
    %dma_wait3A_598 = tpu.memref_squeeze %dma_wait3A_597 : memref<1x1000xf32, #tpu.memory_space<hbm>> -> memref<1000xf32, #tpu.memory_space<hbm>>
    %dma_wait3A_599 = arith.constant 0 : i32
    %dma_wait3A_600 = tpu.memref_slice %dma_wait3A_598[%dma_wait3A_599] : memref<1000xf32, #tpu.memory_space<hbm>> -> memref<1000xf32, #tpu.memory_space<hbm>>
    tpu.wait_indirect_dma semaphore(%arg22 : memref<!tpu.dma_semaphore, #tpu.memory_space<semaphore_mem>>) src(%dma_wait3A_600 : memref<1000xf32, #tpu.memory_space<hbm>>) dst(%dma_wait3A_592 : memref<128xf32, #tpu.memory_space<vmem>>)
    %dma_wait3A_601 = arith.constant 0 : i32
    %dma_wait3A_602 = arith.constant 3 : i32
    %dma_wait3A_603 = arith.constant 3 : i32
    %dma_wait3A_604 = arith.constant 0 : i32
    %dma_wait3A_605 = tpu.memref_slice %arg19[%dma_wait3A_603, %dma_wait3A_604] : memref<4x128xf32, #tpu.memory_space<vmem>> -> memref<1x128xf32, #tpu.memory_space<vmem>>
    %dma_wait3A_606 = tpu.memref_squeeze %dma_wait3A_605 : memref<1x128xf32, #tpu.memory_space<vmem>> -> memref<128xf32, #tpu.memory_space<vmem>>
    %dma_wait3A_607 = arith.constant 0 : i32
    %dma_wait3A_608 = tpu.memref_slice %arg14[%dma_wait3A_602, %dma_wait3A_607] : memref<4x128xi32, #tpu.memory_space<vmem>> -> memref<1x128xi32, #tpu.memory_space<vmem>>
    %dma_wait3A_609 = tpu.memref_squeeze %dma_wait3A_608 : memref<1x128xi32, #tpu.memory_space<vmem>> -> memref<128xi32, #tpu.memory_space<vmem>>
    %dma_wait3A_610 = arith.constant 0 : i32
    %dma_wait3A_611 = tpu.memref_slice %arg9[%dma_wait3A_601, %dma_wait3A_610] : memref<1x1000xf32, #tpu.memory_space<hbm>> -> memref<1x1000xf32, #tpu.memory_space<hbm>>
    %dma_wait3A_612 = tpu.memref_squeeze %dma_wait3A_611 : memref<1x1000xf32, #tpu.memory_space<hbm>> -> memref<1000xf32, #tpu.memory_space<hbm>>
    %dma_wait3A_613 = arith.constant 0 : i32
    %dma_wait3A_614 = tpu.memref_slice %dma_wait3A_612[%dma_wait3A_613] : memref<1000xf32, #tpu.memory_space<hbm>> -> memref<1000xf32, #tpu.memory_space<hbm>>
    tpu.wait_indirect_dma semaphore(%arg22 : memref<!tpu.dma_semaphore, #tpu.memory_space<semaphore_mem>>) src(%dma_wait3A_614 : memref<1000xf32, #tpu.memory_space<hbm>>) dst(%dma_wait3A_606 : memref<128xf32, #tpu.memory_space<vmem>>)
    %get3A = arith.constant 0 : index
    %get3A_615 = tpu.vector_load %arg21[%get3A] {strides = array<i32>} : memref<16xf32, #tpu.memory_space<vmem>>, vector<16xf32>,
    %get3A_616 = vector.shape_cast %get3A_615 : vector<16xf32> to vector<16xf32>
    %slice3A = vector.extract_strided_slice %get3A_616 {offsets = [0], sizes = [1], strides = [1]} : vector<16xf32> to vector<1xf32>
    %squeeze3A = vector.extract %slice3A[0] : f32 from vector<1xf32>
    %get3A_617 = arith.constant 0 : i32
    %get3A_618 = arith.index_cast %get3A_617 : i32 to index
    %get3A_619 = arith.constant 0 : index
    %get3A_620 = tpu.vector_load %arg15[%get3A_618, %get3A_619] {strides = array<i32>} : memref<4x128xf32, #tpu.memory_space<vmem>>, vector<1x16xf32>,
    %get3A_621 = vector.shape_cast %get3A_620 : vector<1x16xf32> to vector<16xf32>
    %get3A_622 = arith.constant 0 : i32
    %get3A_623 = arith.index_cast %get3A_622 : i32 to index
    %get3A_624 = arith.constant 0 : index
    %get3A_625 = tpu.vector_load %arg16[%get3A_623, %get3A_624] {strides = array<i32>} : memref<4x128xf32, #tpu.memory_space<vmem>>, vector<1x16xf32>,
    %get3A_626 = vector.shape_cast %get3A_625 : vector<1x16xf32> to vector<16xf32>
    %add3A_627 = arith.addf %get3A_621, %get3A_626 : vector<16xf32>
    %get3A_628 = arith.constant 0 : i32
    %get3A_629 = arith.index_cast %get3A_628 : i32 to index
    %get3A_630 = arith.constant 0 : index
    %get3A_631 = tpu.vector_load %arg17[%get3A_629, %get3A_630] {strides = array<i32>} : memref<4x128xf32, #tpu.memory_space<vmem>>, vector<1x16xf32>,
    %get3A_632 = vector.shape_cast %get3A_631 : vector<1x16xf32> to vector<16xf32>
    %add3A_633 = arith.addf %add3A_627, %get3A_632 : vector<16xf32>
    %get3A_634 = arith.constant 0 : i32
    %get3A_635 = arith.index_cast %get3A_634 : i32 to index
    %get3A_636 = arith.constant 0 : index
    %get3A_637 = tpu.vector_load %arg18[%get3A_635, %get3A_636] {strides = array<i32>} : memref<4x128xf32, #tpu.memory_space<vmem>>, vector<1x16xf32>,
    %get3A_638 = vector.shape_cast %get3A_637 : vector<1x16xf32> to vector<16xf32>
    %add3A_639 = arith.addf %add3A_633, %get3A_638 : vector<16xf32>
    %get3A_640 = arith.constant 0 : i32
    %get3A_641 = arith.index_cast %get3A_640 : i32 to index
    %get3A_642 = arith.constant 0 : index
    %get3A_643 = tpu.vector_load %arg19[%get3A_641, %get3A_642] {strides = array<i32>} : memref<4x128xf32, #tpu.memory_space<vmem>>, vector<1x16xf32>,
    %get3A_644 = vector.shape_cast %get3A_643 : vector<1x16xf32> to vector<16xf32>
    %add3A_645 = arith.addf %add3A_639, %get3A_644 : vector<16xf32>
    %add3A_646 = vector.broadcast %squeeze3A : f32 to vector<16xf32>
    %add3A_647 = arith.addf %add3A_645, %add3A_646 : vector<16xf32>
    %swap3A = arith.constant 0 : i32
    %swap3A_648 = arith.index_cast %swap3A : i32 to index
    %swap3A_649 = arith.constant 0 : index
    %swap3A_650 = tpu.vector_load %arg20[%swap3A_648, %swap3A_649] {strides = array<i32>} : memref<4x128xf32, #tpu.memory_space<vmem>>, vector<1x16xf32>,
    %swap3A_651 = vector.shape_cast %swap3A_650 : vector<1x16xf32> to vector<16xf32>
    %swap3A_652 = vector.shape_cast %add3A_647 : vector<16xf32> to vector<1x16xf32>
    tpu.vector_store %arg20[%swap3A_648, %swap3A_649], %swap3A_652 {strides = array<i32>} : memref<4x128xf32, #tpu.memory_space<vmem>>, vector<1x16xf32>,
    %get3A_653 = arith.constant 0 : i32
    %get3A_654 = arith.index_cast %get3A_653 : i32 to index
    %get3A_655 = arith.constant 16 : index
    %get3A_656 = tpu.vector_load %arg15[%get3A_654, %get3A_655] {strides = array<i32>} : memref<4x128xf32, #tpu.memory_space<vmem>>, vector<1x16xf32>,
    %get3A_657 = vector.shape_cast %get3A_656 : vector<1x16xf32> to vector<16xf32>
    %get3A_658 = arith.constant 0 : i32
    %get3A_659 = arith.index_cast %get3A_658 : i32 to index
    %get3A_660 = arith.constant 16 : index
    %get3A_661 = tpu.vector_load %arg16[%get3A_659, %get3A_660] {strides = array<i32>} : memref<4x128xf32, #tpu.memory_space<vmem>>, vector<1x16xf32>,
    %get3A_662 = vector.shape_cast %get3A_661 : vector<1x16xf32> to vector<16xf32>
    %add3A_663 = arith.addf %get3A_657, %get3A_662 : vector<16xf32>
    %get3A_664 = arith.constant 0 : i32
    %get3A_665 = arith.index_cast %get3A_664 : i32 to index
    %get3A_666 = arith.constant 16 : index
    %get3A_667 = tpu.vector_load %arg17[%get3A_665, %get3A_666] {strides = array<i32>} : memref<4x128xf32, #tpu.memory_space<vmem>>, vector<1x16xf32>,
    %get3A_668 = vector.shape_cast %get3A_667 : vector<1x16xf32> to vector<16xf32>
    %add3A_669 = arith.addf %add3A_663, %get3A_668 : vector<16xf32>
    %get3A_670 = arith.constant 0 : i32
    %get3A_671 = arith.index_cast %get3A_670 : i32 to index
    %get3A_672 = arith.constant 16 : index
    %get3A_673 = tpu.vector_load %arg18[%get3A_671, %get3A_672] {strides = array<i32>} : memref<4x128xf32, #tpu.memory_space<vmem>>, vector<1x16xf32>,
    %get3A_674 = vector.shape_cast %get3A_673 : vector<1x16xf32> to vector<16xf32>
    %add3A_675 = arith.addf %add3A_669, %get3A_674 : vector<16xf32>
    %get3A_676 = arith.constant 0 : i32
    %get3A_677 = arith.index_cast %get3A_676 : i32 to index
    %get3A_678 = arith.constant 16 : index
    %get3A_679 = tpu.vector_load %arg19[%get3A_677, %get3A_678] {strides = array<i32>} : memref<4x128xf32, #tpu.memory_space<vmem>>, vector<1x16xf32>,
    %get3A_680 = vector.shape_cast %get3A_679 : vector<1x16xf32> to vector<16xf32>
    %add3A_681 = arith.addf %add3A_675, %get3A_680 : vector<16xf32>
    %add3A_682 = vector.broadcast %squeeze3A : f32 to vector<16xf32>
    %add3A_683 = arith.addf %add3A_681, %add3A_682 : vector<16xf32>
    %swap3A_684 = arith.constant 0 : i32
    %swap3A_685 = arith.index_cast %swap3A_684 : i32 to index
    %swap3A_686 = arith.constant 16 : index
    %swap3A_687 = tpu.vector_load %arg20[%swap3A_685, %swap3A_686] {strides = array<i32>} : memref<4x128xf32, #tpu.memory_space<vmem>>, vector<1x16xf32>,
    %swap3A_688 = vector.shape_cast %swap3A_687 : vector<1x16xf32> to vector<16xf32>
    %swap3A_689 = vector.shape_cast %add3A_683 : vector<16xf32> to vector<1x16xf32>
    tpu.vector_store %arg20[%swap3A_685, %swap3A_686], %swap3A_689 {strides = array<i32>} : memref<4x128xf32, #tpu.memory_space<vmem>>, vector<1x16xf32>,
    %get3A_690 = arith.constant 0 : i32
    %get3A_691 = arith.index_cast %get3A_690 : i32 to index
    %get3A_692 = arith.constant 32 : index
    %get3A_693 = tpu.vector_load %arg15[%get3A_691, %get3A_692] {strides = array<i32>} : memref<4x128xf32, #tpu.memory_space<vmem>>, vector<1x16xf32>,
    %get3A_694 = vector.shape_cast %get3A_693 : vector<1x16xf32> to vector<16xf32>
    %get3A_695 = arith.constant 0 : i32
    %get3A_696 = arith.index_cast %get3A_695 : i32 to index
    %get3A_697 = arith.constant 32 : index
    %get3A_698 = tpu.vector_load %arg16[%get3A_696, %get3A_697] {strides = array<i32>} : memref<4x128xf32, #tpu.memory_space<vmem>>, vector<1x16xf32>,
    %get3A_699 = vector.shape_cast %get3A_698 : vector<1x16xf32> to vector<16xf32>
    %add3A_700 = arith.addf %get3A_694, %get3A_699 : vector<16xf32>
    %get3A_701 = arith.constant 0 : i32
    %get3A_702 = arith.index_cast %get3A_701 : i32 to index
    %get3A_703 = arith.constant 32 : index
    %get3A_704 = tpu.vector_load %arg17[%get3A_702, %get3A_703] {strides = array<i32>} : memref<4x128xf32, #tpu.memory_space<vmem>>, vector<1x16xf32>,
    %get3A_705 = vector.shape_cast %get3A_704 : vector<1x16xf32> to vector<16xf32>
    %add3A_706 = arith.addf %add3A_700, %get3A_705 : vector<16xf32>
    %get3A_707 = arith.constant 0 : i32
    %get3A_708 = arith.index_cast %get3A_707 : i32 to index
    %get3A_709 = arith.constant 32 : index
    %get3A_710 = tpu.vector_load %arg18[%get3A_708, %get3A_709] {strides = array<i32>} : memref<4x128xf32, #tpu.memory_space<vmem>>, vector<1x16xf32>,
    %get3A_711 = vector.shape_cast %get3A_710 : vector<1x16xf32> to vector<16xf32>
    %add3A_712 = arith.addf %add3A_706, %get3A_711 : vector<16xf32>
    %get3A_713 = arith.constant 0 : i32
    %get3A_714 = arith.index_cast %get3A_713 : i32 to index
    %get3A_715 = arith.constant 32 : index
    %get3A_716 = tpu.vector_load %arg19[%get3A_714, %get3A_715] {strides = array<i32>} : memref<4x128xf32, #tpu.memory_space<vmem>>, vector<1x16xf32>,
    %get3A_717 = vector.shape_cast %get3A_716 : vector<1x16xf32> to vector<16xf32>
    %add3A_718 = arith.addf %add3A_712, %get3A_717 : vector<16xf32>
    %add3A_719 = vector.broadcast %squeeze3A : f32 to vector<16xf32>
    %add3A_720 = arith.addf %add3A_718, %add3A_719 : vector<16xf32>
    %swap3A_721 = arith.constant 0 : i32
    %swap3A_722 = arith.index_cast %swap3A_721 : i32 to index
    %swap3A_723 = arith.constant 32 : index
    %swap3A_724 = tpu.vector_load %arg20[%swap3A_722, %swap3A_723] {strides = array<i32>} : memref<4x128xf32, #tpu.memory_space<vmem>>, vector<1x16xf32>,
    %swap3A_725 = vector.shape_cast %swap3A_724 : vector<1x16xf32> to vector<16xf32>
    %swap3A_726 = vector.shape_cast %add3A_720 : vector<16xf32> to vector<1x16xf32>
    tpu.vector_store %arg20[%swap3A_722, %swap3A_723], %swap3A_726 {strides = array<i32>} : memref<4x128xf32, #tpu.memory_space<vmem>>, vector<1x16xf32>,
    %get3A_727 = arith.constant 0 : i32
    %get3A_728 = arith.index_cast %get3A_727 : i32 to index
    %get3A_729 = arith.constant 48 : index
    %get3A_730 = tpu.vector_load %arg15[%get3A_728, %get3A_729] {strides = array<i32>} : memref<4x128xf32, #tpu.memory_space<vmem>>, vector<1x16xf32>,
    %get3A_731 = vector.shape_cast %get3A_730 : vector<1x16xf32> to vector<16xf32>
    %get3A_732 = arith.constant 0 : i32
    %get3A_733 = arith.index_cast %get3A_732 : i32 to index
    %get3A_734 = arith.constant 48 : index
    %get3A_735 = tpu.vector_load %arg16[%get3A_733, %get3A_734] {strides = array<i32>} : memref<4x128xf32, #tpu.memory_space<vmem>>, vector<1x16xf32>,
    %get3A_736 = vector.shape_cast %get3A_735 : vector<1x16xf32> to vector<16xf32>
    %add3A_737 = arith.addf %get3A_731, %get3A_736 : vector<16xf32>
    %get3A_738 = arith.constant 0 : i32
    %get3A_739 = arith.index_cast %get3A_738 : i32 to index
    %get3A_740 = arith.constant 48 : index
    %get3A_741 = tpu.vector_load %arg17[%get3A_739, %get3A_740] {strides = array<i32>} : memref<4x128xf32, #tpu.memory_space<vmem>>, vector<1x16xf32>,
    %get3A_742 = vector.shape_cast %get3A_741 : vector<1x16xf32> to vector<16xf32>
    %add3A_743 = arith.addf %add3A_737, %get3A_742 : vector<16xf32>
    %get3A_744 = arith.constant 0 : i32
    %get3A_745 = arith.index_cast %get3A_744 : i32 to index
    %get3A_746 = arith.constant 48 : index
    %get3A_747 = tpu.vector_load %arg18[%get3A_745, %get3A_746] {strides = array<i32>} : memref<4x128xf32, #tpu.memory_space<vmem>>, vector<1x16xf32>,
    %get3A_748 = vector.shape_cast %get3A_747 : vector<1x16xf32> to vector<16xf32>
    %add3A_749 = arith.addf %add3A_743, %get3A_748 : vector<16xf32>
    %get3A_750 = arith.constant 0 : i32
    %get3A_751 = arith.index_cast %get3A_750 : i32 to index
    %get3A_752 = arith.constant 48 : index
    %get3A_753 = tpu.vector_load %arg19[%get3A_751, %get3A_752] {strides = array<i32>} : memref<4x128xf32, #tpu.memory_space<vmem>>, vector<1x16xf32>,
    %get3A_754 = vector.shape_cast %get3A_753 : vector<1x16xf32> to vector<16xf32>
    %add3A_755 = arith.addf %add3A_749, %get3A_754 : vector<16xf32>
    %add3A_756 = vector.broadcast %squeeze3A : f32 to vector<16xf32>
    %add3A_757 = arith.addf %add3A_755, %add3A_756 : vector<16xf32>
    %swap3A_758 = arith.constant 0 : i32
    %swap3A_759 = arith.index_cast %swap3A_758 : i32 to index
    %swap3A_760 = arith.constant 48 : index
    %swap3A_761 = tpu.vector_load %arg20[%swap3A_759, %swap3A_760] {strides = array<i32>} : memref<4x128xf32, #tpu.memory_space<vmem>>, vector<1x16xf32>,
    %swap3A_762 = vector.shape_cast %swap3A_761 : vector<1x16xf32> to vector<16xf32>
    %swap3A_763 = vector.shape_cast %add3A_757 : vector<16xf32> to vector<1x16xf32>
    tpu.vector_store %arg20[%swap3A_759, %swap3A_760], %swap3A_763 {strides = array<i32>} : memref<4x128xf32, #tpu.memory_space<vmem>>, vector<1x16xf32>,
    %get3A_764 = arith.constant 0 : i32
    %get3A_765 = arith.index_cast %get3A_764 : i32 to index
    %get3A_766 = arith.constant 64 : index
    %get3A_767 = tpu.vector_load %arg15[%get3A_765, %get3A_766] {strides = array<i32>} : memref<4x128xf32, #tpu.memory_space<vmem>>, vector<1x16xf32>,
    %get3A_768 = vector.shape_cast %get3A_767 : vector<1x16xf32> to vector<16xf32>
    %get3A_769 = arith.constant 0 : i32
    %get3A_770 = arith.index_cast %get3A_769 : i32 to index
    %get3A_771 = arith.constant 64 : index
    %get3A_772 = tpu.vector_load %arg16[%get3A_770, %get3A_771] {strides = array<i32>} : memref<4x128xf32, #tpu.memory_space<vmem>>, vector<1x16xf32>,
    %get3A_773 = vector.shape_cast %get3A_772 : vector<1x16xf32> to vector<16xf32>
    %add3A_774 = arith.addf %get3A_768, %get3A_773 : vector<16xf32>
    %get3A_775 = arith.constant 0 : i32
    %get3A_776 = arith.index_cast %get3A_775 : i32 to index
    %get3A_777 = arith.constant 64 : index
    %get3A_778 = tpu.vector_load %arg17[%get3A_776, %get3A_777] {strides = array<i32>} : memref<4x128xf32, #tpu.memory_space<vmem>>, vector<1x16xf32>,
    %get3A_779 = vector.shape_cast %get3A_778 : vector<1x16xf32> to vector<16xf32>
    %add3A_780 = arith.addf %add3A_774, %get3A_779 : vector<16xf32>
    %get3A_781 = arith.constant 0 : i32
    %get3A_782 = arith.index_cast %get3A_781 : i32 to index
    %get3A_783 = arith.constant 64 : index
    %get3A_784 = tpu.vector_load %arg18[%get3A_782, %get3A_783] {strides = array<i32>} : memref<4x128xf32, #tpu.memory_space<vmem>>, vector<1x16xf32>,
    %get3A_785 = vector.shape_cast %get3A_784 : vector<1x16xf32> to vector<16xf32>
    %add3A_786 = arith.addf %add3A_780, %get3A_785 : vector<16xf32>
    %get3A_787 = arith.constant 0 : i32
    %get3A_788 = arith.index_cast %get3A_787 : i32 to index
    %get3A_789 = arith.constant 64 : index
    %get3A_790 = tpu.vector_load %arg19[%get3A_788, %get3A_789] {strides = array<i32>} : memref<4x128xf32, #tpu.memory_space<vmem>>, vector<1x16xf32>,
    %get3A_791 = vector.shape_cast %get3A_790 : vector<1x16xf32> to vector<16xf32>
    %add3A_792 = arith.addf %add3A_786, %get3A_791 : vector<16xf32>
    %add3A_793 = vector.broadcast %squeeze3A : f32 to vector<16xf32>
    %add3A_794 = arith.addf %add3A_792, %add3A_793 : vector<16xf32>
    %swap3A_795 = arith.constant 0 : i32
    %swap3A_796 = arith.index_cast %swap3A_795 : i32 to index
    %swap3A_797 = arith.constant 64 : index
    %swap3A_798 = tpu.vector_load %arg20[%swap3A_796, %swap3A_797] {strides = array<i32>} : memref<4x128xf32, #tpu.memory_space<vmem>>, vector<1x16xf32>,
    %swap3A_799 = vector.shape_cast %swap3A_798 : vector<1x16xf32> to vector<16xf32>
    %swap3A_800 = vector.shape_cast %add3A_794 : vector<16xf32> to vector<1x16xf32>
    tpu.vector_store %arg20[%swap3A_796, %swap3A_797], %swap3A_800 {strides = array<i32>} : memref<4x128xf32, #tpu.memory_space<vmem>>, vector<1x16xf32>,
    %get3A_801 = arith.constant 0 : i32
    %get3A_802 = arith.index_cast %get3A_801 : i32 to index
    %get3A_803 = arith.constant 80 : index
    %get3A_804 = tpu.vector_load %arg15[%get3A_802, %get3A_803] {strides = array<i32>} : memref<4x128xf32, #tpu.memory_space<vmem>>, vector<1x16xf32>,
    %get3A_805 = vector.shape_cast %get3A_804 : vector<1x16xf32> to vector<16xf32>
    %get3A_806 = arith.constant 0 : i32
    %get3A_807 = arith.index_cast %get3A_806 : i32 to index
    %get3A_808 = arith.constant 80 : index
    %get3A_809 = tpu.vector_load %arg16[%get3A_807, %get3A_808] {strides = array<i32>} : memref<4x128xf32, #tpu.memory_space<vmem>>, vector<1x16xf32>,
    %get3A_810 = vector.shape_cast %get3A_809 : vector<1x16xf32> to vector<16xf32>
    %add3A_811 = arith.addf %get3A_805, %get3A_810 : vector<16xf32>
    %get3A_812 = arith.constant 0 : i32
    %get3A_813 = arith.index_cast %get3A_812 : i32 to index
    %get3A_814 = arith.constant 80 : index
    %get3A_815 = tpu.vector_load %arg17[%get3A_813, %get3A_814] {strides = array<i32>} : memref<4x128xf32, #tpu.memory_space<vmem>>, vector<1x16xf32>,
    %get3A_816 = vector.shape_cast %get3A_815 : vector<1x16xf32> to vector<16xf32>
    %add3A_817 = arith.addf %add3A_811, %get3A_816 : vector<16xf32>
    %get3A_818 = arith.constant 0 : i32
    %get3A_819 = arith.index_cast %get3A_818 : i32 to index
    %get3A_820 = arith.constant 80 : index
    %get3A_821 = tpu.vector_load %arg18[%get3A_819, %get3A_820] {strides = array<i32>} : memref<4x128xf32, #tpu.memory_space<vmem>>, vector<1x16xf32>,
    %get3A_822 = vector.shape_cast %get3A_821 : vector<1x16xf32> to vector<16xf32>
    %add3A_823 = arith.addf %add3A_817, %get3A_822 : vector<16xf32>
    %get3A_824 = arith.constant 0 : i32
    %get3A_825 = arith.index_cast %get3A_824 : i32 to index
    %get3A_826 = arith.constant 80 : index
    %get3A_827 = tpu.vector_load %arg19[%get3A_825, %get3A_826] {strides = array<i32>} : memref<4x128xf32, #tpu.memory_space<vmem>>, vector<1x16xf32>,
    %get3A_828 = vector.shape_cast %get3A_827 : vector<1x16xf32> to vector<16xf32>
    %add3A_829 = arith.addf %add3A_823, %get3A_828 : vector<16xf32>
    %add3A_830 = vector.broadcast %squeeze3A : f32 to vector<16xf32>
    %add3A_831 = arith.addf %add3A_829, %add3A_830 : vector<16xf32>
    %swap3A_832 = arith.constant 0 : i32
    %swap3A_833 = arith.index_cast %swap3A_832 : i32 to index
    %swap3A_834 = arith.constant 80 : index
    %swap3A_835 = tpu.vector_load %arg20[%swap3A_833, %swap3A_834] {strides = array<i32>} : memref<4x128xf32, #tpu.memory_space<vmem>>, vector<1x16xf32>,
    %swap3A_836 = vector.shape_cast %swap3A_835 : vector<1x16xf32> to vector<16xf32>
    %swap3A_837 = vector.shape_cast %add3A_831 : vector<16xf32> to vector<1x16xf32>
    tpu.vector_store %arg20[%swap3A_833, %swap3A_834], %swap3A_837 {strides = array<i32>} : memref<4x128xf32, #tpu.memory_space<vmem>>, vector<1x16xf32>,
    %get3A_838 = arith.constant 0 : i32
    %get3A_839 = arith.index_cast %get3A_838 : i32 to index
    %get3A_840 = arith.constant 96 : index
    %get3A_841 = tpu.vector_load %arg15[%get3A_839, %get3A_840] {strides = array<i32>} : memref<4x128xf32, #tpu.memory_space<vmem>>, vector<1x16xf32>,
    %get3A_842 = vector.shape_cast %get3A_841 : vector<1x16xf32> to vector<16xf32>
    %get3A_843 = arith.constant 0 : i32
    %get3A_844 = arith.index_cast %get3A_843 : i32 to index
    %get3A_845 = arith.constant 96 : index
    %get3A_846 = tpu.vector_load %arg16[%get3A_844, %get3A_845] {strides = array<i32>} : memref<4x128xf32, #tpu.memory_space<vmem>>, vector<1x16xf32>,
    %get3A_847 = vector.shape_cast %get3A_846 : vector<1x16xf32> to vector<16xf32>
    %add3A_848 = arith.addf %get3A_842, %get3A_847 : vector<16xf32>
    %get3A_849 = arith.constant 0 : i32
    %get3A_850 = arith.index_cast %get3A_849 : i32 to index
    %get3A_851 = arith.constant 96 : index
    %get3A_852 = tpu.vector_load %arg17[%get3A_850, %get3A_851] {strides = array<i32>} : memref<4x128xf32, #tpu.memory_space<vmem>>, vector<1x16xf32>,
    %get3A_853 = vector.shape_cast %get3A_852 : vector<1x16xf32> to vector<16xf32>
    %add3A_854 = arith.addf %add3A_848, %get3A_853 : vector<16xf32>
    %get3A_855 = arith.constant 0 : i32
    %get3A_856 = arith.index_cast %get3A_855 : i32 to index
    %get3A_857 = arith.constant 96 : index
    %get3A_858 = tpu.vector_load %arg18[%get3A_856, %get3A_857] {strides = array<i32>} : memref<4x128xf32, #tpu.memory_space<vmem>>, vector<1x16xf32>,
    %get3A_859 = vector.shape_cast %get3A_858 : vector<1x16xf32> to vector<16xf32>
    %add3A_860 = arith.addf %add3A_854, %get3A_859 : vector<16xf32>
    %get3A_861 = arith.constant 0 : i32
    %get3A_862 = arith.index_cast %get3A_861 : i32 to index
    %get3A_863 = arith.constant 96 : index
    %get3A_864 = tpu.vector_load %arg19[%get3A_862, %get3A_863] {strides = array<i32>} : memref<4x128xf32, #tpu.memory_space<vmem>>, vector<1x16xf32>,
    %get3A_865 = vector.shape_cast %get3A_864 : vector<1x16xf32> to vector<16xf32>
    %add3A_866 = arith.addf %add3A_860, %get3A_865 : vector<16xf32>
    %add3A_867 = vector.broadcast %squeeze3A : f32 to vector<16xf32>
    %add3A_868 = arith.addf %add3A_866, %add3A_867 : vector<16xf32>
    %swap3A_869 = arith.constant 0 : i32
    %swap3A_870 = arith.index_cast %swap3A_869 : i32 to index
    %swap3A_871 = arith.constant 96 : index
    %swap3A_872 = tpu.vector_load %arg20[%swap3A_870, %swap3A_871] {strides = array<i32>} : memref<4x128xf32, #tpu.memory_space<vmem>>, vector<1x16xf32>,
    %swap3A_873 = vector.shape_cast %swap3A_872 : vector<1x16xf32> to vector<16xf32>
    %swap3A_874 = vector.shape_cast %add3A_868 : vector<16xf32> to vector<1x16xf32>
    tpu.vector_store %arg20[%swap3A_870, %swap3A_871], %swap3A_874 {strides = array<i32>} : memref<4x128xf32, #tpu.memory_space<vmem>>, vector<1x16xf32>,
    %get3A_875 = arith.constant 0 : i32
    %get3A_876 = arith.index_cast %get3A_875 : i32 to index
    %get3A_877 = arith.constant 112 : index
    %get3A_878 = tpu.vector_load %arg15[%get3A_876, %get3A_877] {strides = array<i32>} : memref<4x128xf32, #tpu.memory_space<vmem>>, vector<1x16xf32>,
    %get3A_879 = vector.shape_cast %get3A_878 : vector<1x16xf32> to vector<16xf32>
    %get3A_880 = arith.constant 0 : i32
    %get3A_881 = arith.index_cast %get3A_880 : i32 to index
    %get3A_882 = arith.constant 112 : index
    %get3A_883 = tpu.vector_load %arg16[%get3A_881, %get3A_882] {strides = array<i32>} : memref<4x128xf32, #tpu.memory_space<vmem>>, vector<1x16xf32>,
    %get3A_884 = vector.shape_cast %get3A_883 : vector<1x16xf32> to vector<16xf32>
    %add3A_885 = arith.addf %get3A_879, %get3A_884 : vector<16xf32>
    %get3A_886 = arith.constant 0 : i32
    %get3A_887 = arith.index_cast %get3A_886 : i32 to index
    %get3A_888 = arith.constant 112 : index
    %get3A_889 = tpu.vector_load %arg17[%get3A_887, %get3A_888] {strides = array<i32>} : memref<4x128xf32, #tpu.memory_space<vmem>>, vector<1x16xf32>,
    %get3A_890 = vector.shape_cast %get3A_889 : vector<1x16xf32> to vector<16xf32>
    %add3A_891 = arith.addf %add3A_885, %get3A_890 : vector<16xf32>
    %get3A_892 = arith.constant 0 : i32
    %get3A_893 = arith.index_cast %get3A_892 : i32 to index
    %get3A_894 = arith.constant 112 : index
    %get3A_895 = tpu.vector_load %arg18[%get3A_893, %get3A_894] {strides = array<i32>} : memref<4x128xf32, #tpu.memory_space<vmem>>, vector<1x16xf32>,
    %get3A_896 = vector.shape_cast %get3A_895 : vector<1x16xf32> to vector<16xf32>
    %add3A_897 = arith.addf %add3A_891, %get3A_896 : vector<16xf32>
    %get3A_898 = arith.constant 0 : i32
    %get3A_899 = arith.index_cast %get3A_898 : i32 to index
    %get3A_900 = arith.constant 112 : index
    %get3A_901 = tpu.vector_load %arg19[%get3A_899, %get3A_900] {strides = array<i32>} : memref<4x128xf32, #tpu.memory_space<vmem>>, vector<1x16xf32>,
    %get3A_902 = vector.shape_cast %get3A_901 : vector<1x16xf32> to vector<16xf32>
    %add3A_903 = arith.addf %add3A_897, %get3A_902 : vector<16xf32>
    %add3A_904 = vector.broadcast %squeeze3A : f32 to vector<16xf32>
    %add3A_905 = arith.addf %add3A_903, %add3A_904 : vector<16xf32>
    %swap3A_906 = arith.constant 0 : i32
    %swap3A_907 = arith.index_cast %swap3A_906 : i32 to index
    %swap3A_908 = arith.constant 112 : index
    %swap3A_909 = tpu.vector_load %arg20[%swap3A_907, %swap3A_908] {strides = array<i32>} : memref<4x128xf32, #tpu.memory_space<vmem>>, vector<1x16xf32>,
    %swap3A_910 = vector.shape_cast %swap3A_909 : vector<1x16xf32> to vector<16xf32>
    %swap3A_911 = vector.shape_cast %add3A_905 : vector<16xf32> to vector<1x16xf32>
    tpu.vector_store %arg20[%swap3A_907, %swap3A_908], %swap3A_911 {strides = array<i32>} : memref<4x128xf32, #tpu.memory_space<vmem>>, vector<1x16xf32>,
    %get3A_912 = arith.constant 1 : i32
    %get3A_913 = arith.index_cast %get3A_912 : i32 to index
    %get3A_914 = arith.constant 0 : index
    %get3A_915 = tpu.vector_load %arg15[%get3A_913, %get3A_914] {strides = array<i32>} : memref<4x128xf32, #tpu.memory_space<vmem>>, vector<1x16xf32>,
    %get3A_916 = vector.shape_cast %get3A_915 : vector<1x16xf32> to vector<16xf32>
    %get3A_917 = arith.constant 1 : i32
    %get3A_918 = arith.index_cast %get3A_917 : i32 to index
    %get3A_919 = arith.constant 0 : index
    %get3A_920 = tpu.vector_load %arg16[%get3A_918, %get3A_919] {strides = array<i32>} : memref<4x128xf32, #tpu.memory_space<vmem>>, vector<1x16xf32>,
    %get3A_921 = vector.shape_cast %get3A_920 : vector<1x16xf32> to vector<16xf32>
    %add3A_922 = arith.addf %get3A_916, %get3A_921 : vector<16xf32>
    %get3A_923 = arith.constant 1 : i32
    %get3A_924 = arith.index_cast %get3A_923 : i32 to index
    %get3A_925 = arith.constant 0 : index
    %get3A_926 = tpu.vector_load %arg17[%get3A_924, %get3A_925] {strides = array<i32>} : memref<4x128xf32, #tpu.memory_space<vmem>>, vector<1x16xf32>,
    %get3A_927 = vector.shape_cast %get3A_926 : vector<1x16xf32> to vector<16xf32>
    %add3A_928 = arith.addf %add3A_922, %get3A_927 : vector<16xf32>
    %get3A_929 = arith.constant 1 : i32
    %get3A_930 = arith.index_cast %get3A_929 : i32 to index
    %get3A_931 = arith.constant 0 : index
    %get3A_932 = tpu.vector_load %arg18[%get3A_930, %get3A_931] {strides = array<i32>} : memref<4x128xf32, #tpu.memory_space<vmem>>, vector<1x16xf32>,
    %get3A_933 = vector.shape_cast %get3A_932 : vector<1x16xf32> to vector<16xf32>
    %add3A_934 = arith.addf %add3A_928, %get3A_933 : vector<16xf32>
    %get3A_935 = arith.constant 1 : i32
    %get3A_936 = arith.index_cast %get3A_935 : i32 to index
    %get3A_937 = arith.constant 0 : index
    %get3A_938 = tpu.vector_load %arg19[%get3A_936, %get3A_937] {strides = array<i32>} : memref<4x128xf32, #tpu.memory_space<vmem>>, vector<1x16xf32>,
    %get3A_939 = vector.shape_cast %get3A_938 : vector<1x16xf32> to vector<16xf32>
    %add3A_940 = arith.addf %add3A_934, %get3A_939 : vector<16xf32>
    %add3A_941 = vector.broadcast %squeeze3A : f32 to vector<16xf32>
    %add3A_942 = arith.addf %add3A_940, %add3A_941 : vector<16xf32>
    %swap3A_943 = arith.constant 1 : i32
    %swap3A_944 = arith.index_cast %swap3A_943 : i32 to index
    %swap3A_945 = arith.constant 0 : index
    %swap3A_946 = tpu.vector_load %arg20[%swap3A_944, %swap3A_945] {strides = array<i32>} : memref<4x128xf32, #tpu.memory_space<vmem>>, vector<1x16xf32>,
    %swap3A_947 = vector.shape_cast %swap3A_946 : vector<1x16xf32> to vector<16xf32>
    %swap3A_948 = vector.shape_cast %add3A_942 : vector<16xf32> to vector<1x16xf32>
    tpu.vector_store %arg20[%swap3A_944, %swap3A_945], %swap3A_948 {strides = array<i32>} : memref<4x128xf32, #tpu.memory_space<vmem>>, vector<1x16xf32>,
    %get3A_949 = arith.constant 1 : i32
    %get3A_950 = arith.index_cast %get3A_949 : i32 to index
    %get3A_951 = arith.constant 16 : index
    %get3A_952 = tpu.vector_load %arg15[%get3A_950, %get3A_951] {strides = array<i32>} : memref<4x128xf32, #tpu.memory_space<vmem>>, vector<1x16xf32>,
    %get3A_953 = vector.shape_cast %get3A_952 : vector<1x16xf32> to vector<16xf32>
    %get3A_954 = arith.constant 1 : i32
    %get3A_955 = arith.index_cast %get3A_954 : i32 to index
    %get3A_956 = arith.constant 16 : index
    %get3A_957 = tpu.vector_load %arg16[%get3A_955, %get3A_956] {strides = array<i32>} : memref<4x128xf32, #tpu.memory_space<vmem>>, vector<1x16xf32>,
    %get3A_958 = vector.shape_cast %get3A_957 : vector<1x16xf32> to vector<16xf32>
    %add3A_959 = arith.addf %get3A_953, %get3A_958 : vector<16xf32>
    %get3A_960 = arith.constant 1 : i32
    %get3A_961 = arith.index_cast %get3A_960 : i32 to index
    %get3A_962 = arith.constant 16 : index
    %get3A_963 = tpu.vector_load %arg17[%get3A_961, %get3A_962] {strides = array<i32>} : memref<4x128xf32, #tpu.memory_space<vmem>>, vector<1x16xf32>,
    %get3A_964 = vector.shape_cast %get3A_963 : vector<1x16xf32> to vector<16xf32>
    %add3A_965 = arith.addf %add3A_959, %get3A_964 : vector<16xf32>
    %get3A_966 = arith.constant 1 : i32
    %get3A_967 = arith.index_cast %get3A_966 : i32 to index
    %get3A_968 = arith.constant 16 : index
    %get3A_969 = tpu.vector_load %arg18[%get3A_967, %get3A_968] {strides = array<i32>} : memref<4x128xf32, #tpu.memory_space<vmem>>, vector<1x16xf32>,
    %get3A_970 = vector.shape_cast %get3A_969 : vector<1x16xf32> to vector<16xf32>
    %add3A_971 = arith.addf %add3A_965, %get3A_970 : vector<16xf32>
    %get3A_972 = arith.constant 1 : i32
    %get3A_973 = arith.index_cast %get3A_972 : i32 to index
    %get3A_974 = arith.constant 16 : index
    %get3A_975 = tpu.vector_load %arg19[%get3A_973, %get3A_974] {strides = array<i32>} : memref<4x128xf32, #tpu.memory_space<vmem>>, vector<1x16xf32>,
    %get3A_976 = vector.shape_cast %get3A_975 : vector<1x16xf32> to vector<16xf32>
    %add3A_977 = arith.addf %add3A_971, %get3A_976 : vector<16xf32>
    %add3A_978 = vector.broadcast %squeeze3A : f32 to vector<16xf32>
    %add3A_979 = arith.addf %add3A_977, %add3A_978 : vector<16xf32>
    %swap3A_980 = arith.constant 1 : i32
    %swap3A_981 = arith.index_cast %swap3A_980 : i32 to index
    %swap3A_982 = arith.constant 16 : index
    %swap3A_983 = tpu.vector_load %arg20[%swap3A_981, %swap3A_982] {strides = array<i32>} : memref<4x128xf32, #tpu.memory_space<vmem>>, vector<1x16xf32>,
    %swap3A_984 = vector.shape_cast %swap3A_983 : vector<1x16xf32> to vector<16xf32>
    %swap3A_985 = vector.shape_cast %add3A_979 : vector<16xf32> to vector<1x16xf32>
    tpu.vector_store %arg20[%swap3A_981, %swap3A_982], %swap3A_985 {strides = array<i32>} : memref<4x128xf32, #tpu.memory_space<vmem>>, vector<1x16xf32>,
    %get3A_986 = arith.constant 1 : i32
    %get3A_987 = arith.index_cast %get3A_986 : i32 to index
    %get3A_988 = arith.constant 32 : index
    %get3A_989 = tpu.vector_load %arg15[%get3A_987, %get3A_988] {strides = array<i32>} : memref<4x128xf32, #tpu.memory_space<vmem>>, vector<1x16xf32>,
    %get3A_990 = vector.shape_cast %get3A_989 : vector<1x16xf32> to vector<16xf32>
    %get3A_991 = arith.constant 1 : i32
    %get3A_992 = arith.index_cast %get3A_991 : i32 to index
    %get3A_993 = arith.constant 32 : index
    %get3A_994 = tpu.vector_load %arg16[%get3A_992, %get3A_993] {strides = array<i32>} : memref<4x128xf32, #tpu.memory_space<vmem>>, vector<1x16xf32>,
    %get3A_995 = vector.shape_cast %get3A_994 : vector<1x16xf32> to vector<16xf32>
    %add3A_996 = arith.addf %get3A_990, %get3A_995 : vector<16xf32>
    %get3A_997 = arith.constant 1 : i32
    %get3A_998 = arith.index_cast %get3A_997 : i32 to index
    %get3A_999 = arith.constant 32 : index
    %get3A_1000 = tpu.vector_load %arg17[%get3A_998, %get3A_999] {strides = array<i32>} : memref<4x128xf32, #tpu.memory_space<vmem>>, vector<1x16xf32>,
    %get3A_1001 = vector.shape_cast %get3A_1000 : vector<1x16xf32> to vector<16xf32>
    %add3A_1002 = arith.addf %add3A_996, %get3A_1001 : vector<16xf32>
    %get3A_1003 = arith.constant 1 : i32
    %get3A_1004 = arith.index_cast %get3A_1003 : i32 to index
    %get3A_1005 = arith.constant 32 : index
    %get3A_1006 = tpu.vector_load %arg18[%get3A_1004, %get3A_1005] {strides = array<i32>} : memref<4x128xf32, #tpu.memory_space<vmem>>, vector<1x16xf32>,
    %get3A_1007 = vector.shape_cast %get3A_1006 : vector<1x16xf32> to vector<16xf32>
    %add3A_1008 = arith.addf %add3A_1002, %get3A_1007 : vector<16xf32>
    %get3A_1009 = arith.constant 1 : i32
    %get3A_1010 = arith.index_cast %get3A_1009 : i32 to index
    %get3A_1011 = arith.constant 32 : index
    %get3A_1012 = tpu.vector_load %arg19[%get3A_1010, %get3A_1011] {strides = array<i32>} : memref<4x128xf32, #tpu.memory_space<vmem>>, vector<1x16xf32>,
    %get3A_1013 = vector.shape_cast %get3A_1012 : vector<1x16xf32> to vector<16xf32>
    %add3A_1014 = arith.addf %add3A_1008, %get3A_1013 : vector<16xf32>
    %add3A_1015 = vector.broadcast %squeeze3A : f32 to vector<16xf32>
    %add3A_1016 = arith.addf %add3A_1014, %add3A_1015 : vector<16xf32>
    %swap3A_1017 = arith.constant 1 : i32
    %swap3A_1018 = arith.index_cast %swap3A_1017 : i32 to index
    %swap3A_1019 = arith.constant 32 : index
    %swap3A_1020 = tpu.vector_load %arg20[%swap3A_1018, %swap3A_1019] {strides = array<i32>} : memref<4x128xf32, #tpu.memory_space<vmem>>, vector<1x16xf32>,
    %swap3A_1021 = vector.shape_cast %swap3A_1020 : vector<1x16xf32> to vector<16xf32>
    %swap3A_1022 = vector.shape_cast %add3A_1016 : vector<16xf32> to vector<1x16xf32>
    tpu.vector_store %arg20[%swap3A_1018, %swap3A_1019], %swap3A_1022 {strides = array<i32>} : memref<4x128xf32, #tpu.memory_space<vmem>>, vector<1x16xf32>,
    %get3A_1023 = arith.constant 1 : i32
    %get3A_1024 = arith.index_cast %get3A_1023 : i32 to index
    %get3A_1025 = arith.constant 48 : index
    %get3A_1026 = tpu.vector_load %arg15[%get3A_1024, %get3A_1025] {strides = array<i32>} : memref<4x128xf32, #tpu.memory_space<vmem>>, vector<1x16xf32>,
    %get3A_1027 = vector.shape_cast %get3A_1026 : vector<1x16xf32> to vector<16xf32>
    %get3A_1028 = arith.constant 1 : i32
    %get3A_1029 = arith.index_cast %get3A_1028 : i32 to index
    %get3A_1030 = arith.constant 48 : index
    %get3A_1031 = tpu.vector_load %arg16[%get3A_1029, %get3A_1030] {strides = array<i32>} : memref<4x128xf32, #tpu.memory_space<vmem>>, vector<1x16xf32>,
    %get3A_1032 = vector.shape_cast %get3A_1031 : vector<1x16xf32> to vector<16xf32>
    %add3A_1033 = arith.addf %get3A_1027, %get3A_1032 : vector<16xf32>
    %get3A_1034 = arith.constant 1 : i32
    %get3A_1035 = arith.index_cast %get3A_1034 : i32 to index
    %get3A_1036 = arith.constant 48 : index
    %get3A_1037 = tpu.vector_load %arg17[%get3A_1035, %get3A_1036] {strides = array<i32>} : memref<4x128xf32, #tpu.memory_space<vmem>>, vector<1x16xf32>,
    %get3A_1038 = vector.shape_cast %get3A_1037 : vector<1x16xf32> to vector<16xf32>
    %add3A_1039 = arith.addf %add3A_1033, %get3A_1038 : vector<16xf32>
    %get3A_1040 = arith.constant 1 : i32
    %get3A_1041 = arith.index_cast %get3A_1040 : i32 to index
    %get3A_1042 = arith.constant 48 : index
    %get3A_1043 = tpu.vector_load %arg18[%get3A_1041, %get3A_1042] {strides = array<i32>} : memref<4x128xf32, #tpu.memory_space<vmem>>, vector<1x16xf32>,
    %get3A_1044 = vector.shape_cast %get3A_1043 : vector<1x16xf32> to vector<16xf32>
    %add3A_1045 = arith.addf %add3A_1039, %get3A_1044 : vector<16xf32>
    %get3A_1046 = arith.constant 1 : i32
    %get3A_1047 = arith.index_cast %get3A_1046 : i32 to index
    %get3A_1048 = arith.constant 48 : index
    %get3A_1049 = tpu.vector_load %arg19[%get3A_1047, %get3A_1048] {strides = array<i32>} : memref<4x128xf32, #tpu.memory_space<vmem>>, vector<1x16xf32>,
    %get3A_1050 = vector.shape_cast %get3A_1049 : vector<1x16xf32> to vector<16xf32>
    %add3A_1051 = arith.addf %add3A_1045, %get3A_1050 : vector<16xf32>
    %add3A_1052 = vector.broadcast %squeeze3A : f32 to vector<16xf32>
    %add3A_1053 = arith.addf %add3A_1051, %add3A_1052 : vector<16xf32>
    %swap3A_1054 = arith.constant 1 : i32
    %swap3A_1055 = arith.index_cast %swap3A_1054 : i32 to index
    %swap3A_1056 = arith.constant 48 : index
    %swap3A_1057 = tpu.vector_load %arg20[%swap3A_1055, %swap3A_1056] {strides = array<i32>} : memref<4x128xf32, #tpu.memory_space<vmem>>, vector<1x16xf32>,
    %swap3A_1058 = vector.shape_cast %swap3A_1057 : vector<1x16xf32> to vector<16xf32>
    %swap3A_1059 = vector.shape_cast %add3A_1053 : vector<16xf32> to vector<1x16xf32>
    tpu.vector_store %arg20[%swap3A_1055, %swap3A_1056], %swap3A_1059 {strides = array<i32>} : memref<4x128xf32, #tpu.memory_space<vmem>>, vector<1x16xf32>,
    %get3A_1060 = arith.constant 1 : i32
    %get3A_1061 = arith.index_cast %get3A_1060 : i32 to index
    %get3A_1062 = arith.constant 64 : index
    %get3A_1063 = tpu.vector_load %arg15[%get3A_1061, %get3A_1062] {strides = array<i32>} : memref<4x128xf32, #tpu.memory_space<vmem>>, vector<1x16xf32>,
    %get3A_1064 = vector.shape_cast %get3A_1063 : vector<1x16xf32> to vector<16xf32>
    %get3A_1065 = arith.constant 1 : i32
    %get3A_1066 = arith.index_cast %get3A_1065 : i32 to index
    %get3A_1067 = arith.constant 64 : index
    %get3A_1068 = tpu.vector_load %arg16[%get3A_1066, %get3A_1067] {strides = array<i32>} : memref<4x128xf32, #tpu.memory_space<vmem>>, vector<1x16xf32>,
    %get3A_1069 = vector.shape_cast %get3A_1068 : vector<1x16xf32> to vector<16xf32>
    %add3A_1070 = arith.addf %get3A_1064, %get3A_1069 : vector<16xf32>
    %get3A_1071 = arith.constant 1 : i32
    %get3A_1072 = arith.index_cast %get3A_1071 : i32 to index
    %get3A_1073 = arith.constant 64 : index
    %get3A_1074 = tpu.vector_load %arg17[%get3A_1072, %get3A_1073] {strides = array<i32>} : memref<4x128xf32, #tpu.memory_space<vmem>>, vector<1x16xf32>,
    %get3A_1075 = vector.shape_cast %get3A_1074 : vector<1x16xf32> to vector<16xf32>
    %add3A_1076 = arith.addf %add3A_1070, %get3A_1075 : vector<16xf32>
    %get3A_1077 = arith.constant 1 : i32
    %get3A_1078 = arith.index_cast %get3A_1077 : i32 to index
    %get3A_1079 = arith.constant 64 : index
    %get3A_1080 = tpu.vector_load %arg18[%get3A_1078, %get3A_1079] {strides = array<i32>} : memref<4x128xf32, #tpu.memory_space<vmem>>, vector<1x16xf32>,
    %get3A_1081 = vector.shape_cast %get3A_1080 : vector<1x16xf32> to vector<16xf32>
    %add3A_1082 = arith.addf %add3A_1076, %get3A_1081 : vector<16xf32>
    %get3A_1083 = arith.constant 1 : i32
    %get3A_1084 = arith.index_cast %get3A_1083 : i32 to index
    %get3A_1085 = arith.constant 64 : index
    %get3A_1086 = tpu.vector_load %arg19[%get3A_1084, %get3A_1085] {strides = array<i32>} : memref<4x128xf32, #tpu.memory_space<vmem>>, vector<1x16xf32>,
    %get3A_1087 = vector.shape_cast %get3A_1086 : vector<1x16xf32> to vector<16xf32>
    %add3A_1088 = arith.addf %add3A_1082, %get3A_1087 : vector<16xf32>
    %add3A_1089 = vector.broadcast %squeeze3A : f32 to vector<16xf32>
    %add3A_1090 = arith.addf %add3A_1088, %add3A_1089 : vector<16xf32>
    %swap3A_1091 = arith.constant 1 : i32
    %swap3A_1092 = arith.index_cast %swap3A_1091 : i32 to index
    %swap3A_1093 = arith.constant 64 : index
    %swap3A_1094 = tpu.vector_load %arg20[%swap3A_1092, %swap3A_1093] {strides = array<i32>} : memref<4x128xf32, #tpu.memory_space<vmem>>, vector<1x16xf32>,
    %swap3A_1095 = vector.shape_cast %swap3A_1094 : vector<1x16xf32> to vector<16xf32>
    %swap3A_1096 = vector.shape_cast %add3A_1090 : vector<16xf32> to vector<1x16xf32>
    tpu.vector_store %arg20[%swap3A_1092, %swap3A_1093], %swap3A_1096 {strides = array<i32>} : memref<4x128xf32, #tpu.memory_space<vmem>>, vector<1x16xf32>,
    %get3A_1097 = arith.constant 1 : i32
    %get3A_1098 = arith.index_cast %get3A_1097 : i32 to index
    %get3A_1099 = arith.constant 80 : index
    %get3A_1100 = tpu.vector_load %arg15[%get3A_1098, %get3A_1099] {strides = array<i32>} : memref<4x128xf32, #tpu.memory_space<vmem>>, vector<1x16xf32>,
    %get3A_1101 = vector.shape_cast %get3A_1100 : vector<1x16xf32> to vector<16xf32>
    %get3A_1102 = arith.constant 1 : i32
    %get3A_1103 = arith.index_cast %get3A_1102 : i32 to index
    %get3A_1104 = arith.constant 80 : index
    %get3A_1105 = tpu.vector_load %arg16[%get3A_1103, %get3A_1104] {strides = array<i32>} : memref<4x128xf32, #tpu.memory_space<vmem>>, vector<1x16xf32>,
    %get3A_1106 = vector.shape_cast %get3A_1105 : vector<1x16xf32> to vector<16xf32>
    %add3A_1107 = arith.addf %get3A_1101, %get3A_1106 : vector<16xf32>
    %get3A_1108 = arith.constant 1 : i32
    %get3A_1109 = arith.index_cast %get3A_1108 : i32 to index
    %get3A_1110 = arith.constant 80 : index
    %get3A_1111 = tpu.vector_load %arg17[%get3A_1109, %get3A_1110] {strides = array<i32>} : memref<4x128xf32, #tpu.memory_space<vmem>>, vector<1x16xf32>,
    %get3A_1112 = vector.shape_cast %get3A_1111 : vector<1x16xf32> to vector<16xf32>
    %add3A_1113 = arith.addf %add3A_1107, %get3A_1112 : vector<16xf32>
    %get3A_1114 = arith.constant 1 : i32
    %get3A_1115 = arith.index_cast %get3A_1114 : i32 to index
    %get3A_1116 = arith.constant 80 : index
    %get3A_1117 = tpu.vector_load %arg18[%get3A_1115, %get3A_1116] {strides = array<i32>} : memref<4x128xf32, #tpu.memory_space<vmem>>, vector<1x16xf32>,
    %get3A_1118 = vector.shape_cast %get3A_1117 : vector<1x16xf32> to vector<16xf32>
    %add3A_1119 = arith.addf %add3A_1113, %get3A_1118 : vector<16xf32>
    %get3A_1120 = arith.constant 1 : i32
    %get3A_1121 = arith.index_cast %get3A_1120 : i32 to index
    %get3A_1122 = arith.constant 80 : index
    %get3A_1123 = tpu.vector_load %arg19[%get3A_1121, %get3A_1122] {strides = array<i32>} : memref<4x128xf32, #tpu.memory_space<vmem>>, vector<1x16xf32>,
    %get3A_1124 = vector.shape_cast %get3A_1123 : vector<1x16xf32> to vector<16xf32>
    %add3A_1125 = arith.addf %add3A_1119, %get3A_1124 : vector<16xf32>
    %add3A_1126 = vector.broadcast %squeeze3A : f32 to vector<16xf32>
    %add3A_1127 = arith.addf %add3A_1125, %add3A_1126 : vector<16xf32>
    %swap3A_1128 = arith.constant 1 : i32
    %swap3A_1129 = arith.index_cast %swap3A_1128 : i32 to index
    %swap3A_1130 = arith.constant 80 : index
    %swap3A_1131 = tpu.vector_load %arg20[%swap3A_1129, %swap3A_1130] {strides = array<i32>} : memref<4x128xf32, #tpu.memory_space<vmem>>, vector<1x16xf32>,
    %swap3A_1132 = vector.shape_cast %swap3A_1131 : vector<1x16xf32> to vector<16xf32>
    %swap3A_1133 = vector.shape_cast %add3A_1127 : vector<16xf32> to vector<1x16xf32>
    tpu.vector_store %arg20[%swap3A_1129, %swap3A_1130], %swap3A_1133 {strides = array<i32>} : memref<4x128xf32, #tpu.memory_space<vmem>>, vector<1x16xf32>,
    %get3A_1134 = arith.constant 1 : i32
    %get3A_1135 = arith.index_cast %get3A_1134 : i32 to index
    %get3A_1136 = arith.constant 96 : index
    %get3A_1137 = tpu.vector_load %arg15[%get3A_1135, %get3A_1136] {strides = array<i32>} : memref<4x128xf32, #tpu.memory_space<vmem>>, vector<1x16xf32>,
    %get3A_1138 = vector.shape_cast %get3A_1137 : vector<1x16xf32> to vector<16xf32>
    %get3A_1139 = arith.constant 1 : i32
    %get3A_1140 = arith.index_cast %get3A_1139 : i32 to index
    %get3A_1141 = arith.constant 96 : index
    %get3A_1142 = tpu.vector_load %arg16[%get3A_1140, %get3A_1141] {strides = array<i32>} : memref<4x128xf32, #tpu.memory_space<vmem>>, vector<1x16xf32>,
    %get3A_1143 = vector.shape_cast %get3A_1142 : vector<1x16xf32> to vector<16xf32>
    %add3A_1144 = arith.addf %get3A_1138, %get3A_1143 : vector<16xf32>
    %get3A_1145 = arith.constant 1 : i32
    %get3A_1146 = arith.index_cast %get3A_1145 : i32 to index
    %get3A_1147 = arith.constant 96 : index
    %get3A_1148 = tpu.vector_load %arg17[%get3A_1146, %get3A_1147] {strides = array<i32>} : memref<4x128xf32, #tpu.memory_space<vmem>>, vector<1x16xf32>,
    %get3A_1149 = vector.shape_cast %get3A_1148 : vector<1x16xf32> to vector<16xf32>
    %add3A_1150 = arith.addf %add3A_1144, %get3A_1149 : vector<16xf32>
    %get3A_1151 = arith.constant 1 : i32
    %get3A_1152 = arith.index_cast %get3A_1151 : i32 to index
    %get3A_1153 = arith.constant 96 : index
    %get3A_1154 = tpu.vector_load %arg18[%get3A_1152, %get3A_1153] {strides = array<i32>} : memref<4x128xf32, #tpu.memory_space<vmem>>, vector<1x16xf32>,
    %get3A_1155 = vector.shape_cast %get3A_1154 : vector<1x16xf32> to vector<16xf32>
    %add3A_1156 = arith.addf %add3A_1150, %get3A_1155 : vector<16xf32>
    %get3A_1157 = arith.constant 1 : i32
    %get3A_1158 = arith.index_cast %get3A_1157 : i32 to index
    %get3A_1159 = arith.constant 96 : index
    %get3A_1160 = tpu.vector_load %arg19[%get3A_1158, %get3A_1159] {strides = array<i32>} : memref<4x128xf32, #tpu.memory_space<vmem>>, vector<1x16xf32>,
    %get3A_1161 = vector.shape_cast %get3A_1160 : vector<1x16xf32> to vector<16xf32>
    %add3A_1162 = arith.addf %add3A_1156, %get3A_1161 : vector<16xf32>
    %add3A_1163 = vector.broadcast %squeeze3A : f32 to vector<16xf32>
    %add3A_1164 = arith.addf %add3A_1162, %add3A_1163 : vector<16xf32>
    %swap3A_1165 = arith.constant 1 : i32
    %swap3A_1166 = arith.index_cast %swap3A_1165 : i32 to index
    %swap3A_1167 = arith.constant 96 : index
    %swap3A_1168 = tpu.vector_load %arg20[%swap3A_1166, %swap3A_1167] {strides = array<i32>} : memref<4x128xf32, #tpu.memory_space<vmem>>, vector<1x16xf32>,
    %swap3A_1169 = vector.shape_cast %swap3A_1168 : vector<1x16xf32> to vector<16xf32>
    %swap3A_1170 = vector.shape_cast %add3A_1164 : vector<16xf32> to vector<1x16xf32>
    tpu.vector_store %arg20[%swap3A_1166, %swap3A_1167], %swap3A_1170 {strides = array<i32>} : memref<4x128xf32, #tpu.memory_space<vmem>>, vector<1x16xf32>,
    %get3A_1171 = arith.constant 1 : i32
    %get3A_1172 = arith.index_cast %get3A_1171 : i32 to index
    %get3A_1173 = arith.constant 112 : index
    %get3A_1174 = tpu.vector_load %arg15[%get3A_1172, %get3A_1173] {strides = array<i32>} : memref<4x128xf32, #tpu.memory_space<vmem>>, vector<1x16xf32>,
    %get3A_1175 = vector.shape_cast %get3A_1174 : vector<1x16xf32> to vector<16xf32>
    %get3A_1176 = arith.constant 1 : i32
    %get3A_1177 = arith.index_cast %get3A_1176 : i32 to index
    %get3A_1178 = arith.constant 112 : index
    %get3A_1179 = tpu.vector_load %arg16[%get3A_1177, %get3A_1178] {strides = array<i32>} : memref<4x128xf32, #tpu.memory_space<vmem>>, vector<1x16xf32>,
    %get3A_1180 = vector.shape_cast %get3A_1179 : vector<1x16xf32> to vector<16xf32>
    %add3A_1181 = arith.addf %get3A_1175, %get3A_1180 : vector<16xf32>
    %get3A_1182 = arith.constant 1 : i32
    %get3A_1183 = arith.index_cast %get3A_1182 : i32 to index
    %get3A_1184 = arith.constant 112 : index
    %get3A_1185 = tpu.vector_load %arg17[%get3A_1183, %get3A_1184] {strides = array<i32>} : memref<4x128xf32, #tpu.memory_space<vmem>>, vector<1x16xf32>,
    %get3A_1186 = vector.shape_cast %get3A_1185 : vector<1x16xf32> to vector<16xf32>
    %add3A_1187 = arith.addf %add3A_1181, %get3A_1186 : vector<16xf32>
    %get3A_1188 = arith.constant 1 : i32
    %get3A_1189 = arith.index_cast %get3A_1188 : i32 to index
    %get3A_1190 = arith.constant 112 : index
    %get3A_1191 = tpu.vector_load %arg18[%get3A_1189, %get3A_1190] {strides = array<i32>} : memref<4x128xf32, #tpu.memory_space<vmem>>, vector<1x16xf32>,
    %get3A_1192 = vector.shape_cast %get3A_1191 : vector<1x16xf32> to vector<16xf32>
    %add3A_1193 = arith.addf %add3A_1187, %get3A_1192 : vector<16xf32>
    %get3A_1194 = arith.constant 1 : i32
    %get3A_1195 = arith.index_cast %get3A_1194 : i32 to index
    %get3A_1196 = arith.constant 112 : index
    %get3A_1197 = tpu.vector_load %arg19[%get3A_1195, %get3A_1196] {strides = array<i32>} : memref<4x128xf32, #tpu.memory_space<vmem>>, vector<1x16xf32>,
    %get3A_1198 = vector.shape_cast %get3A_1197 : vector<1x16xf32> to vector<16xf32>
    %add3A_1199 = arith.addf %add3A_1193, %get3A_1198 : vector<16xf32>
    %add3A_1200 = vector.broadcast %squeeze3A : f32 to vector<16xf32>
    %add3A_1201 = arith.addf %add3A_1199, %add3A_1200 : vector<16xf32>
    %swap3A_1202 = arith.constant 1 : i32
    %swap3A_1203 = arith.index_cast %swap3A_1202 : i32 to index
    %swap3A_1204 = arith.constant 112 : index
    %swap3A_1205 = tpu.vector_load %arg20[%swap3A_1203, %swap3A_1204] {strides = array<i32>} : memref<4x128xf32, #tpu.memory_space<vmem>>, vector<1x16xf32>,
    %swap3A_1206 = vector.shape_cast %swap3A_1205 : vector<1x16xf32> to vector<16xf32>
    %swap3A_1207 = vector.shape_cast %add3A_1201 : vector<16xf32> to vector<1x16xf32>
    tpu.vector_store %arg20[%swap3A_1203, %swap3A_1204], %swap3A_1207 {strides = array<i32>} : memref<4x128xf32, #tpu.memory_space<vmem>>, vector<1x16xf32>,
    %get3A_1208 = arith.constant 2 : i32
    %get3A_1209 = arith.index_cast %get3A_1208 : i32 to index
    %get3A_1210 = arith.constant 0 : index
    %get3A_1211 = tpu.vector_load %arg15[%get3A_1209, %get3A_1210] {strides = array<i32>} : memref<4x128xf32, #tpu.memory_space<vmem>>, vector<1x16xf32>,
    %get3A_1212 = vector.shape_cast %get3A_1211 : vector<1x16xf32> to vector<16xf32>
    %get3A_1213 = arith.constant 2 : i32
    %get3A_1214 = arith.index_cast %get3A_1213 : i32 to index
    %get3A_1215 = arith.constant 0 : index
    %get3A_1216 = tpu.vector_load %arg16[%get3A_1214, %get3A_1215] {strides = array<i32>} : memref<4x128xf32, #tpu.memory_space<vmem>>, vector<1x16xf32>,
    %get3A_1217 = vector.shape_cast %get3A_1216 : vector<1x16xf32> to vector<16xf32>
    %add3A_1218 = arith.addf %get3A_1212, %get3A_1217 : vector<16xf32>
    %get3A_1219 = arith.constant 2 : i32
    %get3A_1220 = arith.index_cast %get3A_1219 : i32 to index
    %get3A_1221 = arith.constant 0 : index
    %get3A_1222 = tpu.vector_load %arg17[%get3A_1220, %get3A_1221] {strides = array<i32>} : memref<4x128xf32, #tpu.memory_space<vmem>>, vector<1x16xf32>,
    %get3A_1223 = vector.shape_cast %get3A_1222 : vector<1x16xf32> to vector<16xf32>
    %add3A_1224 = arith.addf %add3A_1218, %get3A_1223 : vector<16xf32>
    %get3A_1225 = arith.constant 2 : i32
    %get3A_1226 = arith.index_cast %get3A_1225 : i32 to index
    %get3A_1227 = arith.constant 0 : index
    %get3A_1228 = tpu.vector_load %arg18[%get3A_1226, %get3A_1227] {strides = array<i32>} : memref<4x128xf32, #tpu.memory_space<vmem>>, vector<1x16xf32>,
    %get3A_1229 = vector.shape_cast %get3A_1228 : vector<1x16xf32> to vector<16xf32>
    %add3A_1230 = arith.addf %add3A_1224, %get3A_1229 : vector<16xf32>
    %get3A_1231 = arith.constant 2 : i32
    %get3A_1232 = arith.index_cast %get3A_1231 : i32 to index
    %get3A_1233 = arith.constant 0 : index
    %get3A_1234 = tpu.vector_load %arg19[%get3A_1232, %get3A_1233] {strides = array<i32>} : memref<4x128xf32, #tpu.memory_space<vmem>>, vector<1x16xf32>,
    %get3A_1235 = vector.shape_cast %get3A_1234 : vector<1x16xf32> to vector<16xf32>
    %add3A_1236 = arith.addf %add3A_1230, %get3A_1235 : vector<16xf32>
    %add3A_1237 = vector.broadcast %squeeze3A : f32 to vector<16xf32>
    %add3A_1238 = arith.addf %add3A_1236, %add3A_1237 : vector<16xf32>
    %swap3A_1239 = arith.constant 2 : i32
    %swap3A_1240 = arith.index_cast %swap3A_1239 : i32 to index
    %swap3A_1241 = arith.constant 0 : index
    %swap3A_1242 = tpu.vector_load %arg20[%swap3A_1240, %swap3A_1241] {strides = array<i32>} : memref<4x128xf32, #tpu.memory_space<vmem>>, vector<1x16xf32>,
    %swap3A_1243 = vector.shape_cast %swap3A_1242 : vector<1x16xf32> to vector<16xf32>
    %swap3A_1244 = vector.shape_cast %add3A_1238 : vector<16xf32> to vector<1x16xf32>
    tpu.vector_store %arg20[%swap3A_1240, %swap3A_1241], %swap3A_1244 {strides = array<i32>} : memref<4x128xf32, #tpu.memory_space<vmem>>, vector<1x16xf32>,
    %get3A_1245 = arith.constant 2 : i32
    %get3A_1246 = arith.index_cast %get3A_1245 : i32 to index
    %get3A_1247 = arith.constant 16 : index
    %get3A_1248 = tpu.vector_load %arg15[%get3A_1246, %get3A_1247] {strides = array<i32>} : memref<4x128xf32, #tpu.memory_space<vmem>>, vector<1x16xf32>,
    %get3A_1249 = vector.shape_cast %get3A_1248 : vector<1x16xf32> to vector<16xf32>
    %get3A_1250 = arith.constant 2 : i32
    %get3A_1251 = arith.index_cast %get3A_1250 : i32 to index
    %get3A_1252 = arith.constant 16 : index
    %get3A_1253 = tpu.vector_load %arg16[%get3A_1251, %get3A_1252] {strides = array<i32>} : memref<4x128xf32, #tpu.memory_space<vmem>>, vector<1x16xf32>,
    %get3A_1254 = vector.shape_cast %get3A_1253 : vector<1x16xf32> to vector<16xf32>
    %add3A_1255 = arith.addf %get3A_1249, %get3A_1254 : vector<16xf32>
    %get3A_1256 = arith.constant 2 : i32
    %get3A_1257 = arith.index_cast %get3A_1256 : i32 to index
    %get3A_1258 = arith.constant 16 : index
    %get3A_1259 = tpu.vector_load %arg17[%get3A_1257, %get3A_1258] {strides = array<i32>} : memref<4x128xf32, #tpu.memory_space<vmem>>, vector<1x16xf32>,
    %get3A_1260 = vector.shape_cast %get3A_1259 : vector<1x16xf32> to vector<16xf32>
    %add3A_1261 = arith.addf %add3A_1255, %get3A_1260 : vector<16xf32>
    %get3A_1262 = arith.constant 2 : i32
    %get3A_1263 = arith.index_cast %get3A_1262 : i32 to index
    %get3A_1264 = arith.constant 16 : index
    %get3A_1265 = tpu.vector_load %arg18[%get3A_1263, %get3A_1264] {strides = array<i32>} : memref<4x128xf32, #tpu.memory_space<vmem>>, vector<1x16xf32>,
    %get3A_1266 = vector.shape_cast %get3A_1265 : vector<1x16xf32> to vector<16xf32>
    %add3A_1267 = arith.addf %add3A_1261, %get3A_1266 : vector<16xf32>
    %get3A_1268 = arith.constant 2 : i32
    %get3A_1269 = arith.index_cast %get3A_1268 : i32 to index
    %get3A_1270 = arith.constant 16 : index
    %get3A_1271 = tpu.vector_load %arg19[%get3A_1269, %get3A_1270] {strides = array<i32>} : memref<4x128xf32, #tpu.memory_space<vmem>>, vector<1x16xf32>,
    %get3A_1272 = vector.shape_cast %get3A_1271 : vector<1x16xf32> to vector<16xf32>
    %add3A_1273 = arith.addf %add3A_1267, %get3A_1272 : vector<16xf32>
    %add3A_1274 = vector.broadcast %squeeze3A : f32 to vector<16xf32>
    %add3A_1275 = arith.addf %add3A_1273, %add3A_1274 : vector<16xf32>
    %swap3A_1276 = arith.constant 2 : i32
    %swap3A_1277 = arith.index_cast %swap3A_1276 : i32 to index
    %swap3A_1278 = arith.constant 16 : index
    %swap3A_1279 = tpu.vector_load %arg20[%swap3A_1277, %swap3A_1278] {strides = array<i32>} : memref<4x128xf32, #tpu.memory_space<vmem>>, vector<1x16xf32>,
    %swap3A_1280 = vector.shape_cast %swap3A_1279 : vector<1x16xf32> to vector<16xf32>
    %swap3A_1281 = vector.shape_cast %add3A_1275 : vector<16xf32> to vector<1x16xf32>
    tpu.vector_store %arg20[%swap3A_1277, %swap3A_1278], %swap3A_1281 {strides = array<i32>} : memref<4x128xf32, #tpu.memory_space<vmem>>, vector<1x16xf32>,
    %get3A_1282 = arith.constant 2 : i32
    %get3A_1283 = arith.index_cast %get3A_1282 : i32 to index
    %get3A_1284 = arith.constant 32 : index
    %get3A_1285 = tpu.vector_load %arg15[%get3A_1283, %get3A_1284] {strides = array<i32>} : memref<4x128xf32, #tpu.memory_space<vmem>>, vector<1x16xf32>,
    %get3A_1286 = vector.shape_cast %get3A_1285 : vector<1x16xf32> to vector<16xf32>
    %get3A_1287 = arith.constant 2 : i32
    %get3A_1288 = arith.index_cast %get3A_1287 : i32 to index
    %get3A_1289 = arith.constant 32 : index
    %get3A_1290 = tpu.vector_load %arg16[%get3A_1288, %get3A_1289] {strides = array<i32>} : memref<4x128xf32, #tpu.memory_space<vmem>>, vector<1x16xf32>,
    %get3A_1291 = vector.shape_cast %get3A_1290 : vector<1x16xf32> to vector<16xf32>
    %add3A_1292 = arith.addf %get3A_1286, %get3A_1291 : vector<16xf32>
    %get3A_1293 = arith.constant 2 : i32
    %get3A_1294 = arith.index_cast %get3A_1293 : i32 to index
    %get3A_1295 = arith.constant 32 : index
    %get3A_1296 = tpu.vector_load %arg17[%get3A_1294, %get3A_1295] {strides = array<i32>} : memref<4x128xf32, #tpu.memory_space<vmem>>, vector<1x16xf32>,
    %get3A_1297 = vector.shape_cast %get3A_1296 : vector<1x16xf32> to vector<16xf32>
    %add3A_1298 = arith.addf %add3A_1292, %get3A_1297 : vector<16xf32>
    %get3A_1299 = arith.constant 2 : i32
    %get3A_1300 = arith.index_cast %get3A_1299 : i32 to index
    %get3A_1301 = arith.constant 32 : index
    %get3A_1302 = tpu.vector_load %arg18[%get3A_1300, %get3A_1301] {strides = array<i32>} : memref<4x128xf32, #tpu.memory_space<vmem>>, vector<1x16xf32>,
    %get3A_1303 = vector.shape_cast %get3A_1302 : vector<1x16xf32> to vector<16xf32>
    %add3A_1304 = arith.addf %add3A_1298, %get3A_1303 : vector<16xf32>
    %get3A_1305 = arith.constant 2 : i32
    %get3A_1306 = arith.index_cast %get3A_1305 : i32 to index
    %get3A_1307 = arith.constant 32 : index
    %get3A_1308 = tpu.vector_load %arg19[%get3A_1306, %get3A_1307] {strides = array<i32>} : memref<4x128xf32, #tpu.memory_space<vmem>>, vector<1x16xf32>,
    %get3A_1309 = vector.shape_cast %get3A_1308 : vector<1x16xf32> to vector<16xf32>
    %add3A_1310 = arith.addf %add3A_1304, %get3A_1309 : vector<16xf32>
    %add3A_1311 = vector.broadcast %squeeze3A : f32 to vector<16xf32>
    %add3A_1312 = arith.addf %add3A_1310, %add3A_1311 : vector<16xf32>
    %swap3A_1313 = arith.constant 2 : i32
    %swap3A_1314 = arith.index_cast %swap3A_1313 : i32 to index
    %swap3A_1315 = arith.constant 32 : index
    %swap3A_1316 = tpu.vector_load %arg20[%swap3A_1314, %swap3A_1315] {strides = array<i32>} : memref<4x128xf32, #tpu.memory_space<vmem>>, vector<1x16xf32>,
    %swap3A_1317 = vector.shape_cast %swap3A_1316 : vector<1x16xf32> to vector<16xf32>
    %swap3A_1318 = vector.shape_cast %add3A_1312 : vector<16xf32> to vector<1x16xf32>
    tpu.vector_store %arg20[%swap3A_1314, %swap3A_1315], %swap3A_1318 {strides = array<i32>} : memref<4x128xf32, #tpu.memory_space<vmem>>, vector<1x16xf32>,
    %get3A_1319 = arith.constant 2 : i32
    %get3A_1320 = arith.index_cast %get3A_1319 : i32 to index
    %get3A_1321 = arith.constant 48 : index
    %get3A_1322 = tpu.vector_load %arg15[%get3A_1320, %get3A_1321] {strides = array<i32>} : memref<4x128xf32, #tpu.memory_space<vmem>>, vector<1x16xf32>,
    %get3A_1323 = vector.shape_cast %get3A_1322 : vector<1x16xf32> to vector<16xf32>
    %get3A_1324 = arith.constant 2 : i32
    %get3A_1325 = arith.index_cast %get3A_1324 : i32 to index
    %get3A_1326 = arith.constant 48 : index
    %get3A_1327 = tpu.vector_load %arg16[%get3A_1325, %get3A_1326] {strides = array<i32>} : memref<4x128xf32, #tpu.memory_space<vmem>>, vector<1x16xf32>,
    %get3A_1328 = vector.shape_cast %get3A_1327 : vector<1x16xf32> to vector<16xf32>
    %add3A_1329 = arith.addf %get3A_1323, %get3A_1328 : vector<16xf32>
    %get3A_1330 = arith.constant 2 : i32
    %get3A_1331 = arith.index_cast %get3A_1330 : i32 to index
    %get3A_1332 = arith.constant 48 : index
    %get3A_1333 = tpu.vector_load %arg17[%get3A_1331, %get3A_1332] {strides = array<i32>} : memref<4x128xf32, #tpu.memory_space<vmem>>, vector<1x16xf32>,
    %get3A_1334 = vector.shape_cast %get3A_1333 : vector<1x16xf32> to vector<16xf32>
    %add3A_1335 = arith.addf %add3A_1329, %get3A_1334 : vector<16xf32>
    %get3A_1336 = arith.constant 2 : i32
    %get3A_1337 = arith.index_cast %get3A_1336 : i32 to index
    %get3A_1338 = arith.constant 48 : index
    %get3A_1339 = tpu.vector_load %arg18[%get3A_1337, %get3A_1338] {strides = array<i32>} : memref<4x128xf32, #tpu.memory_space<vmem>>, vector<1x16xf32>,
    %get3A_1340 = vector.shape_cast %get3A_1339 : vector<1x16xf32> to vector<16xf32>
    %add3A_1341 = arith.addf %add3A_1335, %get3A_1340 : vector<16xf32>
    %get3A_1342 = arith.constant 2 : i32
    %get3A_1343 = arith.index_cast %get3A_1342 : i32 to index
    %get3A_1344 = arith.constant 48 : index
    %get3A_1345 = tpu.vector_load %arg19[%get3A_1343, %get3A_1344] {strides = array<i32>} : memref<4x128xf32, #tpu.memory_space<vmem>>, vector<1x16xf32>,
    %get3A_1346 = vector.shape_cast %get3A_1345 : vector<1x16xf32> to vector<16xf32>
    %add3A_1347 = arith.addf %add3A_1341, %get3A_1346 : vector<16xf32>
    %add3A_1348 = vector.broadcast %squeeze3A : f32 to vector<16xf32>
    %add3A_1349 = arith.addf %add3A_1347, %add3A_1348 : vector<16xf32>
    %swap3A_1350 = arith.constant 2 : i32
    %swap3A_1351 = arith.index_cast %swap3A_1350 : i32 to index
    %swap3A_1352 = arith.constant 48 : index
    %swap3A_1353 = tpu.vector_load %arg20[%swap3A_1351, %swap3A_1352] {strides = array<i32>} : memref<4x128xf32, #tpu.memory_space<vmem>>, vector<1x16xf32>,
    %swap3A_1354 = vector.shape_cast %swap3A_1353 : vector<1x16xf32> to vector<16xf32>
    %swap3A_1355 = vector.shape_cast %add3A_1349 : vector<16xf32> to vector<1x16xf32>
    tpu.vector_store %arg20[%swap3A_1351, %swap3A_1352], %swap3A_1355 {strides = array<i32>} : memref<4x128xf32, #tpu.memory_space<vmem>>, vector<1x16xf32>,
    %get3A_1356 = arith.constant 2 : i32
    %get3A_1357 = arith.index_cast %get3A_1356 : i32 to index
    %get3A_1358 = arith.constant 64 : index
    %get3A_1359 = tpu.vector_load %arg15[%get3A_1357, %get3A_1358] {strides = array<i32>} : memref<4x128xf32, #tpu.memory_space<vmem>>, vector<1x16xf32>,
    %get3A_1360 = vector.shape_cast %get3A_1359 : vector<1x16xf32> to vector<16xf32>
    %get3A_1361 = arith.constant 2 : i32
    %get3A_1362 = arith.index_cast %get3A_1361 : i32 to index
    %get3A_1363 = arith.constant 64 : index
    %get3A_1364 = tpu.vector_load %arg16[%get3A_1362, %get3A_1363] {strides = array<i32>} : memref<4x128xf32, #tpu.memory_space<vmem>>, vector<1x16xf32>,
    %get3A_1365 = vector.shape_cast %get3A_1364 : vector<1x16xf32> to vector<16xf32>
    %add3A_1366 = arith.addf %get3A_1360, %get3A_1365 : vector<16xf32>
    %get3A_1367 = arith.constant 2 : i32
    %get3A_1368 = arith.index_cast %get3A_1367 : i32 to index
    %get3A_1369 = arith.constant 64 : index
    %get3A_1370 = tpu.vector_load %arg17[%get3A_1368, %get3A_1369] {strides = array<i32>} : memref<4x128xf32, #tpu.memory_space<vmem>>, vector<1x16xf32>,
    %get3A_1371 = vector.shape_cast %get3A_1370 : vector<1x16xf32> to vector<16xf32>
    %add3A_1372 = arith.addf %add3A_1366, %get3A_1371 : vector<16xf32>
    %get3A_1373 = arith.constant 2 : i32
    %get3A_1374 = arith.index_cast %get3A_1373 : i32 to index
    %get3A_1375 = arith.constant 64 : index
    %get3A_1376 = tpu.vector_load %arg18[%get3A_1374, %get3A_1375] {strides = array<i32>} : memref<4x128xf32, #tpu.memory_space<vmem>>, vector<1x16xf32>,
    %get3A_1377 = vector.shape_cast %get3A_1376 : vector<1x16xf32> to vector<16xf32>
    %add3A_1378 = arith.addf %add3A_1372, %get3A_1377 : vector<16xf32>
    %get3A_1379 = arith.constant 2 : i32
    %get3A_1380 = arith.index_cast %get3A_1379 : i32 to index
    %get3A_1381 = arith.constant 64 : index
    %get3A_1382 = tpu.vector_load %arg19[%get3A_1380, %get3A_1381] {strides = array<i32>} : memref<4x128xf32, #tpu.memory_space<vmem>>, vector<1x16xf32>,
    %get3A_1383 = vector.shape_cast %get3A_1382 : vector<1x16xf32> to vector<16xf32>
    %add3A_1384 = arith.addf %add3A_1378, %get3A_1383 : vector<16xf32>
    %add3A_1385 = vector.broadcast %squeeze3A : f32 to vector<16xf32>
    %add3A_1386 = arith.addf %add3A_1384, %add3A_1385 : vector<16xf32>
    %swap3A_1387 = arith.constant 2 : i32
    %swap3A_1388 = arith.index_cast %swap3A_1387 : i32 to index
    %swap3A_1389 = arith.constant 64 : index
    %swap3A_1390 = tpu.vector_load %arg20[%swap3A_1388, %swap3A_1389] {strides = array<i32>} : memref<4x128xf32, #tpu.memory_space<vmem>>, vector<1x16xf32>,
    %swap3A_1391 = vector.shape_cast %swap3A_1390 : vector<1x16xf32> to vector<16xf32>
    %swap3A_1392 = vector.shape_cast %add3A_1386 : vector<16xf32> to vector<1x16xf32>
    tpu.vector_store %arg20[%swap3A_1388, %swap3A_1389], %swap3A_1392 {strides = array<i32>} : memref<4x128xf32, #tpu.memory_space<vmem>>, vector<1x16xf32>,
    %get3A_1393 = arith.constant 2 : i32
    %get3A_1394 = arith.index_cast %get3A_1393 : i32 to index
    %get3A_1395 = arith.constant 80 : index
    %get3A_1396 = tpu.vector_load %arg15[%get3A_1394, %get3A_1395] {strides = array<i32>} : memref<4x128xf32, #tpu.memory_space<vmem>>, vector<1x16xf32>,
    %get3A_1397 = vector.shape_cast %get3A_1396 : vector<1x16xf32> to vector<16xf32>
    %get3A_1398 = arith.constant 2 : i32
    %get3A_1399 = arith.index_cast %get3A_1398 : i32 to index
    %get3A_1400 = arith.constant 80 : index
    %get3A_1401 = tpu.vector_load %arg16[%get3A_1399, %get3A_1400] {strides = array<i32>} : memref<4x128xf32, #tpu.memory_space<vmem>>, vector<1x16xf32>,
    %get3A_1402 = vector.shape_cast %get3A_1401 : vector<1x16xf32> to vector<16xf32>
    %add3A_1403 = arith.addf %get3A_1397, %get3A_1402 : vector<16xf32>
    %get3A_1404 = arith.constant 2 : i32
    %get3A_1405 = arith.index_cast %get3A_1404 : i32 to index
    %get3A_1406 = arith.constant 80 : index
    %get3A_1407 = tpu.vector_load %arg17[%get3A_1405, %get3A_1406] {strides = array<i32>} : memref<4x128xf32, #tpu.memory_space<vmem>>, vector<1x16xf32>,
    %get3A_1408 = vector.shape_cast %get3A_1407 : vector<1x16xf32> to vector<16xf32>
    %add3A_1409 = arith.addf %add3A_1403, %get3A_1408 : vector<16xf32>
    %get3A_1410 = arith.constant 2 : i32
    %get3A_1411 = arith.index_cast %get3A_1410 : i32 to index
    %get3A_1412 = arith.constant 80 : index
    %get3A_1413 = tpu.vector_load %arg18[%get3A_1411, %get3A_1412] {strides = array<i32>} : memref<4x128xf32, #tpu.memory_space<vmem>>, vector<1x16xf32>,
    %get3A_1414 = vector.shape_cast %get3A_1413 : vector<1x16xf32> to vector<16xf32>
    %add3A_1415 = arith.addf %add3A_1409, %get3A_1414 : vector<16xf32>
    %get3A_1416 = arith.constant 2 : i32
    %get3A_1417 = arith.index_cast %get3A_1416 : i32 to index
    %get3A_1418 = arith.constant 80 : index
    %get3A_1419 = tpu.vector_load %arg19[%get3A_1417, %get3A_1418] {strides = array<i32>} : memref<4x128xf32, #tpu.memory_space<vmem>>, vector<1x16xf32>,
    %get3A_1420 = vector.shape_cast %get3A_1419 : vector<1x16xf32> to vector<16xf32>
    %add3A_1421 = arith.addf %add3A_1415, %get3A_1420 : vector<16xf32>
    %add3A_1422 = vector.broadcast %squeeze3A : f32 to vector<16xf32>
    %add3A_1423 = arith.addf %add3A_1421, %add3A_1422 : vector<16xf32>
    %swap3A_1424 = arith.constant 2 : i32
    %swap3A_1425 = arith.index_cast %swap3A_1424 : i32 to index
    %swap3A_1426 = arith.constant 80 : index
    %swap3A_1427 = tpu.vector_load %arg20[%swap3A_1425, %swap3A_1426] {strides = array<i32>} : memref<4x128xf32, #tpu.memory_space<vmem>>, vector<1x16xf32>,
    %swap3A_1428 = vector.shape_cast %swap3A_1427 : vector<1x16xf32> to vector<16xf32>
    %swap3A_1429 = vector.shape_cast %add3A_1423 : vector<16xf32> to vector<1x16xf32>
    tpu.vector_store %arg20[%swap3A_1425, %swap3A_1426], %swap3A_1429 {strides = array<i32>} : memref<4x128xf32, #tpu.memory_space<vmem>>, vector<1x16xf32>,
    %get3A_1430 = arith.constant 2 : i32
    %get3A_1431 = arith.index_cast %get3A_1430 : i32 to index
    %get3A_1432 = arith.constant 96 : index
    %get3A_1433 = tpu.vector_load %arg15[%get3A_1431, %get3A_1432] {strides = array<i32>} : memref<4x128xf32, #tpu.memory_space<vmem>>, vector<1x16xf32>,
    %get3A_1434 = vector.shape_cast %get3A_1433 : vector<1x16xf32> to vector<16xf32>
    %get3A_1435 = arith.constant 2 : i32
    %get3A_1436 = arith.index_cast %get3A_1435 : i32 to index
    %get3A_1437 = arith.constant 96 : index
    %get3A_1438 = tpu.vector_load %arg16[%get3A_1436, %get3A_1437] {strides = array<i32>} : memref<4x128xf32, #tpu.memory_space<vmem>>, vector<1x16xf32>,
    %get3A_1439 = vector.shape_cast %get3A_1438 : vector<1x16xf32> to vector<16xf32>
    %add3A_1440 = arith.addf %get3A_1434, %get3A_1439 : vector<16xf32>
    %get3A_1441 = arith.constant 2 : i32
    %get3A_1442 = arith.index_cast %get3A_1441 : i32 to index
    %get3A_1443 = arith.constant 96 : index
    %get3A_1444 = tpu.vector_load %arg17[%get3A_1442, %get3A_1443] {strides = array<i32>} : memref<4x128xf32, #tpu.memory_space<vmem>>, vector<1x16xf32>,
    %get3A_1445 = vector.shape_cast %get3A_1444 : vector<1x16xf32> to vector<16xf32>
    %add3A_1446 = arith.addf %add3A_1440, %get3A_1445 : vector<16xf32>
    %get3A_1447 = arith.constant 2 : i32
    %get3A_1448 = arith.index_cast %get3A_1447 : i32 to index
    %get3A_1449 = arith.constant 96 : index
    %get3A_1450 = tpu.vector_load %arg18[%get3A_1448, %get3A_1449] {strides = array<i32>} : memref<4x128xf32, #tpu.memory_space<vmem>>, vector<1x16xf32>,
    %get3A_1451 = vector.shape_cast %get3A_1450 : vector<1x16xf32> to vector<16xf32>
    %add3A_1452 = arith.addf %add3A_1446, %get3A_1451 : vector<16xf32>
    %get3A_1453 = arith.constant 2 : i32
    %get3A_1454 = arith.index_cast %get3A_1453 : i32 to index
    %get3A_1455 = arith.constant 96 : index
    %get3A_1456 = tpu.vector_load %arg19[%get3A_1454, %get3A_1455] {strides = array<i32>} : memref<4x128xf32, #tpu.memory_space<vmem>>, vector<1x16xf32>,
    %get3A_1457 = vector.shape_cast %get3A_1456 : vector<1x16xf32> to vector<16xf32>
    %add3A_1458 = arith.addf %add3A_1452, %get3A_1457 : vector<16xf32>
    %add3A_1459 = vector.broadcast %squeeze3A : f32 to vector<16xf32>
    %add3A_1460 = arith.addf %add3A_1458, %add3A_1459 : vector<16xf32>
    %swap3A_1461 = arith.constant 2 : i32
    %swap3A_1462 = arith.index_cast %swap3A_1461 : i32 to index
    %swap3A_1463 = arith.constant 96 : index
    %swap3A_1464 = tpu.vector_load %arg20[%swap3A_1462, %swap3A_1463] {strides = array<i32>} : memref<4x128xf32, #tpu.memory_space<vmem>>, vector<1x16xf32>,
    %swap3A_1465 = vector.shape_cast %swap3A_1464 : vector<1x16xf32> to vector<16xf32>
    %swap3A_1466 = vector.shape_cast %add3A_1460 : vector<16xf32> to vector<1x16xf32>
    tpu.vector_store %arg20[%swap3A_1462, %swap3A_1463], %swap3A_1466 {strides = array<i32>} : memref<4x128xf32, #tpu.memory_space<vmem>>, vector<1x16xf32>,
    %get3A_1467 = arith.constant 2 : i32
    %get3A_1468 = arith.index_cast %get3A_1467 : i32 to index
    %get3A_1469 = arith.constant 112 : index
    %get3A_1470 = tpu.vector_load %arg15[%get3A_1468, %get3A_1469] {strides = array<i32>} : memref<4x128xf32, #tpu.memory_space<vmem>>, vector<1x16xf32>,
    %get3A_1471 = vector.shape_cast %get3A_1470 : vector<1x16xf32> to vector<16xf32>
    %get3A_1472 = arith.constant 2 : i32
    %get3A_1473 = arith.index_cast %get3A_1472 : i32 to index
    %get3A_1474 = arith.constant 112 : index
    %get3A_1475 = tpu.vector_load %arg16[%get3A_1473, %get3A_1474] {strides = array<i32>} : memref<4x128xf32, #tpu.memory_space<vmem>>, vector<1x16xf32>,
    %get3A_1476 = vector.shape_cast %get3A_1475 : vector<1x16xf32> to vector<16xf32>
    %add3A_1477 = arith.addf %get3A_1471, %get3A_1476 : vector<16xf32>
    %get3A_1478 = arith.constant 2 : i32
    %get3A_1479 = arith.index_cast %get3A_1478 : i32 to index
    %get3A_1480 = arith.constant 112 : index
    %get3A_1481 = tpu.vector_load %arg17[%get3A_1479, %get3A_1480] {strides = array<i32>} : memref<4x128xf32, #tpu.memory_space<vmem>>, vector<1x16xf32>,
    %get3A_1482 = vector.shape_cast %get3A_1481 : vector<1x16xf32> to vector<16xf32>
    %add3A_1483 = arith.addf %add3A_1477, %get3A_1482 : vector<16xf32>
    %get3A_1484 = arith.constant 2 : i32
    %get3A_1485 = arith.index_cast %get3A_1484 : i32 to index
    %get3A_1486 = arith.constant 112 : index
    %get3A_1487 = tpu.vector_load %arg18[%get3A_1485, %get3A_1486] {strides = array<i32>} : memref<4x128xf32, #tpu.memory_space<vmem>>, vector<1x16xf32>,
    %get3A_1488 = vector.shape_cast %get3A_1487 : vector<1x16xf32> to vector<16xf32>
    %add3A_1489 = arith.addf %add3A_1483, %get3A_1488 : vector<16xf32>
    %get3A_1490 = arith.constant 2 : i32
    %get3A_1491 = arith.index_cast %get3A_1490 : i32 to index
    %get3A_1492 = arith.constant 112 : index
    %get3A_1493 = tpu.vector_load %arg19[%get3A_1491, %get3A_1492] {strides = array<i32>} : memref<4x128xf32, #tpu.memory_space<vmem>>, vector<1x16xf32>,
    %get3A_1494 = vector.shape_cast %get3A_1493 : vector<1x16xf32> to vector<16xf32>
    %add3A_1495 = arith.addf %add3A_1489, %get3A_1494 : vector<16xf32>
    %add3A_1496 = vector.broadcast %squeeze3A : f32 to vector<16xf32>
    %add3A_1497 = arith.addf %add3A_1495, %add3A_1496 : vector<16xf32>
    %swap3A_1498 = arith.constant 2 : i32
    %swap3A_1499 = arith.index_cast %swap3A_1498 : i32 to index
    %swap3A_1500 = arith.constant 112 : index
    %swap3A_1501 = tpu.vector_load %arg20[%swap3A_1499, %swap3A_1500] {strides = array<i32>} : memref<4x128xf32, #tpu.memory_space<vmem>>, vector<1x16xf32>,
    %swap3A_1502 = vector.shape_cast %swap3A_1501 : vector<1x16xf32> to vector<16xf32>
    %swap3A_1503 = vector.shape_cast %add3A_1497 : vector<16xf32> to vector<1x16xf32>
    tpu.vector_store %arg20[%swap3A_1499, %swap3A_1500], %swap3A_1503 {strides = array<i32>} : memref<4x128xf32, #tpu.memory_space<vmem>>, vector<1x16xf32>,
    %get3A_1504 = arith.constant 3 : i32
    %get3A_1505 = arith.index_cast %get3A_1504 : i32 to index
    %get3A_1506 = arith.constant 0 : index
    %get3A_1507 = tpu.vector_load %arg15[%get3A_1505, %get3A_1506] {strides = array<i32>} : memref<4x128xf32, #tpu.memory_space<vmem>>, vector<1x16xf32>,
    %get3A_1508 = vector.shape_cast %get3A_1507 : vector<1x16xf32> to vector<16xf32>
    %get3A_1509 = arith.constant 3 : i32
    %get3A_1510 = arith.index_cast %get3A_1509 : i32 to index
    %get3A_1511 = arith.constant 0 : index
    %get3A_1512 = tpu.vector_load %arg16[%get3A_1510, %get3A_1511] {strides = array<i32>} : memref<4x128xf32, #tpu.memory_space<vmem>>, vector<1x16xf32>,
    %get3A_1513 = vector.shape_cast %get3A_1512 : vector<1x16xf32> to vector<16xf32>
    %add3A_1514 = arith.addf %get3A_1508, %get3A_1513 : vector<16xf32>
    %get3A_1515 = arith.constant 3 : i32
    %get3A_1516 = arith.index_cast %get3A_1515 : i32 to index
    %get3A_1517 = arith.constant 0 : index
    %get3A_1518 = tpu.vector_load %arg17[%get3A_1516, %get3A_1517] {strides = array<i32>} : memref<4x128xf32, #tpu.memory_space<vmem>>, vector<1x16xf32>,
    %get3A_1519 = vector.shape_cast %get3A_1518 : vector<1x16xf32> to vector<16xf32>
    %add3A_1520 = arith.addf %add3A_1514, %get3A_1519 : vector<16xf32>
    %get3A_1521 = arith.constant 3 : i32
    %get3A_1522 = arith.index_cast %get3A_1521 : i32 to index
    %get3A_1523 = arith.constant 0 : index
    %get3A_1524 = tpu.vector_load %arg18[%get3A_1522, %get3A_1523] {strides = array<i32>} : memref<4x128xf32, #tpu.memory_space<vmem>>, vector<1x16xf32>,
    %get3A_1525 = vector.shape_cast %get3A_1524 : vector<1x16xf32> to vector<16xf32>
    %add3A_1526 = arith.addf %add3A_1520, %get3A_1525 : vector<16xf32>
    %get3A_1527 = arith.constant 3 : i32
    %get3A_1528 = arith.index_cast %get3A_1527 : i32 to index
    %get3A_1529 = arith.constant 0 : index
    %get3A_1530 = tpu.vector_load %arg19[%get3A_1528, %get3A_1529] {strides = array<i32>} : memref<4x128xf32, #tpu.memory_space<vmem>>, vector<1x16xf32>,
    %get3A_1531 = vector.shape_cast %get3A_1530 : vector<1x16xf32> to vector<16xf32>
    %add3A_1532 = arith.addf %add3A_1526, %get3A_1531 : vector<16xf32>
    %add3A_1533 = vector.broadcast %squeeze3A : f32 to vector<16xf32>
    %add3A_1534 = arith.addf %add3A_1532, %add3A_1533 : vector<16xf32>
    %swap3A_1535 = arith.constant 3 : i32
    %swap3A_1536 = arith.index_cast %swap3A_1535 : i32 to index
    %swap3A_1537 = arith.constant 0 : index
    %swap3A_1538 = tpu.vector_load %arg20[%swap3A_1536, %swap3A_1537] {strides = array<i32>} : memref<4x128xf32, #tpu.memory_space<vmem>>, vector<1x16xf32>,
    %swap3A_1539 = vector.shape_cast %swap3A_1538 : vector<1x16xf32> to vector<16xf32>
    %swap3A_1540 = vector.shape_cast %add3A_1534 : vector<16xf32> to vector<1x16xf32>
    tpu.vector_store %arg20[%swap3A_1536, %swap3A_1537], %swap3A_1540 {strides = array<i32>} : memref<4x128xf32, #tpu.memory_space<vmem>>, vector<1x16xf32>,
    %get3A_1541 = arith.constant 3 : i32
    %get3A_1542 = arith.index_cast %get3A_1541 : i32 to index
    %get3A_1543 = arith.constant 16 : index
    %get3A_1544 = tpu.vector_load %arg15[%get3A_1542, %get3A_1543] {strides = array<i32>} : memref<4x128xf32, #tpu.memory_space<vmem>>, vector<1x16xf32>,
    %get3A_1545 = vector.shape_cast %get3A_1544 : vector<1x16xf32> to vector<16xf32>
    %get3A_1546 = arith.constant 3 : i32
    %get3A_1547 = arith.index_cast %get3A_1546 : i32 to index
    %get3A_1548 = arith.constant 16 : index
    %get3A_1549 = tpu.vector_load %arg16[%get3A_1547, %get3A_1548] {strides = array<i32>} : memref<4x128xf32, #tpu.memory_space<vmem>>, vector<1x16xf32>,
    %get3A_1550 = vector.shape_cast %get3A_1549 : vector<1x16xf32> to vector<16xf32>
    %add3A_1551 = arith.addf %get3A_1545, %get3A_1550 : vector<16xf32>
    %get3A_1552 = arith.constant 3 : i32
    %get3A_1553 = arith.index_cast %get3A_1552 : i32 to index
    %get3A_1554 = arith.constant 16 : index
    %get3A_1555 = tpu.vector_load %arg17[%get3A_1553, %get3A_1554] {strides = array<i32>} : memref<4x128xf32, #tpu.memory_space<vmem>>, vector<1x16xf32>,
    %get3A_1556 = vector.shape_cast %get3A_1555 : vector<1x16xf32> to vector<16xf32>
    %add3A_1557 = arith.addf %add3A_1551, %get3A_1556 : vector<16xf32>
    %get3A_1558 = arith.constant 3 : i32
    %get3A_1559 = arith.index_cast %get3A_1558 : i32 to index
    %get3A_1560 = arith.constant 16 : index
    %get3A_1561 = tpu.vector_load %arg18[%get3A_1559, %get3A_1560] {strides = array<i32>} : memref<4x128xf32, #tpu.memory_space<vmem>>, vector<1x16xf32>,
    %get3A_1562 = vector.shape_cast %get3A_1561 : vector<1x16xf32> to vector<16xf32>
    %add3A_1563 = arith.addf %add3A_1557, %get3A_1562 : vector<16xf32>
    %get3A_1564 = arith.constant 3 : i32
    %get3A_1565 = arith.index_cast %get3A_1564 : i32 to index
    %get3A_1566 = arith.constant 16 : index
    %get3A_1567 = tpu.vector_load %arg19[%get3A_1565, %get3A_1566] {strides = array<i32>} : memref<4x128xf32, #tpu.memory_space<vmem>>, vector<1x16xf32>,
    %get3A_1568 = vector.shape_cast %get3A_1567 : vector<1x16xf32> to vector<16xf32>
    %add3A_1569 = arith.addf %add3A_1563, %get3A_1568 : vector<16xf32>
    %add3A_1570 = vector.broadcast %squeeze3A : f32 to vector<16xf32>
    %add3A_1571 = arith.addf %add3A_1569, %add3A_1570 : vector<16xf32>
    %swap3A_1572 = arith.constant 3 : i32
    %swap3A_1573 = arith.index_cast %swap3A_1572 : i32 to index
    %swap3A_1574 = arith.constant 16 : index
    %swap3A_1575 = tpu.vector_load %arg20[%swap3A_1573, %swap3A_1574] {strides = array<i32>} : memref<4x128xf32, #tpu.memory_space<vmem>>, vector<1x16xf32>,
    %swap3A_1576 = vector.shape_cast %swap3A_1575 : vector<1x16xf32> to vector<16xf32>
    %swap3A_1577 = vector.shape_cast %add3A_1571 : vector<16xf32> to vector<1x16xf32>
    tpu.vector_store %arg20[%swap3A_1573, %swap3A_1574], %swap3A_1577 {strides = array<i32>} : memref<4x128xf32, #tpu.memory_space<vmem>>, vector<1x16xf32>,
    %get3A_1578 = arith.constant 3 : i32
    %get3A_1579 = arith.index_cast %get3A_1578 : i32 to index
    %get3A_1580 = arith.constant 32 : index
    %get3A_1581 = tpu.vector_load %arg15[%get3A_1579, %get3A_1580] {strides = array<i32>} : memref<4x128xf32, #tpu.memory_space<vmem>>, vector<1x16xf32>,
    %get3A_1582 = vector.shape_cast %get3A_1581 : vector<1x16xf32> to vector<16xf32>
    %get3A_1583 = arith.constant 3 : i32
    %get3A_1584 = arith.index_cast %get3A_1583 : i32 to index
    %get3A_1585 = arith.constant 32 : index
    %get3A_1586 = tpu.vector_load %arg16[%get3A_1584, %get3A_1585] {strides = array<i32>} : memref<4x128xf32, #tpu.memory_space<vmem>>, vector<1x16xf32>,
    %get3A_1587 = vector.shape_cast %get3A_1586 : vector<1x16xf32> to vector<16xf32>
    %add3A_1588 = arith.addf %get3A_1582, %get3A_1587 : vector<16xf32>
    %get3A_1589 = arith.constant 3 : i32
    %get3A_1590 = arith.index_cast %get3A_1589 : i32 to index
    %get3A_1591 = arith.constant 32 : index
    %get3A_1592 = tpu.vector_load %arg17[%get3A_1590, %get3A_1591] {strides = array<i32>} : memref<4x128xf32, #tpu.memory_space<vmem>>, vector<1x16xf32>,
    %get3A_1593 = vector.shape_cast %get3A_1592 : vector<1x16xf32> to vector<16xf32>
    %add3A_1594 = arith.addf %add3A_1588, %get3A_1593 : vector<16xf32>
    %get3A_1595 = arith.constant 3 : i32
    %get3A_1596 = arith.index_cast %get3A_1595 : i32 to index
    %get3A_1597 = arith.constant 32 : index
    %get3A_1598 = tpu.vector_load %arg18[%get3A_1596, %get3A_1597] {strides = array<i32>} : memref<4x128xf32, #tpu.memory_space<vmem>>, vector<1x16xf32>,
    %get3A_1599 = vector.shape_cast %get3A_1598 : vector<1x16xf32> to vector<16xf32>
    %add3A_1600 = arith.addf %add3A_1594, %get3A_1599 : vector<16xf32>
    %get3A_1601 = arith.constant 3 : i32
    %get3A_1602 = arith.index_cast %get3A_1601 : i32 to index
    %get3A_1603 = arith.constant 32 : index
    %get3A_1604 = tpu.vector_load %arg19[%get3A_1602, %get3A_1603] {strides = array<i32>} : memref<4x128xf32, #tpu.memory_space<vmem>>, vector<1x16xf32>,
    %get3A_1605 = vector.shape_cast %get3A_1604 : vector<1x16xf32> to vector<16xf32>
    %add3A_1606 = arith.addf %add3A_1600, %get3A_1605 : vector<16xf32>
    %add3A_1607 = vector.broadcast %squeeze3A : f32 to vector<16xf32>
    %add3A_1608 = arith.addf %add3A_1606, %add3A_1607 : vector<16xf32>
    %swap3A_1609 = arith.constant 3 : i32
    %swap3A_1610 = arith.index_cast %swap3A_1609 : i32 to index
    %swap3A_1611 = arith.constant 32 : index
    %swap3A_1612 = tpu.vector_load %arg20[%swap3A_1610, %swap3A_1611] {strides = array<i32>} : memref<4x128xf32, #tpu.memory_space<vmem>>, vector<1x16xf32>,
    %swap3A_1613 = vector.shape_cast %swap3A_1612 : vector<1x16xf32> to vector<16xf32>
    %swap3A_1614 = vector.shape_cast %add3A_1608 : vector<16xf32> to vector<1x16xf32>
    tpu.vector_store %arg20[%swap3A_1610, %swap3A_1611], %swap3A_1614 {strides = array<i32>} : memref<4x128xf32, #tpu.memory_space<vmem>>, vector<1x16xf32>,
    %get3A_1615 = arith.constant 3 : i32
    %get3A_1616 = arith.index_cast %get3A_1615 : i32 to index
    %get3A_1617 = arith.constant 48 : index
    %get3A_1618 = tpu.vector_load %arg15[%get3A_1616, %get3A_1617] {strides = array<i32>} : memref<4x128xf32, #tpu.memory_space<vmem>>, vector<1x16xf32>,
    %get3A_1619 = vector.shape_cast %get3A_1618 : vector<1x16xf32> to vector<16xf32>
    %get3A_1620 = arith.constant 3 : i32
    %get3A_1621 = arith.index_cast %get3A_1620 : i32 to index
    %get3A_1622 = arith.constant 48 : index
    %get3A_1623 = tpu.vector_load %arg16[%get3A_1621, %get3A_1622] {strides = array<i32>} : memref<4x128xf32, #tpu.memory_space<vmem>>, vector<1x16xf32>,
    %get3A_1624 = vector.shape_cast %get3A_1623 : vector<1x16xf32> to vector<16xf32>
    %add3A_1625 = arith.addf %get3A_1619, %get3A_1624 : vector<16xf32>
    %get3A_1626 = arith.constant 3 : i32
    %get3A_1627 = arith.index_cast %get3A_1626 : i32 to index
    %get3A_1628 = arith.constant 48 : index
    %get3A_1629 = tpu.vector_load %arg17[%get3A_1627, %get3A_1628] {strides = array<i32>} : memref<4x128xf32, #tpu.memory_space<vmem>>, vector<1x16xf32>,
    %get3A_1630 = vector.shape_cast %get3A_1629 : vector<1x16xf32> to vector<16xf32>
    %add3A_1631 = arith.addf %add3A_1625, %get3A_1630 : vector<16xf32>
    %get3A_1632 = arith.constant 3 : i32
    %get3A_1633 = arith.index_cast %get3A_1632 : i32 to index
    %get3A_1634 = arith.constant 48 : index
    %get3A_1635 = tpu.vector_load %arg18[%get3A_1633, %get3A_1634] {strides = array<i32>} : memref<4x128xf32, #tpu.memory_space<vmem>>, vector<1x16xf32>,
    %get3A_1636 = vector.shape_cast %get3A_1635 : vector<1x16xf32> to vector<16xf32>
    %add3A_1637 = arith.addf %add3A_1631, %get3A_1636 : vector<16xf32>
    %get3A_1638 = arith.constant 3 : i32
    %get3A_1639 = arith.index_cast %get3A_1638 : i32 to index
    %get3A_1640 = arith.constant 48 : index
    %get3A_1641 = tpu.vector_load %arg19[%get3A_1639, %get3A_1640] {strides = array<i32>} : memref<4x128xf32, #tpu.memory_space<vmem>>, vector<1x16xf32>,
    %get3A_1642 = vector.shape_cast %get3A_1641 : vector<1x16xf32> to vector<16xf32>
    %add3A_1643 = arith.addf %add3A_1637, %get3A_1642 : vector<16xf32>
    %add3A_1644 = vector.broadcast %squeeze3A : f32 to vector<16xf32>
    %add3A_1645 = arith.addf %add3A_1643, %add3A_1644 : vector<16xf32>
    %swap3A_1646 = arith.constant 3 : i32
    %swap3A_1647 = arith.index_cast %swap3A_1646 : i32 to index
    %swap3A_1648 = arith.constant 48 : index
    %swap3A_1649 = tpu.vector_load %arg20[%swap3A_1647, %swap3A_1648] {strides = array<i32>} : memref<4x128xf32, #tpu.memory_space<vmem>>, vector<1x16xf32>,
    %swap3A_1650 = vector.shape_cast %swap3A_1649 : vector<1x16xf32> to vector<16xf32>
    %swap3A_1651 = vector.shape_cast %add3A_1645 : vector<16xf32> to vector<1x16xf32>
    tpu.vector_store %arg20[%swap3A_1647, %swap3A_1648], %swap3A_1651 {strides = array<i32>} : memref<4x128xf32, #tpu.memory_space<vmem>>, vector<1x16xf32>,
    %get3A_1652 = arith.constant 3 : i32
    %get3A_1653 = arith.index_cast %get3A_1652 : i32 to index
    %get3A_1654 = arith.constant 64 : index
    %get3A_1655 = tpu.vector_load %arg15[%get3A_1653, %get3A_1654] {strides = array<i32>} : memref<4x128xf32, #tpu.memory_space<vmem>>, vector<1x16xf32>,
    %get3A_1656 = vector.shape_cast %get3A_1655 : vector<1x16xf32> to vector<16xf32>
    %get3A_1657 = arith.constant 3 : i32
    %get3A_1658 = arith.index_cast %get3A_1657 : i32 to index
    %get3A_1659 = arith.constant 64 : index
    %get3A_1660 = tpu.vector_load %arg16[%get3A_1658, %get3A_1659] {strides = array<i32>} : memref<4x128xf32, #tpu.memory_space<vmem>>, vector<1x16xf32>,
    %get3A_1661 = vector.shape_cast %get3A_1660 : vector<1x16xf32> to vector<16xf32>
    %add3A_1662 = arith.addf %get3A_1656, %get3A_1661 : vector<16xf32>
    %get3A_1663 = arith.constant 3 : i32
    %get3A_1664 = arith.index_cast %get3A_1663 : i32 to index
    %get3A_1665 = arith.constant 64 : index
    %get3A_1666 = tpu.vector_load %arg17[%get3A_1664, %get3A_1665] {strides = array<i32>} : memref<4x128xf32, #tpu.memory_space<vmem>>, vector<1x16xf32>,
    %get3A_1667 = vector.shape_cast %get3A_1666 : vector<1x16xf32> to vector<16xf32>
    %add3A_1668 = arith.addf %add3A_1662, %get3A_1667 : vector<16xf32>
    %get3A_1669 = arith.constant 3 : i32
    %get3A_1670 = arith.index_cast %get3A_1669 : i32 to index
    %get3A_1671 = arith.constant 64 : index
    %get3A_1672 = tpu.vector_load %arg18[%get3A_1670, %get3A_1671] {strides = array<i32>} : memref<4x128xf32, #tpu.memory_space<vmem>>, vector<1x16xf32>,
    %get3A_1673 = vector.shape_cast %get3A_1672 : vector<1x16xf32> to vector<16xf32>
    %add3A_1674 = arith.addf %add3A_1668, %get3A_1673 : vector<16xf32>
    %get3A_1675 = arith.constant 3 : i32
    %get3A_1676 = arith.index_cast %get3A_1675 : i32 to index
    %get3A_1677 = arith.constant 64 : index
    %get3A_1678 = tpu.vector_load %arg19[%get3A_1676, %get3A_1677] {strides = array<i32>} : memref<4x128xf32, #tpu.memory_space<vmem>>, vector<1x16xf32>,
    %get3A_1679 = vector.shape_cast %get3A_1678 : vector<1x16xf32> to vector<16xf32>
    %add3A_1680 = arith.addf %add3A_1674, %get3A_1679 : vector<16xf32>
    %add3A_1681 = vector.broadcast %squeeze3A : f32 to vector<16xf32>
    %add3A_1682 = arith.addf %add3A_1680, %add3A_1681 : vector<16xf32>
    %swap3A_1683 = arith.constant 3 : i32
    %swap3A_1684 = arith.index_cast %swap3A_1683 : i32 to index
    %swap3A_1685 = arith.constant 64 : index
    %swap3A_1686 = tpu.vector_load %arg20[%swap3A_1684, %swap3A_1685] {strides = array<i32>} : memref<4x128xf32, #tpu.memory_space<vmem>>, vector<1x16xf32>,
    %swap3A_1687 = vector.shape_cast %swap3A_1686 : vector<1x16xf32> to vector<16xf32>
    %swap3A_1688 = vector.shape_cast %add3A_1682 : vector<16xf32> to vector<1x16xf32>
    tpu.vector_store %arg20[%swap3A_1684, %swap3A_1685], %swap3A_1688 {strides = array<i32>} : memref<4x128xf32, #tpu.memory_space<vmem>>, vector<1x16xf32>,
    %get3A_1689 = arith.constant 3 : i32
    %get3A_1690 = arith.index_cast %get3A_1689 : i32 to index
    %get3A_1691 = arith.constant 80 : index
    %get3A_1692 = tpu.vector_load %arg15[%get3A_1690, %get3A_1691] {strides = array<i32>} : memref<4x128xf32, #tpu.memory_space<vmem>>, vector<1x16xf32>,
    %get3A_1693 = vector.shape_cast %get3A_1692 : vector<1x16xf32> to vector<16xf32>
    %get3A_1694 = arith.constant 3 : i32
    %get3A_1695 = arith.index_cast %get3A_1694 : i32 to index
    %get3A_1696 = arith.constant 80 : index
    %get3A_1697 = tpu.vector_load %arg16[%get3A_1695, %get3A_1696] {strides = array<i32>} : memref<4x128xf32, #tpu.memory_space<vmem>>, vector<1x16xf32>,
    %get3A_1698 = vector.shape_cast %get3A_1697 : vector<1x16xf32> to vector<16xf32>
    %add3A_1699 = arith.addf %get3A_1693, %get3A_1698 : vector<16xf32>
    %get3A_1700 = arith.constant 3 : i32
    %get3A_1701 = arith.index_cast %get3A_1700 : i32 to index
    %get3A_1702 = arith.constant 80 : index
    %get3A_1703 = tpu.vector_load %arg17[%get3A_1701, %get3A_1702] {strides = array<i32>} : memref<4x128xf32, #tpu.memory_space<vmem>>, vector<1x16xf32>,
    %get3A_1704 = vector.shape_cast %get3A_1703 : vector<1x16xf32> to vector<16xf32>
    %add3A_1705 = arith.addf %add3A_1699, %get3A_1704 : vector<16xf32>
    %get3A_1706 = arith.constant 3 : i32
    %get3A_1707 = arith.index_cast %get3A_1706 : i32 to index
    %get3A_1708 = arith.constant 80 : index
    %get3A_1709 = tpu.vector_load %arg18[%get3A_1707, %get3A_1708] {strides = array<i32>} : memref<4x128xf32, #tpu.memory_space<vmem>>, vector<1x16xf32>,
    %get3A_1710 = vector.shape_cast %get3A_1709 : vector<1x16xf32> to vector<16xf32>
    %add3A_1711 = arith.addf %add3A_1705, %get3A_1710 : vector<16xf32>
    %get3A_1712 = arith.constant 3 : i32
    %get3A_1713 = arith.index_cast %get3A_1712 : i32 to index
    %get3A_1714 = arith.constant 80 : index
    %get3A_1715 = tpu.vector_load %arg19[%get3A_1713, %get3A_1714] {strides = array<i32>} : memref<4x128xf32, #tpu.memory_space<vmem>>, vector<1x16xf32>,
    %get3A_1716 = vector.shape_cast %get3A_1715 : vector<1x16xf32> to vector<16xf32>
    %add3A_1717 = arith.addf %add3A_1711, %get3A_1716 : vector<16xf32>
    %add3A_1718 = vector.broadcast %squeeze3A : f32 to vector<16xf32>
    %add3A_1719 = arith.addf %add3A_1717, %add3A_1718 : vector<16xf32>
    %swap3A_1720 = arith.constant 3 : i32
    %swap3A_1721 = arith.index_cast %swap3A_1720 : i32 to index
    %swap3A_1722 = arith.constant 80 : index
    %swap3A_1723 = tpu.vector_load %arg20[%swap3A_1721, %swap3A_1722] {strides = array<i32>} : memref<4x128xf32, #tpu.memory_space<vmem>>, vector<1x16xf32>,
    %swap3A_1724 = vector.shape_cast %swap3A_1723 : vector<1x16xf32> to vector<16xf32>
    %swap3A_1725 = vector.shape_cast %add3A_1719 : vector<16xf32> to vector<1x16xf32>
    tpu.vector_store %arg20[%swap3A_1721, %swap3A_1722], %swap3A_1725 {strides = array<i32>} : memref<4x128xf32, #tpu.memory_space<vmem>>, vector<1x16xf32>,
    %get3A_1726 = arith.constant 3 : i32
    %get3A_1727 = arith.index_cast %get3A_1726 : i32 to index
    %get3A_1728 = arith.constant 96 : index
    %get3A_1729 = tpu.vector_load %arg15[%get3A_1727, %get3A_1728] {strides = array<i32>} : memref<4x128xf32, #tpu.memory_space<vmem>>, vector<1x16xf32>,
    %get3A_1730 = vector.shape_cast %get3A_1729 : vector<1x16xf32> to vector<16xf32>
    %get3A_1731 = arith.constant 3 : i32
    %get3A_1732 = arith.index_cast %get3A_1731 : i32 to index
    %get3A_1733 = arith.constant 96 : index
    %get3A_1734 = tpu.vector_load %arg16[%get3A_1732, %get3A_1733] {strides = array<i32>} : memref<4x128xf32, #tpu.memory_space<vmem>>, vector<1x16xf32>,
    %get3A_1735 = vector.shape_cast %get3A_1734 : vector<1x16xf32> to vector<16xf32>
    %add3A_1736 = arith.addf %get3A_1730, %get3A_1735 : vector<16xf32>
    %get3A_1737 = arith.constant 3 : i32
    %get3A_1738 = arith.index_cast %get3A_1737 : i32 to index
    %get3A_1739 = arith.constant 96 : index
    %get3A_1740 = tpu.vector_load %arg17[%get3A_1738, %get3A_1739] {strides = array<i32>} : memref<4x128xf32, #tpu.memory_space<vmem>>, vector<1x16xf32>,
    %get3A_1741 = vector.shape_cast %get3A_1740 : vector<1x16xf32> to vector<16xf32>
    %add3A_1742 = arith.addf %add3A_1736, %get3A_1741 : vector<16xf32>
    %get3A_1743 = arith.constant 3 : i32
    %get3A_1744 = arith.index_cast %get3A_1743 : i32 to index
    %get3A_1745 = arith.constant 96 : index
    %get3A_1746 = tpu.vector_load %arg18[%get3A_1744, %get3A_1745] {strides = array<i32>} : memref<4x128xf32, #tpu.memory_space<vmem>>, vector<1x16xf32>,
    %get3A_1747 = vector.shape_cast %get3A_1746 : vector<1x16xf32> to vector<16xf32>
    %add3A_1748 = arith.addf %add3A_1742, %get3A_1747 : vector<16xf32>
    %get3A_1749 = arith.constant 3 : i32
    %get3A_1750 = arith.index_cast %get3A_1749 : i32 to index
    %get3A_1751 = arith.constant 96 : index
    %get3A_1752 = tpu.vector_load %arg19[%get3A_1750, %get3A_1751] {strides = array<i32>} : memref<4x128xf32, #tpu.memory_space<vmem>>, vector<1x16xf32>,
    %get3A_1753 = vector.shape_cast %get3A_1752 : vector<1x16xf32> to vector<16xf32>
    %add3A_1754 = arith.addf %add3A_1748, %get3A_1753 : vector<16xf32>
    %add3A_1755 = vector.broadcast %squeeze3A : f32 to vector<16xf32>
    %add3A_1756 = arith.addf %add3A_1754, %add3A_1755 : vector<16xf32>
    %swap3A_1757 = arith.constant 3 : i32
    %swap3A_1758 = arith.index_cast %swap3A_1757 : i32 to index
    %swap3A_1759 = arith.constant 96 : index
    %swap3A_1760 = tpu.vector_load %arg20[%swap3A_1758, %swap3A_1759] {strides = array<i32>} : memref<4x128xf32, #tpu.memory_space<vmem>>, vector<1x16xf32>,
    %swap3A_1761 = vector.shape_cast %swap3A_1760 : vector<1x16xf32> to vector<16xf32>
    %swap3A_1762 = vector.shape_cast %add3A_1756 : vector<16xf32> to vector<1x16xf32>
    tpu.vector_store %arg20[%swap3A_1758, %swap3A_1759], %swap3A_1762 {strides = array<i32>} : memref<4x128xf32, #tpu.memory_space<vmem>>, vector<1x16xf32>,
    %get3A_1763 = arith.constant 3 : i32
    %get3A_1764 = arith.index_cast %get3A_1763 : i32 to index
    %get3A_1765 = arith.constant 112 : index
    %get3A_1766 = tpu.vector_load %arg15[%get3A_1764, %get3A_1765] {strides = array<i32>} : memref<4x128xf32, #tpu.memory_space<vmem>>, vector<1x16xf32>,
    %get3A_1767 = vector.shape_cast %get3A_1766 : vector<1x16xf32> to vector<16xf32>
    %get3A_1768 = arith.constant 3 : i32
    %get3A_1769 = arith.index_cast %get3A_1768 : i32 to index
    %get3A_1770 = arith.constant 112 : index
    %get3A_1771 = tpu.vector_load %arg16[%get3A_1769, %get3A_1770] {strides = array<i32>} : memref<4x128xf32, #tpu.memory_space<vmem>>, vector<1x16xf32>,
    %get3A_1772 = vector.shape_cast %get3A_1771 : vector<1x16xf32> to vector<16xf32>
    %add3A_1773 = arith.addf %get3A_1767, %get3A_1772 : vector<16xf32>
    %get3A_1774 = arith.constant 3 : i32
    %get3A_1775 = arith.index_cast %get3A_1774 : i32 to index
    %get3A_1776 = arith.constant 112 : index
    %get3A_1777 = tpu.vector_load %arg17[%get3A_1775, %get3A_1776] {strides = array<i32>} : memref<4x128xf32, #tpu.memory_space<vmem>>, vector<1x16xf32>,
    %get3A_1778 = vector.shape_cast %get3A_1777 : vector<1x16xf32> to vector<16xf32>
    %add3A_1779 = arith.addf %add3A_1773, %get3A_1778 : vector<16xf32>
    %get3A_1780 = arith.constant 3 : i32
    %get3A_1781 = arith.index_cast %get3A_1780 : i32 to index
    %get3A_1782 = arith.constant 112 : index
    %get3A_1783 = tpu.vector_load %arg18[%get3A_1781, %get3A_1782] {strides = array<i32>} : memref<4x128xf32, #tpu.memory_space<vmem>>, vector<1x16xf32>,
    %get3A_1784 = vector.shape_cast %get3A_1783 : vector<1x16xf32> to vector<16xf32>
    %add3A_1785 = arith.addf %add3A_1779, %get3A_1784 : vector<16xf32>
    %get3A_1786 = arith.constant 3 : i32
    %get3A_1787 = arith.index_cast %get3A_1786 : i32 to index
    %get3A_1788 = arith.constant 112 : index
    %get3A_1789 = tpu.vector_load %arg19[%get3A_1787, %get3A_1788] {strides = array<i32>} : memref<4x128xf32, #tpu.memory_space<vmem>>, vector<1x16xf32>,
    %get3A_1790 = vector.shape_cast %get3A_1789 : vector<1x16xf32> to vector<16xf32>
    %add3A_1791 = arith.addf %add3A_1785, %get3A_1790 : vector<16xf32>
    %add3A_1792 = vector.broadcast %squeeze3A : f32 to vector<16xf32>
    %add3A_1793 = arith.addf %add3A_1791, %add3A_1792 : vector<16xf32>
    %swap3A_1794 = arith.constant 3 : i32
    %swap3A_1795 = arith.index_cast %swap3A_1794 : i32 to index
    %swap3A_1796 = arith.constant 112 : index
    %swap3A_1797 = tpu.vector_load %arg20[%swap3A_1795, %swap3A_1796] {strides = array<i32>} : memref<4x128xf32, #tpu.memory_space<vmem>>, vector<1x16xf32>,
    %swap3A_1798 = vector.shape_cast %swap3A_1797 : vector<1x16xf32> to vector<16xf32>
    %swap3A_1799 = vector.shape_cast %add3A_1793 : vector<16xf32> to vector<1x16xf32>
    tpu.vector_store %arg20[%swap3A_1795, %swap3A_1796], %swap3A_1799 {strides = array<i32>} : memref<4x128xf32, #tpu.memory_space<vmem>>, vector<1x16xf32>,
    "tpu.region"() ({
      %run_scoped3A = tpu.sem_alloc : memref<!tpu.dma_semaphore, #tpu.memory_space<semaphore_mem>>
      %dma_start3A_1800 = arith.constant 0 : i32
      %dma_start3A_1801 = arith.constant 0 : i32
      %dma_start3A_1802 = tpu.memref_slice %arg11[%add3A, %dma_start3A_1800, %dma_start3A_1801] : memref<32x4x128xf32, #tpu.memory_space<hbm>> -> memref<1x4x128xf32, #tpu.memory_space<hbm>>
      %dma_start3A_1803 = tpu.memref_squeeze %dma_start3A_1802 : memref<1x4x128xf32, #tpu.memory_space<hbm>> -> memref<4x128xf32, #tpu.memory_space<hbm>>
      %dma_start3A_1804 = arith.constant 0 : i32
      %dma_start3A_1805 = arith.constant 0 : i32
      %dma_start3A_1806 = tpu.memref_slice %arg11[%add3A, %dma_start3A_1804, %dma_start3A_1805] : memref<32x4x128xf32, #tpu.memory_space<hbm>> -> memref<1x4x128xf32, #tpu.memory_space<hbm>>
      %dma_start3A_1807 = tpu.memref_squeeze %dma_start3A_1806 : memref<1x4x128xf32, #tpu.memory_space<hbm>> -> memref<4x128xf32, #tpu.memory_space<hbm>>
      tpu.enqueue_dma source(%arg20 : memref<4x128xf32, #tpu.memory_space<vmem>>) target(%dma_start3A_1807 : memref<4x128xf32, #tpu.memory_space<hbm>>) target_semaphore(%run_scoped3A : memref<!tpu.dma_semaphore, #tpu.memory_space<semaphore_mem>>)
      %dma_wait3A_1808 = arith.constant 0 : i32
      %dma_wait3A_1809 = arith.constant 0 : i32
      %dma_wait3A_1810 = tpu.memref_slice %arg11[%add3A, %dma_wait3A_1808, %dma_wait3A_1809] : memref<32x4x128xf32, #tpu.memory_space<hbm>> -> memref<1x4x128xf32, #tpu.memory_space<hbm>>
      %dma_wait3A_1811 = tpu.memref_squeeze %dma_wait3A_1810 : memref<1x4x128xf32, #tpu.memory_space<hbm>> -> memref<4x128xf32, #tpu.memory_space<hbm>>
      %dma_wait3A_1812 = arith.constant 0 : i32
      %dma_wait3A_1813 = arith.constant 0 : i32
      %dma_wait3A_1814 = tpu.memref_slice %arg11[%add3A, %dma_wait3A_1812, %dma_wait3A_1813] : memref<32x4x128xf32, #tpu.memory_space<hbm>> -> memref<1x4x128xf32, #tpu.memory_space<hbm>>
      %dma_wait3A_1815 = tpu.memref_squeeze %dma_wait3A_1814 : memref<1x4x128xf32, #tpu.memory_space<hbm>> -> memref<4x128xf32, #tpu.memory_space<hbm>>
      tpu.wait_dma2 semaphore(%run_scoped3A : memref<!tpu.dma_semaphore, #tpu.memory_space<semaphore_mem>>) src(%arg20 : memref<4x128xf32, #tpu.memory_space<vmem>>) dst(%dma_wait3A_1815 : memref<4x128xf32, #tpu.memory_space<hbm>>)
      tpu.yield
    }) : () -> ()
    return
  }
}

</mosaic_0001>

<sc_bundles>
// kernel: kernel.3.cloned.1.call-start
scs
__scs_entry_jumppad:
0x0: {  	(pc) =	sbr.rel $0x88, $3  }
0x1: {  	(tag) =	ssettag $0x0;
	lr =	simm.s32 $0x1  }
0x2: {  	[smem:$0x3F98] =	sst lr;
	_ =	strace $0xD0000000  }
0x3: {  	_ = 	snop  }
0x4: {  	_ = 	snop  }
0x5: {  	_ = 	snop  }
0x6: {  	_ = 	snop  }
0x7: {  	_ = 	snop  }
__scs_overlays_trampoline_lowered:
0x8: {  	[smem:$0x3FA7] =	sst s0  }
0x9: {  	[smem:$0x3FA8] =	sst s1  }
0xa: {  	[smem:$0x3FA9] =	sst s2  }
0xb: {  	[smem:$0x3FAA] =	sst s3  }
0xc: {  	[smem:$0x3FAB] =	sst s4  }
0xd: {  	[smem:$0x3FAC] =	sst s5  }
0xe: {  	[smem:$0x3FAD] =	sst s6  }
0xf: {  	[smem:$0x3FAE] =	sst s7  }
0x10: {  	[smem:$0x3FAF] =	sst s8  }
0x11: {  	[smem:$0x3FB0] =	sst s9;
	s0 =	simm.s32 @!p0 $0x0  }
0x12: {  	s1 =	sld [smem:$0x3F96];
	s0 =	simm.s32 @p0 $0x1  }
0x13: {  	[smem:$0x3FB1] =	sst s0;
	s0 =	simm.s32 @!p1 $0x0  }
0x14: {  	s2 =	sld [smem:$0x3F95];
	s0 =	simm.s32 @p1 $0x1  }
0x15: {  	[smem:$0x3FB2] =	sst s0;
	s0 =	simm.s32 @!p2 $0x0  }
0x16: {  	s3 =	sld [smem:$0x3FDB];
	s0 =	simm.s32 @p2 $0x1  }
0x17: {  	s4 =	simm.s32 $0x1BF5;
	[smem:$0x3FB4] =	sst s0  }
0x18: {  	s0 =	sld [smem:$0x3F97];
	_ =	swait.ge [sflag:s4], $0x0  }
0x19: {  	s7 =	sld [smem:$0x3F98]  }
0x1a: {  	s8 =	sadd.s32 $0xFFFFE003, lr  }
0x1b: {  	s9 =	sadd.s32 $0xFFFFFEF7, lr;
	s5 =	simm.s32 $0xFFFFFFFF;
	p2 =	slt.u32 s8, $0xFFFFF086  }
0x1c: {  	p1 =	slt.u32 s9, $0xF7A;
	s5 =	simm.s32 @!p2 $0x0  }
0x1d: {  	s5 =	simm.s32 @p1 $0x1;
	p0 =	seq.s32 s7, s2  }
0x1e: {  	s7 =	smul.u32 @!p0 $0xF7A, s2;
	p2 =	seq.s32 @!p0 s5, $0x0  }
0x1f: {  	s9 =	smul.u32 $0xF7A, s1;
	s8 =	simm.s32 @!p0 $0x1BF5;
	p2 =	por !p2, p0  }
0x20: {  	[sflag:s8] =	ssyncset.s32 @!p0 $0xFFFFF086;
	s6 =	sadd.s32 @!p0 s3, s7;
	s7 =	simm.s32 @!p0 $0x108  }
0x21: {  	s3 =	sadd.s32 s3, s9;
	s6 =	sadd.s32 @!p0 $0x88, s6;
	s7 =	simm.s32 @p2 $0x1082  }
0x22: {  	[simem:s7], [sflag:s8] =	dma.local @!p0 [hbm:s6], $0xF7A  }
0x23: {  	s9 =	sor.u32 $0xD0000000, s2;
	s6 =	simm.s32 $0x108;
	_ =	swait.ge @!p0 [sflag:s8], $0x0  }
0x24: {  	s3 =	sadd.s32 $0x88, s3;
	s6 =	simm.s32 @!p1 $0x1082;
	[sflag:s4] =	ssyncset.s32 $0xFFFFF086  }
0x25: {  	[simem:s6], [sflag:s4] =	dma.local [hbm:s3], $0xF7A  }
0x26: {  	[smem:$0x3F98] =	sst s1;
	(tag) =	ssettag s2;
	_ =	strace s9  }
0x27: {  	s1 =	sld [smem:$0x3FA8]  }
0x28: {  	s2 =	sld [smem:$0x3FA9]  }
0x29: {  	s4 =	sld [smem:$0x3FAB]  }
0x2a: {  	p0 =	seq.s32 s5, $0x0;
	s5 =	sld [smem:$0x3FAC]  }
0x2b: {  	s6 =	sld [smem:$0x3FAD]  }
0x2c: {  	s7 =	sld [smem:$0x3FAE]  }
0x2d: {  	s3 =	simm.s32 $0x108;
	s8 =	sld [smem:$0x3FAF]  }
0x2e: {  	s3 =	simm.s32 @!p0 $0x1082;
	s9 =	sld [smem:$0x3FB0]  }
0x2f: {  	lr =	sadd.s32 s0, s3;
	s0 =	sld [smem:$0x3FA7]  }
0x30: {  	s3 =	sld [smem:$0x3FAA]  }
0x31: {  	[smem:$0x3FB3] =	sst s10  }
0x32: {  	s10 =	sld [smem:$0x3FB1];
	_ =	sdelay $0x3  }
0x33: {  	p0 =	seq.s32 s10, $0x1;
	s10 =	sld [smem:$0x3FB3];
	_ =	sdelay $0x3  }
0x34: {  	[smem:$0x3FB3] =	sst s10  }
0x35: {  	s10 =	sld [smem:$0x3FB2];
	_ =	sdelay $0x3  }
0x36: {  	p1 =	seq.s32 s10, $0x1;
	s10 =	sld [smem:$0x3FB3];
	_ =	sdelay $0x3  }
0x37: {  	[smem:$0x3FB3] =	sst s10  }
0x38: {  	s10 =	sld [smem:$0x3FB4]  }
0x39: {  	_ = 	snop;
	(pc) =	sbr.ind lr, $3  }
0x3a: {  	_ = 	snop  }
0x3b: {  	_ = 	snop  }
0x3c: {  	p2 =	seq.s32 s10, $0x1;
	s10 =	sld [smem:$0x3FB3]  }
0x3d: {  	_ =	shalt  }
0x3e: {  	_ =	shalt  }
0x3f: {  	_ =	shalt  }
0x40: {  	_ =	shalt  }
0x41: {  	_ =	shalt  }
0x42: {  	_ =	shalt  }
0x43: {  	_ =	shalt  }
0x44: {  	_ =	shalt  }
0x45: {  	_ =	shalt  }
0x46: {  	_ =	shalt  }
0x47: {  	_ =	shalt  }
0x48: {  	_ =	shalt  }
0x49: {  	_ =	shalt  }
0x4a: {  	_ =	shalt  }
0x4b: {  	_ =	shalt  }
0x4c: {  	_ =	shalt  }
0x4d: {  	_ =	shalt  }
0x4e: {  	_ =	shalt  }
0x4f: {  	_ =	shalt  }
0x50: {  	_ =	shalt  }
0x51: {  	_ =	shalt  }
0x52: {  	_ =	shalt  }
0x53: {  	_ =	shalt  }
0x54: {  	_ =	shalt  }
0x55: {  	_ =	shalt  }
0x56: {  	_ =	shalt  }
0x57: {  	_ =	shalt  }
0x58: {  	_ =	shalt  }
0x59: {  	_ =	shalt  }
0x5a: {  	_ =	shalt  }
0x5b: {  	_ =	shalt  }
0x5c: {  	_ =	shalt  }
0x5d: {  	_ =	shalt  }
0x5e: {  	_ =	shalt  }
0x5f: {  	_ =	shalt  }
0x60: {  	_ =	shalt  }
0x61: {  	_ =	shalt  }
0x62: {  	_ =	shalt  }
0x63: {  	_ =	shalt  }
0x64: {  	_ =	shalt  }
0x65: {  	_ =	shalt  }
0x66: {  	_ =	shalt  }
0x67: {  	_ =	shalt  }
0x68: {  	_ =	shalt  }
0x69: {  	_ =	shalt  }
0x6a: {  	_ =	shalt  }
0x6b: {  	_ =	shalt  }
0x6c: {  	_ =	shalt  }
0x6d: {  	_ =	shalt  }
0x6e: {  	_ =	shalt  }
0x6f: {  	_ =	shalt  }
0x70: {  	_ =	shalt  }
0x71: {  	_ =	shalt  }
0x72: {  	_ =	shalt  }
0x73: {  	_ =	shalt  }
0x74: {  	_ =	shalt  }
0x75: {  	_ =	shalt  }
0x76: {  	_ =	shalt  }
0x77: {  	_ =	shalt  }
0x78: {  	_ =	shalt  }
0x79: {  	_ =	shalt  }
0x7a: {  	_ =	shalt  }
0x7b: {  	_ =	shalt  }
0x7c: {  	_ =	shalt  }
0x7d: {  	_ =	shalt  }
0x7e: {  	_ =	shalt  }
0x7f: {  	_ =	shalt  }
0x80: {  	_ =	shalt  }
0x81: {  	_ =	shalt  }
0x82: {  	_ =	shalt  }
0x83: {  	_ =	shalt  }
0x84: {  	_ =	shalt  }
0x85: {  	_ =	shalt  }
0x86: {  	_ =	shalt  }
0x87: {  	_ =	shalt  }
.Lfunc_end0:
.L_simem_size_0:
called_computation_lowered:
.L_overlay_start_0:
0x88: {  	s2 =	sld [smem:$0x3FD9]  }
0x89: {  	s3 =	sld [smem:$0x3FFE];
	_ =	sdelay $0x1  }
0x8a: {  	s1 =	srdreg.scid  }
0x8b: {  	s0 =	sand.u32 $0x1, s1  }
0x8c: {  	s18 =	sshll.u32 s0, $0xA;
	s2 =	sadd.s32 s3, s2  }
0x8d: {  	s2 =	sadd.s32 s2, s18  }
0x8e: {  	[smem:$0x3FBF] =	sst s2  }
0x8f: {  	_ = 	snop  }
0x90: {  	s2 =	sld [smem:$0x3FC9]  }
0x91: {  	s19 =	sld [smem:$0x3FC8]  }
0x92: {  	s4 =	sld [smem:$0x3FC7]  }
0x93: {  	s5 =	sld [smem:$0x3FC6]  }
0x94: {  	s6 =	sld [smem:$0x3FC5]  }
0x95: {  	s7 =	sld [smem:$0x3FC4]  }
0x96: {  	s8 =	sld [smem:$0x3FC3]  }
0x97: {  	s9 =	sld [smem:$0x3FC2]  }
0x98: {  	s10 =	sld [smem:$0x3FC1]  }
0x99: {  	s11 =	sld [smem:$0x3FD0];
	(tm) =	ssettm $0x1  }
0x9a: {  	s12 =	sld [smem:$0x3FFB];
	_ =	sdelay $0x3  }
0x9b: {  	_ =	strace s12  }
0x9c: {  	s12 =	sld [smem:$0x3FFC];
	_ =	sdelay $0x3  }
0x9d: {  	_ =	strace s12  }
0x9e: {  	s12 =	sld [smem:$0x3FFD];
	_ =	sdelay $0x3  }
0x9f: {  	_ =	strace s12  }
0xa0: {  	_ =	strace $0x8FFFFFFF  }
0xa1: {  	s20 =	sld [smem:$0x3FDB];
	_ =	sdelay $0x1  }
0xa2: {  	s13 =	simm.s32 $_scs_section_size  }
0xa3: {  	s14 =	simm.s32 $_size__tile_overlayer_lowered;
	s15 =	simm.s32 $_tile_overlayer_lowered  }
0xa4: {  	s23 =	simm.s32 $0x1BFF;
	s22 =	sshll.u32 s15, $0x1;
	s12 =	sadd.s32 s13, s20  }
0xa5: {  	s16 =	simm.s32 $0x0;
	s21 =	sshll.u32 s14, $0x1;
	s14 =	sadd.s32 s22, s12  }
0xa6: {  	[timem:s16], [sflag:s23] =	dma.local [hbm:s14], s21  }
0xa7: {  	_ =	swait.ge [sflag:s23], s21  }
0xa8: {  	s13 =	ssub.s32 $0x0, s21;
	[sflag:s23] =	ssyncset.done $0x0  }
0xa9: {  	[sflag:s23] =	ssyncadd.s32 s13;
	_ =	sdelay $0x1  }
0xaa: {  	s24 =	simm.s32 $0x1B8B  }
0xab: {  	_ =	swait.ge [sflag:s24], $0x1  }
0xac: {  	[sflag:s24] =	ssyncset.done $0x0  }
0xad: {  	s25 =	simm.s32 $0x1B8E;
	[sflag:s24] =	ssyncadd.s32 $0xFFFFFFFF  }
0xae: {  	s26 =	simm.s32 $execute0_lowered;
	[smem:$0x3FD2] =	sst s25  }
0xaf: {  	s13 =	sshll.u32 s26, $0x1;
	_ =	strace $0x80000046;
	[dreg:$0x1] =	wrdreg $0xFFFFFFFF  }
0xb0: {  	s28 =	simm.s32 $_size_execute0_lowered;
	s12 =	sadd.s32 s12, s13;
	[dreg:$0x0] =	wrdreg $0x0  }
0xb1: {  	s13 =	sshll.u32 s28, $0x1;
	[dreg:$0x2] =	wrdreg s12  }
0xb2: {  	[dreg:$0x3] =	wrdreg s13  }
0xb3: {  	[dreg:$0x4] =	wrdreg $0xC0  }
0xb4: {  	_ =	task [dreg:s16], $0x5FFFF  }
0xb5: {  	[dreg:$0x1] =	wrdreg $0xFFFFFFFF  }
0xb6: {  	[dreg:$0x0] =	wrdreg $0x60  }
0xb7: {  	[dreg:$0x2] =	wrdreg s2  }
0xb8: {  	[dreg:$0x3] =	wrdreg s19  }
0xb9: {  	[dreg:$0x4] =	wrdreg s4  }
0xba: {  	[dreg:$0x5] =	wrdreg s5  }
0xbb: {  	[dreg:$0x6] =	wrdreg s6  }
0xbc: {  	[dreg:$0x7] =	wrdreg s7  }
0xbd: {  	[dreg:$0x8] =	wrdreg s8  }
0xbe: {  	[dreg:$0x9] =	wrdreg s9  }
0xbf: {  	[dreg:$0xa] =	wrdreg s10  }
0xc0: {  	[dreg:$0xb] =	wrdreg s11  }
0xc1: {  	[dreg:$0xc] =	wrdreg $0x9  }
0xc2: {  	_ =	task.clear_ibuf [dreg:s16], $0xDFFFF;
	_ =	strace $0x90000046  }
0xc3: {  	s29 =	simm.s32 $0x9;
	_ =	strace $0x80000048  }
0xc4: {  	_ =	swait.ge [sflag:s29], $0x1  }
0xc5: {  	[sflag:s29] =	ssyncadd.s32 $0xFFFFFFFF  }
0xc6: {  	_ =	strace $0x90000048  }
0xc7: {  	_ =	sfence  }
0xc8: {  	s30 =	sld [smem:$0x0];
	_ =	sdelay $0x2  }
0xc9: {  	s31 =	sshll.u32 s1, $0xD;
	s1 =	sshrl.u32 s1, $0x2  }
0xca: {  	s3 =	sand.u32 $0x4000, s31;
	s1 =	sadd.s32 s1, s30  }
0xcb: {  	s0 =	sor.u32 s3, s0;
	s1 =	sshll.u32 s1, $0x11  }
0xcc: {  	s0 =	sor.u32 s1, s0  }
0xcd: {  	s0 =	sadd.s32 $0x8F2B, s0  }
0xce: {  	[sflag:s0] =	ssyncadd.remote.s32 $0x1  }
0xcf: {  	_ =	sfence.sel $0xFFFF  }
0xd0: {  	[dreg:$0x0] =	wrdreg $0xFFFFFFFF;
	(pc) =	sbr.abs _section_cstart, $3  }
0xd1: {  	[dreg:$0x1] =	wrdreg $0xFFFFFFFF  }
0xd2: {  	_ =	task.clear_ibuf [dreg:s16], $0x2FFFF;
	_ =	strace $0x9FFFFFFF  }
0xd3: {  	(tm) =	ssettm $0x7FFFFFFF  }
tec
execute0_lowered:
.L_overlay_start_1:
0x0: {  	(tag) =	ssettag $0x1  }
0x1: {  	s3 =	rddreg [dreg:$0x0]  }
0x2: {  	s8 =	rddreg [dreg:$0x1]  }
0x3: {  	s9 =	rddreg [dreg:$0x2]  }
0x4: {  	s0 =	rddreg [dreg:$0x3]  }
0x5: {  	s1 =	rddreg [dreg:$0x4]  }
0x6: {  	s2 =	rddreg [dreg:$0x5]  }
0x7: {  	s4 =	rddreg [dreg:$0x6]  }
0x8: {  	s5 =	rddreg [dreg:$0x7]  }
0x9: {  	s6 =	rddreg [dreg:$0x8]  }
0xa: {  	s10 =	rddreg [dreg:$0x9]  }
0xb: {  	s7 =	srdreg.scid;
	s25 =	stileid.u32;
	s14 =	simm.s32 $0x700  }
0xc: {  	[dreg:$0xb] =	wrdreg s6;
	s11 =	sand.u32 $0x1, s7;
	s7 =	simm.s32 $0x0  }
0xd: {  	s16 =	simm.s32 $0x180;
	s18 =	simm.s32 $0x780;
	[smem:$0x7FF] =	sst s7  }
0xe: {  	s19 =	simm.s32 $0x800;
	_ =	strace $0x80000047;
	[dreg:$0x14] =	wrdreg s14  }
0xf: {  	s20 =	simm.s32 $0xA00;
	s21 =	simm.s32 $0xC00;
	[dreg:$0x15] =	wrdreg s16  }
0x10: {  	s22 =	simm.s32 $0x880;
	s23 =	simm.s32 $0xA80;
	[dreg:$0x16] =	wrdreg s18  }
0x11: {  	s24 =	simm.s32 $0xC80;
	s28 =	simm.s32 $0x580;
	[dreg:$0x17] =	wrdreg s19  }
0x12: {  	s29 =	simm.s32 $0xF80;
	s30 =	simm.s32 $0x1;
	[dreg:$0x18] =	wrdreg s20  }
0x13: {  	s31 =	simm.s32 $0x1000;
	s12 =	sshll.u32 s25, $0x7;
	[dreg:$0x19] =	wrdreg s21  }
0x14: {  	s25 =	simm.s32 $0x900;
	s13 =	sshll.u32 s11, $0x6;
	[dreg:$0x1a] =	wrdreg s22  }
0x15: {  	s15 =	ssub.s32 $0x2, s11;
	s11 =	simm.s32 $0x2;
	[dreg:$0x1b] =	wrdreg s23  }
0x16: {  	s12 =	sor.u32 s13, s12;
	s13 =	simm.s32 $0x100;
	[dreg:$0x1c] =	wrdreg s24  }
0x17: {  	s17 =	sshrl.u32 s15, $0x1;
	s14 =	simm.s32 $0x280;
	[dreg:$0x1d] =	wrdreg s25  }
0x18: {  	s20 =	simm.s32 $0xD80;
	s3 =	sadd.s32 s3, s12;
	[dreg:$0x13] =	wrdreg s13  }
0x19: {  	s21 =	simm.s32 $0x4;
	s26 =	sadd.s32 s8, s12;
	[dreg:$0xc] =	wrdreg s3  }
0x1a: {  	s22 =	simm.s32 $0xE00;
	s6 =	sadd.s32 s9, s12;
	[dreg:$0xd] =	wrdreg s26  }
0x1b: {  	s23 =	simm.s32 $0x480;
	s8 =	sadd.s32 s10, s12;
	[dreg:$0xe] =	wrdreg s6  }
0x1c: {  	s24 =	simm.s32 $0xE80;
	s9 =	simm.s32 $0x1200;
	[dreg:$0xf] =	wrdreg s8  }
0x1d: {  	s25 =	simm.s32 $0x500;
	s10 =	simm.s32 $0x600;
	[dreg:$0x10] =	wrdreg s9  }
0x1e: {  	s12 =	simm.s32 $0x680;
	s13 =	simm.s32 $0x3;
	[dreg:$0x11] =	wrdreg s10  }
0x1f: {  	[dreg:$0x12] =	wrdreg s12;
	s8 =	ssub.s32 s15, s17;
	s9 =	simm.s32 $0x200  }
0x20: {  	s10 =	simm.s32 $0x400;
	s12 =	simm.s32 $0x80;
	s26 =	simm.s32 $0xB00  }
0x21: {  	s15 =	simm.s32 $0x300;
	s17 =	simm.s32 $0x380;
	s3 =	simm.s32 $0x5  }
0x22: {  	s8 =	smax.u32 s8, $0x1;
	[dreg:$0x1e] =	wrdreg s26;
	s26 =	simm.s32 $0xF00  }
.LBB2_1:
0x23: {  	s6 =	rddreg [dreg:$0xc]  }
0x24: {  	s16 =	rddreg [dreg:$0xd]  }
0x25: {  	[tilespmem:s7], [sflag:$0x2] =	stream.linear.gather [hbm4b:s6+s7], $0x200, $0x38;
	[tilespmem:$0x1280] =	vst v63  }
0x26: {  	s19 =	rddreg [dreg:$0xb]  }
0x27: {  	[tilespmem:s9], [sflag:$0x3] =	stream.linear.gather [hbm4b:s16+s7], $0x200, $0x38;
	[tilespmem:$0x1280] =	vst v63  }
0x28: {  	s16 =	rddreg [dreg:$0xe]  }
0x29: {  	[tilespmem:s10], [sflag:$0x4] =	stream.linear.gather [hbm4b:s16+s7], $0x200, $0x38;
	[tilespmem:$0x1280] =	vst v63  }
0x2a: {  	s18 =	rddreg [dreg:$0x10]  }
0x2b: {  	[tilespmem:s18], [sflag:$0x1] =	stream.linear.gather [hbm4b:s19+s7], $0x1, $0x38;
	[tilespmem:$0x1280] =	vst v63  }
0x2c: {  	_ =	swait.ge [sflag:s11], $0x200  }
0x2d: {  	s18 =	rddreg [dreg:$0x11]  }
0x2e: {  	[sflag:s11] =	ssyncset.done $0x0;
	s19 =	rddreg [dreg:$0x12]  }
0x2f: {  	s6 =	rddreg [dreg:$0x13];
	[sflag:s11] =	ssyncadd.s32 $0xFFFFFE00  }
0x30: {  	[tilespmem:s18], [sflag:$0x1] =	stream.indirect.gather [hbm4b:s0+s12], $0x1, s7, s12, $0xb8;
	[tilespmem:$0x1280] =	vst v63  }
0x31: {  	s16 =	rddreg [dreg:$0x14]  }
0x32: {  	[tilespmem:s19], [sflag:$0x1] =	stream.indirect.gather [hbm4b:s0+s12], $0x1, s12, s12, $0xb8;
	[tilespmem:$0x1280] =	vst v63  }
0x33: {  	s18 =	rddreg [dreg:$0x15]  }
0x34: {  	[tilespmem:s16], [sflag:$0x1] =	stream.indirect.gather [hbm4b:s0+s12], $0x1, s6, s12, $0xb8;
	[tilespmem:$0x1280] =	vst v63  }
0x35: {  	s19 =	rddreg [dreg:$0x16]  }
0x36: {  	[tilespmem:s19], [sflag:$0x1] =	stream.indirect.gather [hbm4b:s0+s12], $0x1, s18, s12, $0xb8;
	[tilespmem:$0x1280] =	vst v63  }
0x37: {  	_ =	swait.ge [sflag:s13], $0x200  }
0x38: {  	[sflag:s13] =	ssyncset.done $0x0  }
0x39: {  	s16 =	rddreg [dreg:$0x17];
	[sflag:s13] =	ssyncadd.s32 $0xFFFFFE00  }
0x3a: {  	[tilespmem:s16], [sflag:$0x1] =	stream.indirect.gather [hbm4b:s1+s12], $0x1, s9, s12, $0xb8;
	[tilespmem:$0x1280] =	vst v63  }
0x3b: {  	s18 =	rddreg [dreg:$0x18]  }
0x3c: {  	[tilespmem:s18], [sflag:$0x1] =	stream.indirect.gather [hbm4b:s2+s12], $0x1, s9, s12, $0xb8;
	[tilespmem:$0x1280] =	vst v63  }
0x3d: {  	s19 =	rddreg [dreg:$0x19]  }
0x3e: {  	[tilespmem:s19], [sflag:$0x1] =	stream.indirect.gather [hbm4b:s4+s12], $0x1, s9, s12, $0xb8;
	[tilespmem:$0x1280] =	vst v63  }
0x3f: {  	s18 =	rddreg [dreg:$0x1a]  }
0x40: {  	[tilespmem:s18], [sflag:$0x1] =	stream.indirect.gather [hbm4b:s1+s12], $0x1, s14, s12, $0xb8;
	[tilespmem:$0x1280] =	vst v63  }
0x41: {  	s19 =	rddreg [dreg:$0x1b]  }
0x42: {  	[tilespmem:s19], [sflag:$0x1] =	stream.indirect.gather [hbm4b:s2+s12], $0x1, s14, s12, $0xb8;
	[tilespmem:$0x1280] =	vst v63  }
0x43: {  	s18 =	rddreg [dreg:$0x1c]  }
0x44: {  	[tilespmem:s18], [sflag:$0x1] =	stream.indirect.gather [hbm4b:s4+s12], $0x1, s14, s12, $0xb8;
	[tilespmem:$0x1280] =	vst v63  }
0x45: {  	s19 =	rddreg [dreg:$0x1d]  }
0x46: {  	[tilespmem:s19], [sflag:$0x1] =	stream.indirect.gather [hbm4b:s1+s12], $0x1, s15, s12, $0xb8;
	[tilespmem:$0x1280] =	vst v63  }
0x47: {  	s18 =	rddreg [dreg:$0x1e]  }
0x48: {  	[tilespmem:s18], [sflag:$0x1] =	stream.indirect.gather [hbm4b:s2+s12], $0x1, s15, s12, $0xb8;
	[tilespmem:$0x1280] =	vst v63  }
0x49: {  	s19 =	simm.s32 $0xD00  }
0x4a: {  	[tilespmem:s19], [sflag:$0x1] =	stream.indirect.gather [hbm4b:s4+s12], $0x1, s15, s12, $0xb8;
	[tilespmem:$0x1280] =	vst v63  }
0x4b: {  	s16 =	simm.s32 $0x980  }
0x4c: {  	[tilespmem:s16], [sflag:$0x1] =	stream.indirect.gather [hbm4b:s1+s12], $0x1, s17, s12, $0xb8;
	[tilespmem:$0x1280] =	vst v63  }
0x4d: {  	s18 =	simm.s32 $0xB80  }
0x4e: {  	[tilespmem:s18], [sflag:$0x1] =	stream.indirect.gather [hbm4b:s2+s12], $0x1, s17, s12, $0xb8;
	[tilespmem:$0x1280] =	vst v63  }
0x4f: {  	_ = 	snop  }
0x50: {  	[tilespmem:s20], [sflag:$0x1] =	stream.indirect.gather [hbm4b:s4+s12], $0x1, s17, s12, $0xb8;
	[tilespmem:$0x1280] =	vst v63  }
0x51: {  	_ =	swait.ge [sflag:s21], $0x200  }
0x52: {  	[sflag:s21] =	ssyncset.done $0x0  }
0x53: {  	[sflag:s21] =	ssyncadd.s32 $0xFFFFFE00  }
0x54: {  	[tilespmem:s22], [sflag:$0x1] =	stream.indirect.gather [hbm4b:s5+s12], $0x1, s10, s12, $0xb8;
	[tilespmem:$0x1280] =	vst v63  }
0x55: {  	_ = 	snop  }
0x56: {  	[tilespmem:s24], [sflag:$0x1] =	stream.indirect.gather [hbm4b:s5+s12], $0x1, s23, s12, $0xb8;
	[tilespmem:$0x1280] =	vst v63  }
0x57: {  	_ = 	snop  }
0x58: {  	[tilespmem:s26], [sflag:$0x1] =	stream.indirect.gather [hbm4b:s5+s12], $0x1, s25, s12, $0xb8;
	[tilespmem:$0x1280] =	vst v63  }
0x59: {  	_ = 	snop  }
0x5a: {  	[tilespmem:s29], [sflag:$0x1] =	stream.indirect.gather [hbm4b:s5+s12], $0x1, s28, s12, $0xb8;
	[tilespmem:$0x1280] =	vst v63  }
0x5b: {  	_ =	swait.ge [sflag:s30], $0x1  }
0x5c: {  	[sflag:s30] =	ssyncset.done $0x0  }
0x5d: {  	[sflag:s30] =	ssyncadd.s32 $0xFFFFFFFF  }
0x5e: {  	_ =	swait.ge [sflag:s30], $0x80  }
0x5f: {  	[sflag:s30] =	ssyncset.done $0x0  }
0x60: {  	[sflag:s30] =	ssyncadd.s32 $0xFFFFFF80  }
0x61: {  	_ =	swait.ge [sflag:s30], $0x80  }
0x62: {  	[sflag:s30] =	ssyncset.done $0x0  }
0x63: {  	[sflag:s30] =	ssyncadd.s32 $0xFFFFFF80  }
0x64: {  	_ =	swait.ge [sflag:s30], $0x80  }
0x65: {  	[sflag:s30] =	ssyncset.done $0x0  }
0x66: {  	[sflag:s30] =	ssyncadd.s32 $0xFFFFFF80  }
0x67: {  	_ =	swait.ge [sflag:s30], $0x80  }
0x68: {  	[sflag:s30] =	ssyncset.done $0x0  }
0x69: {  	[sflag:s30] =	ssyncadd.s32 $0xFFFFFF80  }
0x6a: {  	_ =	swait.ge [sflag:s30], $0x80  }
0x6b: {  	[sflag:s30] =	ssyncset.done $0x0  }
0x6c: {  	[sflag:s30] =	ssyncadd.s32 $0xFFFFFF80  }
0x6d: {  	_ =	swait.ge [sflag:s30], $0x80  }
0x6e: {  	[sflag:s30] =	ssyncset.done $0x0  }
0x6f: {  	[sflag:s30] =	ssyncadd.s32 $0xFFFFFF80  }
0x70: {  	_ =	swait.ge [sflag:s30], $0x80  }
0x71: {  	[sflag:s30] =	ssyncset.done $0x0  }
0x72: {  	[sflag:s30] =	ssyncadd.s32 $0xFFFFFF80  }
0x73: {  	_ =	swait.ge [sflag:s30], $0x80  }
0x74: {  	[sflag:s30] =	ssyncset.done $0x0  }
0x75: {  	[sflag:s30] =	ssyncadd.s32 $0xFFFFFF80  }
0x76: {  	_ =	swait.ge [sflag:s30], $0x80  }
0x77: {  	[sflag:s30] =	ssyncset.done $0x0  }
0x78: {  	[sflag:s30] =	ssyncadd.s32 $0xFFFFFF80  }
0x79: {  	_ =	swait.ge [sflag:s30], $0x80  }
0x7a: {  	[sflag:s30] =	ssyncset.done $0x0  }
0x7b: {  	[sflag:s30] =	ssyncadd.s32 $0xFFFFFF80  }
0x7c: {  	_ =	swait.ge [sflag:s30], $0x80  }
0x7d: {  	[sflag:s30] =	ssyncset.done $0x0  }
0x7e: {  	[sflag:s30] =	ssyncadd.s32 $0xFFFFFF80  }
0x7f: {  	_ =	swait.ge [sflag:s30], $0x80  }
0x80: {  	[sflag:s30] =	ssyncset.done $0x0  }
0x81: {  	[sflag:s30] =	ssyncadd.s32 $0xFFFFFF80  }
0x82: {  	_ =	swait.ge [sflag:s30], $0x80  }
0x83: {  	[sflag:s30] =	ssyncset.done $0x0  }
0x84: {  	[sflag:s30] =	ssyncadd.s32 $0xFFFFFF80  }
0x85: {  	_ =	swait.ge [sflag:s30], $0x80  }
0x86: {  	[sflag:s30] =	ssyncset.done $0x0  }
0x87: {  	[sflag:s30] =	ssyncadd.s32 $0xFFFFFF80  }
0x88: {  	_ =	swait.ge [sflag:s30], $0x80  }
0x89: {  	[sflag:s30] =	ssyncset.done $0x0  }
0x8a: {  	[sflag:s30] =	ssyncadd.s32 $0xFFFFFF80  }
0x8b: {  	_ =	swait.ge [sflag:s30], $0x80  }
0x8c: {  	[sflag:s30] =	ssyncset.done $0x0  }
0x8d: {  	[sflag:s30] =	ssyncadd.s32 $0xFFFFFF80  }
0x8e: {  	_ =	swait.ge [sflag:s30], $0x80  }
0x8f: {  	[sflag:s30] =	ssyncset.done $0x0  }
0x90: {  	[sflag:s30] =	ssyncadd.s32 $0xFFFFFF80  }
0x91: {  	_ =	swait.ge [sflag:s30], $0x80  }
0x92: {  	[sflag:s30] =	ssyncset.done $0x0  }
0x93: {  	[sflag:s30] =	ssyncadd.s32 $0xFFFFFF80  }
0x94: {  	_ =	swait.ge [sflag:s30], $0x80  }
0x95: {  	[sflag:s30] =	ssyncset.done $0x0  }
0x96: {  	[sflag:s30] =	ssyncadd.s32 $0xFFFFFF80  }
0x97: {  	_ =	swait.ge [sflag:s30], $0x80  }
0x98: {  	[sflag:s30] =	ssyncset.done $0x0  }
0x99: {  	[sflag:s30] =	ssyncadd.s32 $0xFFFFFF80  }
0x9a: {  	v1 =	vld [tilespmem:$0x600]  }
0x9b: {  	v2 =	vld [tilespmem:$0x800]  }
0x9c: {  	v3 =	vld [tilespmem:$0xA00]  }
0x9d: {  	v25 =	vld [tilespmem:$0xC00]  }
0x9e: {  	v0 =	vld [tilespmem:$0xE00]  }
0x9f: {  	v6 =	vld [tilespmem:$0x610]  }
0xa0: {  	v7 =	vld [tilespmem:$0x810]  }
0xa1: {  	v8 =	vld [tilespmem:$0xA10]  }
0xa2: {  	v9 =	vld [tilespmem:$0xC10]  }
0xa3: {  	v44 =	vld [tilespmem:$0xE10]  }
0xa4: {  	v11 =	vld [tilespmem:$0x620]  }
0xa5: {  	v12 =	vld [tilespmem:$0x820]  }
0xa6: {  	v13 =	vld [tilespmem:$0xA20]  }
0xa7: {  	v14 =	vld [tilespmem:$0xC20]  }
0xa8: {  	v29 =	vld [tilespmem:$0xE20]  }
0xa9: {  	v16 =	vld [tilespmem:$0x630]  }
0xaa: {  	v17 =	vld [tilespmem:$0x830]  }
0xab: {  	v18 =	vld [tilespmem:$0xA30]  }
0xac: {  	v19 =	vld [tilespmem:$0xC30]  }
0xad: {  	v20 =	vld [tilespmem:$0xE30]  }
0xae: {  	v21 =	vld [tilespmem:$0x640]  }
0xaf: {  	v22 =	vld [tilespmem:$0x840]  }
0xb0: {  	v23 =	vld [tilespmem:$0xA40]  }
0xb1: {  	v50 =	vld [tilespmem:$0xC40]  }
0xb2: {  	v4 =	vld [tilespmem:$0xE40]  }
0xb3: {  	v26 =	vld [tilespmem:$0x650]  }
0xb4: {  	v27 =	vld [tilespmem:$0x850]  }
0xb5: {  	v28 =	vld [tilespmem:$0xA50]  }
0xb6: {  	v35 =	vld [tilespmem:$0xC50]  }
0xb7: {  	v57 =	vld [tilespmem:$0xE50]  }
0xb8: {  	v31 =	vld [tilespmem:$0x660]  }
0xb9: {  	v32 =	vld [tilespmem:$0x860]  }
0xba: {  	v33 =	vld [tilespmem:$0xA60]  }
0xbb: {  	v34 =	vld [tilespmem:$0xC60]  }
0xbc: {  	v60 =	vld [tilespmem:$0xE60]  }
0xbd: {  	v36 =	vld [tilespmem:$0x670]  }
0xbe: {  	v37 =	vld [tilespmem:$0x870]  }
0xbf: {  	v38 =	vld [tilespmem:$0xA70]  }
0xc0: {  	v39 =	vld [tilespmem:$0xC70]  }
0xc1: {  	v45 =	vld [tilespmem:$0xE70]  }
0xc2: {  	v41 =	vld [tilespmem:$0x680]  }
0xc3: {  	v42 =	vld [tilespmem:$0x880]  }
0xc4: {  	v43 =	vld [tilespmem:$0xA80]  }
0xc5: {  	v58 =	vld [tilespmem:$0xC80]  }
0xc6: {  	v59 =	vld [tilespmem:$0xE80]  }
0xc7: {  	v46 =	vld [tilespmem:$0x690]  }
0xc8: {  	v47 =	vld [tilespmem:$0x890]  }
0xc9: {  	v48 =	vld [tilespmem:$0xA90]  }
0xca: {  	v61 =	vld [tilespmem:$0xC90]  }
0xcb: {  	v62 =	vld [tilespmem:$0xE90]  }
0xcc: {  	v51 =	vld [tilespmem:$0x6A0]  }
0xcd: {  	v52 =	vld [tilespmem:$0x8A0]  }
0xce: {  	v53 =	vld [tilespmem:$0xAA0]  }
0xcf: {  	v54 =	vld [tilespmem:$0xCA0]  }
0xd0: {  	v63 =	vld [tilespmem:$0xEA0]  }
0xd1: {  	v56 =	vld [tilespmem:$0x6B0]  }
0xd2: {  	v10 =	vld [tilespmem:$0xEB0]  }
0xd3: {  	v15 =	vld [tilespmem:$0xAC0]  }
0xd4: {  	v24 =	vld [tilespmem:$0xCC0]  }
0xd5: {  	v30 =	vld [tilespmem:$0xEC0]  }
0xd6: {  	v55 =	vld [tilespmem:$0xAD0]  }
0xd7: {  	v40 =	vld [tilespmem:$0xCD0]  }
0xd8: {  	v49 =	vld [tilespmem:$0xED0]  }
0xd9: {  	v5 =	vld [tilespmem:$0x6F0]  }
0xda: {  	[tilespmem:$0x1FE90] =	vst v0;
	v0 =	vld.msk [tilespmem:$0x1200 ss:$0x0], $0xffff  }
0xdb: {  	[tilespmem:$0x1FF00] =	vst v63;
	v63 =	vld [tilespmem:$0xCE0]  }
0xdc: {  	[tilespmem:$0x1FEB0] =	vst v57;
	v57 =	vld [tilespmem:$0x8B0]  }
0xdd: {  	[tilespmem:$0x1FEC0] =	vst v58;
	v58 =	vld [tilespmem:$0xAB0]  }
0xde: {  	[tilespmem:$0x1FEE0] =	vst v59;
	v59 =	vld [tilespmem:$0xCB0]  }
0xdf: {  	[tilespmem:$0x1FED0] =	vst v61;
	v61 =	vld [tilespmem:$0x6C0]  }
0xe0: {  	[tilespmem:$0x1FF60] =	vst v63;
	v63 =	vld [tilespmem:$0xCF0]  }
0xe1: {  	[tilespmem:$0x1FEF0] =	vst v62;
	v62 =	vld [tilespmem:$0x8C0]  }
0xe2: {  	[tilespmem:$0x1FF50] =	vst v30;
	v30 =	vld [tilespmem:$0x6D0]  }
0xe3: {  	[tilespmem:$0x1FF30] =	vst v24;
	v24 =	vld [tilespmem:$0x8D0]  }
0xe4: {  	[tilespmem:$0x1FF20] =	vst v15;
	v15 =	vld [tilespmem:$0x6E0]  }
0xe5: {  	[tilespmem:$0x1FF80] =	vst v63;
	v63 =	vld [tilespmem:$0xEF0]  }
0xe6: {  	[tilespmem:$0x1FF10] =	vst v10;
	v10 =	vld [tilespmem:$0x8E0]  }
0xe7: {  	[tilespmem:$0x1FF70] =	vst v49;
	v49 =	vld [tilespmem:$0xAE0]  }
0xe8: {  	[tilespmem:$0x1FF40] =	vst v40;
	v40 =	vld [tilespmem:$0xEE0]  }
0xe9: {  	[tilespmem:$0x1FEA0] =	vst v4;
	v4 =	vld [tilespmem:$0x8F0]  }
0xea: {  	[tilespmem:$0x1FFC0] =	vst v63;
	v63 =	vld [tilespmem:$0x700]  }
0xeb: {  	v1 =	vadd.f32 v2, v1;
	v2 =	vld [tilespmem:$0x710]  }
0xec: {  	v6 =	vadd.f32 v7, v6;
	v7 =	vld [tilespmem:$0x910]  }
0xed: {  	v47 =	vadd.f32 v47, v46;
	v46 =	vld [tilespmem:$0xD60]  }
0xee: {  	v36 =	vadd.f32 v37, v36;
	v37 =	vld [tilespmem:$0x1FEA0]  }
0xef: {  	v1 =	vadd.f32 v3, v1;
	[tilespmem:$0x1FFA0] =	vst v63;
	v63 =	vld [tilespmem:$0x900]  }
0xf0: {  	v3 =	vadd.f32 v12, v11;
	v11 =	vld [tilespmem:$0xB10];
	v6 =	vadd.f32 v8, v6  }
0xf1: {  	v12 =	vld [tilespmem:$0xD10]  }
0xf2: {  	v6 =	vadd.f32 v9, v6;
	v9 =	vld [tilespmem:$0x720]  }
0xf3: {  	[tilespmem:$0x1FF90] =	vst v40;
	v40 =	vld [tilespmem:$0xAF0]  }
0xf4: {  	[tilespmem:$0x1FFB0] =	vst v63;
	v63 =	vld [tilespmem:$0xB00]  }
0xf5: {  	v24 =	vadd.f32 v24, v30;
	v30 =	vld [tilespmem:$0x760]  }
0xf6: {  	v10 =	vadd.f32 v10, v15;
	v15 =	vld [tilespmem:$0x960]  }
0xf7: {  	v4 =	vadd.f32 v4, v5;
	v5 =	vld [tilespmem:$0xB60]  }
0xf8: {  	v13 =	vadd.f32 v13, v3;
	v2 =	vadd.f32 v7, v2;
	v7 =	vld [tilespmem:$0xD70]  }
0xf9: {  	[tilespmem:$0x1FFD0] =	vst v63;
	v63 =	vld [tilespmem:$0xD00]  }
0xfa: {  	v1 =	vadd.f32 v25, v1;
	v25 =	vadd.f32 v14, v13;
	v13 =	vld [tilespmem:$0x920]  }
0xfb: {  	v6 =	vadd.f32 v44, v6;
	v44 =	vadd.f32 v42, v41;
	v41 =	vld [tilespmem:$0x950]  }
0xfc: {  	v42 =	vld [tilespmem:$0xB50]  }
0xfd: {  	v24 =	vadd.f32 v55, v24;
	v55 =	vld [tilespmem:$0x1FF80]  }
0xfe: {  	v2 =	vadd.f32 v11, v2;
	[tilespmem:$0x1FFE0] =	vst v63;
	v63 =	vld [tilespmem:$0xF00]  }
0xff: {  	v32 =	vadd.f32 v32, v31;
	v31 =	vadd.f32 v43, v44;
	v43 =	vld [tilespmem:$0xD50]  }
0x100: {  	v2 =	vadd.f32 v12, v2;
	v12 =	vld [tilespmem:$0xB80]  }
0x101: {  	v4 =	vadd.f32 v40, v4;
	v40 =	vld [tilespmem:$0xF60]  }
0x102: {  	v9 =	vadd.f32 v13, v9;
	v13 =	vld [tilespmem:$0xF70]  }
0x103: {  	v4 =	vadd.f32 v55, v4;
	v55 =	vld [tilespmem:$0x990];
	[tilespmem:$0x1FFF0] =	vst v63;
	v63 =	vadd.f32 v17, v16  }
0x104: {  	v16 =	vld [tilespmem:$0xF10]  }
0x105: {  	v17 =	vld [tilespmem:$0xB20];
	v8 =	vadd.f32 v18, v63  }
0x106: {  	v18 =	vld [tilespmem:$0x1FE90]  }
0x107: {  	v63 =	vadd.f32 v19, v8;
	v19 =	vld [tilespmem:$0xD20]  }
0x108: {  	v8 =	vadd.f32 v29, v25;
	v25 =	vadd.f32 v22, v21;
	v22 =	vld [tilespmem:$0x730]  }
0x109: {  	v29 =	vadd.f32 v27, v26;
	v26 =	vld [tilespmem:$0xB30]  }
0x10a: {  	v27 =	vld [tilespmem:$0xD30]  }
0x10b: {  	v21 =	vadd.f32 v33, v32;
	v32 =	vld [tilespmem:$0x940]  }
0x10c: {  	v33 =	vadd.f32 v48, v47;
	v48 =	vld [tilespmem:$0x1FF20]  }
0x10d: {  	v47 =	vld [tilespmem:$0x770]  }
0x10e: {  	v9 =	vadd.f32 v17, v9;
	v17 =	vld [tilespmem:$0x980]  }
0x10f: {  	v14 =	vadd.f32 v28, v29;
	v28 =	vld [tilespmem:$0xF30]  }
0x110: {  	v29 =	vld [tilespmem:$0x740]  }
0x111: {  	v21 =	vadd.f32 v34, v21;
	v34 =	vld [tilespmem:$0xB40]  }
0x112: {  	v3 =	vadd.f32 v18, v1;
	v1 =	vadd.f32 v20, v63;
	v20 =	vld [tilespmem:$0xF20]  }
0x113: {  	v18 =	vadd.f32 v23, v25;
	v25 =	vld [tilespmem:$0x930]  }
0x114: {  	v23 =	vadd.f32 v38, v36;
	v38 =	vld [tilespmem:$0x1FEB0]  }
0x115: {  	v36 =	vld [tilespmem:$0xD40]  }
0x116: {  	v63 =	vld [tilespmem:$0x1FF10]  }
0x117: {  	v21 =	vadd.f32 v60, v21;
	v60 =	vld [tilespmem:$0x1FF00]  }
0x118: {  	v18 =	vadd.f32 v50, v18;
	v50 =	vadd.f32 v52, v51;
	v52 =	vld [tilespmem:$0x1FEC0]  }
0x119: {  	v23 =	vadd.f32 v39, v23;
	v39 =	vld [tilespmem:$0x750]  }
0x11a: {  	v62 =	vadd.f32 v62, v61;
	v51 =	vadd.f32 v57, v56;
	v56 =	vld [tilespmem:$0x1FED0]  }
0x11b: {  	v57 =	vld [tilespmem:$0x1FEE0]  }
0x11c: {  	v44 =	vadd.f32 v48, v62;
	v48 =	vld [tilespmem:$0x970]  }
0x11d: {  	v62 =	vld [tilespmem:$0x1FFE0]  }
0x11e: {  	v18 =	vadd.f32 v37, v18;
	v37 =	vadd.f32 v58, v51;
	v58 =	vld [tilespmem:$0x1FEF0]  }
0x11f: {  	v15 =	vadd.f32 v15, v30;
	v23 =	vadd.f32 v45, v23;
	v45 =	vld [tilespmem:$0xF50]  }
0x120: {  	v14 =	vadd.f32 v35, v14;
	v35 =	vadd.f32 v53, v50;
	v50 =	vld [tilespmem:$0x1FF30]  }
0x121: {  	v51 =	vld [tilespmem:$0x1FF40]  }
0x122: {  	v5 =	vadd.f32 v5, v15;
	v53 =	vld [tilespmem:$0x1FF60]  }
0x123: {  	v10 =	vadd.f32 v49, v10;
	v14 =	vadd.f32 v38, v14;
	v38 =	vld [tilespmem:$0xF40]  }
0x124: {  	v5 =	vadd.f32 v46, v5;
	v61 =	vadd.f32 v25, v22;
	v22 =	vld [tilespmem:$0x780]  }
0x125: {  	v6 =	vadd.f32 v6, v0;
	v35 =	vadd.f32 v54, v35;
	v54 =	vld [tilespmem:$0x1FF70]  }
0x126: {  	v5 =	vadd.f32 v40, v5;
	v37 =	vadd.f32 v59, v37;
	v59 =	vld [tilespmem:$0x1FFC0]  }
0x127: {  	v2 =	vadd.f32 v16, v2;
	v31 =	vadd.f32 v52, v31;
	v52 =	vld [tilespmem:$0x1FF50]  }
0x128: {  	v40 =	vadd.f32 v8, v0;
	v33 =	vadd.f32 v56, v33;
	v56 =	vld [tilespmem:$0x1FF90]  }
0x129: {  	v9 =	vadd.f32 v19, v9;
	v11 =	vadd.f32 v26, v61;
	v61 =	vld [tilespmem:$0x9A0]  }
0x12a: {  	v3 =	vadd.f32 v3, v0;
	v1 =	vadd.f32 v1, v0;
	v26 =	vld [tilespmem:$0xFA0]  }
0x12b: {  	v46 =	vadd.f32 v18, v0;
	v35 =	vadd.f32 v60, v35;
	v60 =	vld [tilespmem:$0x1FFD0]  }
0x12c: {  	v9 =	vadd.f32 v20, v9;
	v37 =	vadd.f32 v63, v37;
	v63 =	vld [tilespmem:$0x1FFF0]  }
0x12d: {  	[tilespmem:$0x1040] =	vst v46;
	v46 =	vld [tilespmem:$0xBE0];
	v31 =	vadd.f32 v57, v31;
	v33 =	vadd.f32 v58, v33  }
0x12e: {  	v44 =	vadd.f32 v50, v44;
	v24 =	vadd.f32 v51, v24;
	v57 =	vld [tilespmem:$0x1FFA0]  }
0x12f: {  	v10 =	vadd.f32 v53, v10;
	v58 =	vld [tilespmem:$0x1FFB0];
	v11 =	vadd.f32 v27, v11  }
0x130: {  	v50 =	vld [tilespmem:$0xB70];
	v17 =	vadd.f32 v17, v22;
	v24 =	vadd.f32 v54, v24  }
0x131: {  	v51 =	vld [tilespmem:$0xF80];
	v4 =	vadd.f32 v59, v4;
	v11 =	vadd.f32 v28, v11  }
0x132: {  	v53 =	vld [tilespmem:$0x790];
	v54 =	vadd.f32 v41, v39;
	v44 =	vadd.f32 v52, v44  }
0x133: {  	v59 =	vld [tilespmem:$0xF90];
	v10 =	vadd.f32 v56, v10;
	v52 =	vadd.f32 v32, v29  }
0x134: {  	v39 =	vld [tilespmem:$0x9B0];
	v12 =	vadd.f32 v12, v17;
	v27 =	vadd.f32 v42, v54  }
0x135: {  	v56 =	vld [tilespmem:$0xB90];
	v29 =	vadd.f32 v24, v0;
	v49 =	vadd.f32 v58, v57  }
0x136: {  	v42 =	vld [tilespmem:$0xBB0];
	v20 =	vadd.f32 v34, v52;
	v57 =	vadd.f32 v48, v47  }
0x137: {  	v54 =	vld [tilespmem:$0xBC0];
	v28 =	vadd.f32 v55, v53;
	v48 =	vadd.f32 v14, v0  }
0x138: {  	v58 =	vld [tilespmem:$0xD90];
	v53 =	vadd.f32 v23, v0;
	v55 =	vadd.f32 v31, v0  }
0x139: {  	v47 =	vld [tilespmem:$0xFB0];
	v31 =	vadd.f32 v10, v0;
	v49 =	vadd.f32 v60, v49  }
0x13a: {  	v52 =	vld [tilespmem:$0x9C0];
	v20 =	vadd.f32 v36, v20;
	v30 =	vadd.f32 v50, v57  }
0x13b: {  	v34 =	vadd.f32 v4, v0;
	v25 =	vadd.f32 v62, v49;
	v49 =	vld [tilespmem:$0xD80]  }
0x13c: {  	[tilespmem:$0x1010] =	vst v6;
	v20 =	vadd.f32 v38, v20;
	v7 =	vadd.f32 v7, v30;
	v38 =	vld [tilespmem:$0x7B0]  }
0x13d: {  	[tilespmem:$0x1020] =	vst v40;
	v27 =	vadd.f32 v43, v27;
	v60 =	vld [tilespmem:$0x7A0];
	v50 =	vadd.f32 v21, v0  }
0x13e: {  	[tilespmem:$0x1000] =	vst v3;
	v36 =	vld [tilespmem:$0x7E0];
	v7 =	vadd.f32 v13, v7;
	v13 =	vadd.f32 v56, v28  }
0x13f: {  	[tilespmem:$0x1050] =	vst v48;
	v57 =	vadd.f32 v33, v0;
	v48 =	vld [tilespmem:$0xBF0];
	v27 =	vadd.f32 v45, v27  }
0x140: {  	[tilespmem:$0x1070] =	vst v53;
	v53 =	vld [tilespmem:$0xDF0];
	v25 =	vadd.f32 v63, v25;
	v43 =	vadd.f32 v58, v13  }
0x141: {  	[tilespmem:$0x1030] =	vst v1;
	v45 =	vld [tilespmem:$0xDB0];
	v41 =	vadd.f32 v49, v12;
	v17 =	vadd.f32 v39, v38  }
0x142: {  	[tilespmem:$0x10D0] =	vst v29;
	v62 =	vld [tilespmem:$0xBA0];
	v39 =	vadd.f32 v2, v0;
	v6 =	vadd.f32 v59, v43  }
0x143: {  	[tilespmem:$0x1080] =	vst v55;
	v63 =	vld [tilespmem:$0xDA0];
	v59 =	vadd.f32 v35, v0;
	v8 =	vadd.f32 v51, v41  }
0x144: {  	[tilespmem:$0x10E0] =	vst v31;
	v49 =	vld [tilespmem:$0x7C0];
	v51 =	vadd.f32 v61, v60;
	v12 =	vadd.f32 v42, v17  }
0x145: {  	[tilespmem:$0x10F0] =	vst v34;
	v38 =	vld [tilespmem:$0x9E0];
	v61 =	vadd.f32 v37, v0;
	v37 =	vadd.f32 v25, v0  }
0x146: {  	v58 =	vld [tilespmem:$0x7D0];
	v42 =	vadd.f32 v9, v0;
	[tilespmem:$0x10A0] =	vst v59;
	v59 =	vadd.f32 v6, v0  }
0x147: {  	[tilespmem:$0x1060] =	vst v50;
	v60 =	vld [tilespmem:$0x9D0];
	v15 =	vadd.f32 v62, v51;
	v12 =	vadd.f32 v45, v12  }
0x148: {  	[tilespmem:$0x1090] =	vst v57;
	v56 =	vld [tilespmem:$0xDC0];
	v45 =	vadd.f32 v11, v0;
	v51 =	vadd.f32 v5, v0  }
0x149: {  	v28 =	vld [tilespmem:$0xBD0];
	[tilespmem:$0x1110] =	vst v39;
	v32 =	vadd.f32 v52, v49;
	v49 =	vadd.f32 v27, v0  }
0x14a: {  	v41 =	vld [tilespmem:$0x7F0];
	[tilespmem:$0x10B0] =	vst v61;
	v52 =	vadd.f32 v38, v36;
	v15 =	vadd.f32 v63, v15  }
0x14b: {  	[tilespmem:$0x1100] =	vst v37;
	v63 =	vadd.f32 v44, v0;
	v12 =	vadd.f32 v47, v12;
	v44 =	vld [tilespmem:$0x9F0]  }
0x14c: {  	v50 =	vld [tilespmem:$0xDE0];
	[tilespmem:$0x1120] =	vst v42;
	v47 =	vadd.f32 v20, v0;
	v35 =	vadd.f32 v60, v58  }
0x14d: {  	v30 =	vld [tilespmem:$0xDD0];
	[tilespmem:$0x1190] =	vst v59;
	v10 =	vadd.f32 v54, v32;
	v54 =	vadd.f32 v7, v0  }
0x14e: {  	v62 =	vld [tilespmem:$0xFC0];
	[tilespmem:$0x1130] =	vst v45;
	v5 =	vadd.f32 v46, v52;
	v15 =	vadd.f32 v26, v15  }
0x14f: {  	v55 =	vld [tilespmem:$0xFE0];
	[tilespmem:$0x1160] =	vst v51;
	v40 =	vadd.f32 v28, v35;
	v43 =	vadd.f32 v56, v10  }
0x150: {  	v33 =	vld [tilespmem:$0xFD0];
	[tilespmem:$0x1150] =	vst v49;
	v56 =	vadd.f32 v8, v0;
	v4 =	vadd.f32 v44, v41  }
0x151: {  	v57 =	vld [tilespmem:$0xFF0];
	[tilespmem:$0x10C0] =	vst v63;
	v60 =	vadd.f32 v50, v5;
	v61 =	vadd.f32 v15, v0  }
0x152: {  	[tilespmem:$0x1140] =	vst v47;
	v2 =	vadd.f32 v30, v40;
	v58 =	vadd.f32 v48, v4  }
0x153: {  	[tilespmem:$0x1170] =	vst v54;
	v9 =	vadd.f32 v62, v43;
	v62 =	vadd.f32 v12, v0  }
0x154: {  	[tilespmem:$0x1180] =	vst v56;
	v3 =	vadd.f32 v55, v60;
	v1 =	vadd.f32 v53, v58  }
0x155: {  	[tilespmem:$0x11A0] =	vst v61;
	v2 =	vadd.f32 v33, v2;
	v63 =	vadd.f32 v9, v0  }
0x156: {  	[tilespmem:$0x11B0] =	vst v62;
	v3 =	vadd.f32 v3, v0;
	v1 =	vadd.f32 v57, v1  }
0x157: {  	v2 =	vadd.f32 v2, v0;
	[tilespmem:$0x11C0] =	vst v63  }
0x158: {  	[tilespmem:$0x11E0] =	vst v3;
	v0 =	vadd.f32 v1, v0  }
0x159: {  	p0 =	sne.s32 s8, $0x1;
	[tilespmem:$0x11D0] =	vst v2  }
.Ltmp0:
0x15a: {  	s19 =	rddreg [dreg:$0xf];
	[tilespmem:$0x11F0] =	vst v0;
	(pc) =	sbr.rel @p0 .LBB2_1-.Ltmp0, $4  }
0x15b: {  	[hbm4b:s19+s7] =	stream.linear.scatter [tilespmem:s31], [sflag:$0x5], $0x200, $0x38;
	[tilespmem:$0x1280] =	vst v63  }
0x15c: {  	_ =	swait.ge [sflag:s3], $0x200  }
0x15d: {  	[sflag:s3] =	ssyncset.done $0x0  }
0x15e: {  	s8 =	sadd.s32 $0xFFFFFFFF, s8;
	[sflag:s3] =	ssyncadd.s32 $0xFFFFFE00  }
0x15f: {  	_ =	sfence.sel $0x180000  }
0x160: {  	[bflag:$0x0] =	sbarrier.arrive $0xFFFF  }
0x161: {  	_ =	strace $0x90000047  }
0x162: {  	s0 =	stileid.u32;
	[bflag:$0x2] =	sbarrier.arrive $0xFFFF  }
0x163: {  	p0 =	sne.s32 s0, $0x0;
	s0 =	rddreg [dreg:$0xa]  }
0x164: {  	s0 =	sadd.s32 @!p0 $0x100000, s0  }
0x165: {  	[sflag:s0] =	ssyncadd.tile.s32 @!p0 $0x1;
	_ =	shalt  }
.Lfunc_end2:
_tile_overlayer_lowered:
.L_overlay_start_2:
0x166: {  	(tag) =	ssettag $0x2  }
0x167: {  	s0 =	rddreg [dreg:$0x0];
	s2 =	stileid.u32  }
0x168: {  	s1 =	rddreg [dreg:$0x1];
	p0 =	sne.s32 s2, $0x0  }
0x169: {  	s3 =	rddreg [dreg:$0x2];
	[bflag:$0x3] =	sbarrier.arrive $0xFFFF;
	s2 =	simm.s32 @!p0 $0x1C05  }
0x16a: {  	[timem:s3], [sflag:s2] =	dma.local @!p0 [hbm:s0], s1  }
0x16b: {  	s0 =	simm.s32 @!p0 $0x5  }
0x16c: {  	_ =	swait.ge @!p0 [sflag:s0], s1  }
0x16d: {  	s1 =	ssub.s32 @!p0 $0x0, s1;
	[sflag:s0] =	ssyncset.done @!p0 $0x0  }
0x16e: {  	[sflag:s0] =	ssyncadd.s32 @!p0 s1  }
0x16f: {  	[bflag:$0x3] =	sbarrier.arrive $0xFFFF  }
0x170: {  	_ =	shalt  }

</sc_bundles>
